<compile_context>
chip_gen: v7x
topology: tpu7x:2x2x1
jax: 0.10.2.dev20260603
libtpu: 0.0.44.dev20260713+nightly
codegen_flags: <defaults>
</compile_context>

<pallas_src>
import functools

import jax
import jax.numpy as jnp
from jax import lax
from jax.experimental import pallas as pl
from jax.experimental.pallas import tpu as pltpu
from jax.experimental.pallas import tpu_sc as plsc

F32 = jnp.float32
EMB = 64
N_NODES = 10000
N_EDGES = 320000
NUM_GRAPHS = 64
CHUNK = 128
N_CHUNKS = N_EDGES // CHUNK
NSC = 2
NW = 16 * NSC
PH_ROWS = 3336
DUMMY = PH_ROWS
ACC_ROWS = PH_ROWS + 8
ROWS_MAIN = 208
EDGE_BLK = 8000



def _mm_ln_body(x_ref, w_ref, b_ref, g_ref, bt_ref, o_ref):
    y = jnp.dot(x_ref[...], w_ref[...], preferred_element_type=F32) + b_ref[...]
    mu = jnp.mean(y, axis=1, keepdims=True)
    var = jnp.mean((y - mu) ** 2, axis=1, keepdims=True)
    o_ref[...] = (y - mu) / jnp.sqrt(var + 1e-5) * g_ref[...] + bt_ref[...]


def _lt_ln(x, lt, bn):
    W, b = lt
    g, bt = bn
    n = x.shape[0]
    return pl.pallas_call(
        _mm_ln_body,
        out_shape=jax.ShapeDtypeStruct((n, W.shape[1]), F32),
    )(x, W, b.reshape(1, -1), g.reshape(1, -1), bt.reshape(1, -1))


def _mm_body(x_ref, w_ref, b_ref, o_ref):
    o_ref[...] = jnp.dot(x_ref[...], w_ref[...], preferred_element_type=F32) + b_ref[...]


def _edge_emb_ce_body(ea_ref, w_ref, b_ref, cw_ref, cb_ref, e_out, ce_out):
    e0 = jnp.dot(ea_ref[...], w_ref[...], preferred_element_type=F32) + b_ref[...]
    e_out[...] = e0
    ce_out[...] = jnp.dot(e0, cw_ref[...], preferred_element_type=F32) + cb_ref[...]


def _edge_emb_ce(ea, emb, c1):
    grid = N_EDGES // EDGE_BLK
    k = emb[0].shape[0]
    return pl.pallas_call(
        _edge_emb_ce_body,
        grid=(grid,),
        in_specs=[
            pl.BlockSpec((EDGE_BLK, k), lambda i: (i, 0)),
            pl.BlockSpec((k, EMB), lambda i: (0, 0)),
            pl.BlockSpec((1, EMB), lambda i: (0, 0)),
            pl.BlockSpec((EMB, EMB), lambda i: (0, 0)),
            pl.BlockSpec((1, EMB), lambda i: (0, 0)),
        ],
        out_specs=[
            pl.BlockSpec((EDGE_BLK, EMB), lambda i: (i, 0)),
            pl.BlockSpec((EDGE_BLK, EMB), lambda i: (i, 0)),
        ],
        out_shape=[
            jax.ShapeDtypeStruct((N_EDGES, EMB), F32),
            jax.ShapeDtypeStruct((N_EDGES, EMB), F32),
        ],
    )(ea, emb[0], emb[1].reshape(1, -1), c1[0], c1[1].reshape(1, -1))


def _edge_linear(e, lt):
    W, b = lt
    k, dout = W.shape
    grid = N_EDGES // EDGE_BLK
    return pl.pallas_call(
        _mm_body,
        grid=(grid,),
        in_specs=[
            pl.BlockSpec((EDGE_BLK, k), lambda i: (i, 0)),
            pl.BlockSpec((k, dout), lambda i: (0, 0)),
            pl.BlockSpec((1, dout), lambda i: (0, 0)),
        ],
        out_specs=pl.BlockSpec((EDGE_BLK, dout), lambda i: (i, 0)),
        out_shape=jax.ShapeDtypeStruct((N_EDGES, dout), F32),
    )(e, W, b.reshape(1, -1))


def _node3_body(x_ref, w_ref, b_ref, ax_ref, dx_ref, eb_ref):
    y = jnp.dot(x_ref[...], w_ref[...], preferred_element_type=F32) + b_ref[...]
    ax_ref[...] = y[:, :EMB]
    dx_ref[:, :EMB] = y[:, EMB:2 * EMB]
    dx_ref[:, EMB:] = jnp.zeros((N_NODES, EMB), F32)
    eb_ref[...] = y[:, 2 * EMB:]


def _node3(x, W, b):
    return pl.pallas_call(
        _node3_body,
        out_shape=[
            jax.ShapeDtypeStruct((N_NODES, EMB), F32),
            jax.ShapeDtypeStruct((N_NODES, 2 * EMB), F32),
            jax.ShapeDtypeStruct((N_NODES, 2 * EMB), F32),
        ],
    )(x, W, b.reshape(1, -1))


def _post_full_body(acc_ref, ax_ref, xin_ref, b_ref, g2_ref, b2_ref,
                    w2_ref, bw2_ref, g3_ref, b3_ref, wn_ref, bwn_ref,
                    gn_ref, btn_ref, w4_ref, b4_ref,
                    pool_ref, xn_ref, axn_ref, dxn_ref, ebn_ref):
    t = acc_ref[0] + acc_ref[1]
    seg0 = t[:PH_ROWS]
    seg1 = t[PH_ROWS:2 * PH_ROWS] - t[:PH_ROWS]
    seg2 = t[2 * PH_ROWS:] - t[PH_ROWS:PH_ROWS + (N_NODES - 2 * PH_ROWS)]
    acc_full = jnp.concatenate([seg0, seg1, seg2], axis=0)
    ssx = acc_full[:, :EMB]
    ss = acc_full[:, EMB:]
    xn = ax_ref[...] + ssx / (ss + 1e-6)
    mu = jnp.mean(xn, axis=0, keepdims=True)
    var = jnp.mean((xn - mu) ** 2, axis=0, keepdims=True)
    xn = jnp.maximum((xn - mu) / jnp.sqrt(var + 1e-5), 0.0)
    x1 = xin_ref[...] + xn
    mu = jnp.mean(x1, axis=1, keepdims=True)
    var = jnp.mean((x1 - mu) ** 2, axis=1, keepdims=True)
    x1 = (x1 - mu) / jnp.sqrt(var + 1e-5) * g2_ref[...] + b2_ref[...]
    y = jnp.dot(x1, w2_ref[...], preferred_element_type=F32) + bw2_ref[...]
    mu = jnp.mean(y, axis=1, keepdims=True)
    var = jnp.mean((y - mu) ** 2, axis=1, keepdims=True)
    xp = (y - mu) / jnp.sqrt(var + 1e-5) * g3_ref[...] + b3_ref[...]

    bv = b_ref[...]
    rows = lax.broadcasted_iota(jnp.int32, (NUM_GRAPHS, 2 * EMB), 0)

    def g_body(g, out):
        m = bv == g
        cnt = jnp.sum(m.astype(F32))
        sm = jnp.sum(jnp.where(m, xp, 0.0), axis=0)
        mx = jnp.max(jnp.where(m, xp, -jnp.inf), axis=0)
        row = jnp.concatenate([mx, sm / jnp.maximum(cnt, 1.0)])
        return jnp.where(rows == g, row[None, :], out)

    pool_ref[...] = lax.fori_loop(0, NUM_GRAPHS, g_body,
                                  jnp.zeros((NUM_GRAPHS, 2 * EMB), F32))

    y = jnp.dot(xp, wn_ref[...], preferred_element_type=F32) + bwn_ref[...]
    mu = jnp.mean(y, axis=1, keepdims=True)
    var = jnp.mean((y - mu) ** 2, axis=1, keepdims=True)
    xnext = (y - mu) / jnp.sqrt(var + 1e-5) * gn_ref[...] + btn_ref[...]
    xn_ref[...] = xnext
    y4 = jnp.dot(xnext, w4_ref[...], preferred_element_type=F32) + b4_ref[...]
    axn_ref[...] = y4[:, :EMB]
    dxn_ref[:, :EMB] = y4[:, EMB:2 * EMB]
    dxn_ref[:, EMB:] = jnp.zeros((N_NODES, EMB), F32)
    ebn_ref[...] = y4[:, 2 * EMB:]


def _post_full(acc, ax, xin, batch2d, cp):
    return pl.pallas_call(
        _post_full_body,
        out_shape=[
            jax.ShapeDtypeStruct((NUM_GRAPHS, 2 * EMB), F32),
            jax.ShapeDtypeStruct((N_NODES, EMB), F32),
            jax.ShapeDtypeStruct((N_NODES, EMB), F32),
            jax.ShapeDtypeStruct((N_NODES, 2 * EMB), F32),
            jax.ShapeDtypeStruct((N_NODES, 2 * EMB), F32),
        ],
    )(acc, ax, xin, batch2d,
      cp['g2'].reshape(1, -1), cp['bt2'].reshape(1, -1),
      cp['w2'], cp['bw2'].reshape(1, -1),
      cp['g3'].reshape(1, -1), cp['bt3'].reshape(1, -1),
      cp['wn'], cp['bwn'].reshape(1, -1),
      cp['gn'].reshape(1, -1), cp['btn'].reshape(1, -1),
      cp['w4n'], cp['b4n'].reshape(1, -1))


def _edge_bn_ce_body(eij_ref, e_ref, st_ref, cw_ref, cb_ref, e_out, ce_out):
    st = st_ref[...]
    s = jnp.sum(st[:, :EMB], axis=0, keepdims=True)
    q = jnp.sum(st[:, EMB:], axis=0, keepdims=True)
    mu = s / N_EDGES
    var = q / N_EDGES - mu * mu
    en = e_ref[...] + jnp.maximum((eij_ref[...] - mu) / jnp.sqrt(var + 1e-5), 0.0)
    e_out[...] = en
    ce_out[...] = jnp.dot(en, cw_ref[...], preferred_element_type=F32) + cb_ref[...]


def _edge_bn_ce(eij, e, stats, cw, cb):
    grid = N_EDGES // EDGE_BLK
    return pl.pallas_call(
        _edge_bn_ce_body,
        grid=(grid,),
        in_specs=[
            pl.BlockSpec((EDGE_BLK, EMB), lambda i: (i, 0)),
            pl.BlockSpec((EDGE_BLK, EMB), lambda i: (i, 0)),
            pl.BlockSpec((NW, 2 * EMB), lambda i: (0, 0)),
            pl.BlockSpec((EMB, EMB), lambda i: (0, 0)),
            pl.BlockSpec((1, EMB), lambda i: (0, 0)),
        ],
        out_specs=[
            pl.BlockSpec((EDGE_BLK, EMB), lambda i: (i, 0)),
            pl.BlockSpec((EDGE_BLK, EMB), lambda i: (i, 0)),
        ],
        out_shape=[
            jax.ShapeDtypeStruct((N_EDGES, EMB), F32),
            jax.ShapeDtypeStruct((N_EDGES, EMB), F32),
        ],
    )(eij, e, stats, cw, cb.reshape(1, -1))


def _classifier_body(x1_ref, x2_ref, x3_ref, w1_ref, b1_ref, g_ref, bt_ref,
                     w2_ref, b2_ref, o_ref):
    h = x1_ref[...] + x2_ref[...] + x3_ref[...]
    h = jnp.maximum(jnp.dot(h, w1_ref[...], preferred_element_type=F32) + b1_ref[...], 0.0)
    mu = jnp.mean(h, axis=1, keepdims=True)
    var = jnp.mean((h - mu) ** 2, axis=1, keepdims=True)
    h = (h - mu) / jnp.sqrt(var + 1e-5) * g_ref[...] + bt_ref[...]
    o_ref[...] = jnp.dot(h, w2_ref[...], preferred_element_type=F32) + b2_ref[...]


def _classifier(x1, x2, x3, c1, bnl, c2):
    return pl.pallas_call(
        _classifier_body,
        out_shape=jax.ShapeDtypeStruct((NUM_GRAPHS, c2[0].shape[1]), F32),
    )(x1, x2, x3, c1[0], c1[1].reshape(1, -1),
      bnl[0].reshape(1, -1), bnl[1].reshape(1, -1),
      c2[0], c2[1].reshape(1, -1))



def _edge_pass(dxT, ebT, ce, src, dst):
    mesh = plsc.VectorSubcoreMesh(core_axis_name="c", subcore_axis_name="s", num_cores=NSC)

    @functools.partial(
        pl.kernel,
        out_type=[
            jax.ShapeDtypeStruct((N_EDGES, EMB), F32),
            jax.ShapeDtypeStruct((NSC, N_NODES, 2 * EMB), F32),
            jax.ShapeDtypeStruct((NW, 1, 2 * EMB), F32),
            jax.ShapeDtypeStruct((N_EDGES, 2 * EMB), F32),
        ],
        scratch_types=[
            pltpu.VMEM((CHUNK,), jnp.int32),
            pltpu.VMEM((CHUNK,), jnp.int32),
            pltpu.VMEM((CHUNK,), jnp.int32),
            pltpu.VMEM((CHUNK, 2 * EMB), F32),
            pltpu.VMEM((CHUNK, 2 * EMB), F32),
            pltpu.VMEM((CHUNK, EMB), F32),
            pltpu.VMEM((CHUNK, EMB), F32),
            pltpu.VMEM((CHUNK, 2 * EMB), F32),
            pltpu.VMEM((1, 2 * EMB), F32),
            pltpu.VMEM((104, 2 * EMB), F32),
            pltpu.VMEM_SHARED((ACC_ROWS, 2 * EMB), F32),
            pltpu.SemaphoreType.DMA,
            pltpu.SemaphoreType.DMA,
        ],
        mesh=mesh,
    )
    def edge_kernel(dx_hbm, eb_hbm, ce_hbm, src_hbm, dst_hbm,
                    eij_o, acc_o, st_o, sv_o,
                    src_v, dst_v, idx_v, dxv, ebv, cev, eijv, scatv, statv,
                    zbuf, acc_sh, sem1, sem2):
        cid = lax.axis_index("c")
        sid = lax.axis_index("s")
        wid = sid * NSC + cid

        zv = jnp.zeros((16,), F32)

        def zb_body(r, carry):
            for c in range(8):
                zbuf[r, pl.ds(c * 16, 16)] = zv
            return carry

        lax.fori_loop(0, 104, zb_body, 0)

        for k in range(2):
            pltpu.sync_copy(zbuf.at[pl.ds(0, 104)],
                            acc_sh.at[pl.ds(sid * ROWS_MAIN + k * 104, 104)])

        @pl.when(sid == 15)
        def _zero_tail():
            pltpu.sync_copy(zbuf.at[pl.ds(0, 16)],
                            acc_sh.at[pl.ds(16 * ROWS_MAIN, 16)])

        def copy_out(node_base, nrows):
            pltpu.sync_copy(acc_sh.at[pl.ds(sid * ROWS_MAIN, ROWS_MAIN)],
                            acc_o.at[cid, pl.ds(node_base + sid * ROWS_MAIN, ROWS_MAIN)])
            tail = nrows - 16 * ROWS_MAIN
            if tail:
                @pl.when(sid == 15)
                def _copy_tail():
                    pltpu.sync_copy(
                        acc_sh.at[pl.ds(16 * ROWS_MAIN, tail)],
                        acc_o.at[cid, pl.ds(node_base + 16 * ROWS_MAIN, tail)])

        plsc.subcore_barrier()

        n_chunks = jnp.where(wid < N_CHUNKS - (N_CHUNKS // NW) * NW,
                             N_CHUNKS // NW + 1, N_CHUNKS // NW)

        def chunk_body(j, st):
            chunk = wid + NW * j
            base = chunk * CHUNK
            pltpu.sync_copy(src_hbm.at[pl.ds(base, CHUNK)], src_v)
            pltpu.sync_copy(dst_hbm.at[pl.ds(base, CHUNK)], dst_v)
            g1 = pltpu.async_copy(dx_hbm.at[dst_v], dxv, sem1)
            g2 = pltpu.async_copy(eb_hbm.at[src_v], ebv, sem2)
            pltpu.sync_copy(ce_hbm.at[pl.ds(base, CHUNK)], cev)
            g1.wait()
            g2.wait()

            def row_body(r, st_in):
                out = list(st_in)
                for c in range(4):
                    sl = pl.ds(c * 16, 16)
                    slb = pl.ds(EMB + c * 16, 16)
                    eij = dxv[r, sl] + ebv[r, sl] + cev[r, sl]
                    sig = 1.0 / (1.0 + jnp.exp(-eij))
                    eijv[r, sl] = eij
                    scatv[r, sl] = sig * ebv[r, slb]
                    scatv[r, slb] = sig
                    out[c] = st_in[c] + eij
                    out[4 + c] = st_in[4 + c] + eij * eij
                return tuple(out)

            st = lax.fori_loop(0, CHUNK, row_body, st)
            for i in range(CHUNK // 16):
                d = dst_v[pl.ds(i * 16, 16)]
                idx_v[pl.ds(i * 16, 16)] = jnp.where(d < PH_ROWS, d, DUMMY)
            pltpu.sync_copy(eijv, eij_o.at[pl.ds(base, CHUNK)])
            pltpu.sync_copy(scatv, sv_o.at[pl.ds(base, CHUNK)])
            pltpu.sync_copy(scatv, acc_sh.at[idx_v], add=True)
            return st

        st0 = tuple(jnp.zeros((16,), F32) for _ in range(8))
        st = lax.fori_loop(0, n_chunks, chunk_body, st0)

        for c in range(4):
            statv[0, pl.ds(c * 16, 16)] = st[c]
            statv[0, pl.ds(EMB + c * 16, 16)] = st[4 + c]
        pltpu.sync_copy(statv, st_o.at[wid])

        plsc.subcore_barrier()
        copy_out(0, PH_ROWS)
        plsc.subcore_barrier()

        for ph in (1, 2):
            lo = ph * PH_ROWS
            hi = min((ph + 1) * PH_ROWS, N_NODES)

            def chunk_body2(j, carry, lo=lo, hi=hi):
                chunk = wid + NW * j
                base = chunk * CHUNK
                g = pltpu.async_copy(sv_o.at[pl.ds(base, CHUNK)], scatv, sem1)
                pltpu.sync_copy(dst_hbm.at[pl.ds(base, CHUNK)], dst_v)
                for i in range(CHUNK // 16):
                    d = dst_v[pl.ds(i * 16, 16)]
                    idx_v[pl.ds(i * 16, 16)] = jnp.where(
                        (d >= lo) & (d < hi), d - lo, DUMMY)
                g.wait()
                pltpu.sync_copy(scatv, acc_sh.at[idx_v], add=True)
                return carry

            lax.fori_loop(0, n_chunks, chunk_body2, 0)
            plsc.subcore_barrier()
            copy_out(lo, hi - lo)
            plsc.subcore_barrier()

    eij, acc, st, _sv = edge_kernel(dxT, ebT, ce, src, dst)
    return eij, acc, st.reshape(NW, 2 * EMB)



def kernel(x, edge_index, edge_attr, batch_index, params):
    p = params
    src = edge_index[0]
    dst = edge_index[1]
    batch2d = batch_index.reshape(N_NODES, 1)

    e0, ce0 = _edge_emb_ce(edge_attr, p['edge_emb'], p['conv1']['C'])
    xx0 = _lt_ln(x, p['lt11'], p['bn11'])

    def stk(*a):
        return jnp.stack(a)

    convs = [p['conv1'], p['conv2'], p['conv3']]

    def w4_of(c):
        return jnp.concatenate([c['A'][0], c['D'][0], c['E'][0], c['B'][0]], axis=1)

    def b4_of(c):
        return jnp.concatenate([c['A'][1], c['D'][1], c['E'][1], c['B'][1]])

    ps = {
        'w4n': stk(w4_of(convs[1]), w4_of(convs[2]), w4_of(convs[2])),
        'b4n': stk(b4_of(convs[1]), b4_of(convs[2]), b4_of(convs[2])),
        'cwn': stk(p['conv2']['C'][0], p['conv3']['C'][0], p['conv3']['C'][0]),
        'cbn': stk(p['conv2']['C'][1], p['conv3']['C'][1], p['conv3']['C'][1]),
        'g2': stk(p['bn12'][0], p['bn22'][0], p['bn32'][0]),
        'bt2': stk(p['bn12'][1], p['bn22'][1], p['bn32'][1]),
        'w2': stk(p['lt12'][0], p['lt22'][0], p['lt32'][0]),
        'bw2': stk(p['lt12'][1], p['lt22'][1], p['lt32'][1]),
        'g3': stk(p['bn13'][0], p['bn23'][0], p['bn33'][0]),
        'bt3': stk(p['bn13'][1], p['bn23'][1], p['bn33'][1]),
        'wn': stk(p['lt21'][0], p['lt31'][0], p['lt31'][0]),
        'bwn': stk(p['lt21'][1], p['lt31'][1], p['lt31'][1]),
        'gn': stk(p['bn21'][0], p['bn31'][0], p['bn31'][0]),
        'btn': stk(p['bn21'][1], p['bn31'][1], p['bn31'][1]),
    }

    ax0, dx0, eb0 = _node3(xx0, w4_of(convs[0]), b4_of(convs[0]))

    def conv_step(carry, cp):
        xx, e, ce, ax, dxT, ebT = carry
        eij, acc, stats = _edge_pass(dxT, ebT, ce, src, dst)
        pool, xx2, ax2, dx2, eb2 = _post_full(acc, ax, xx, batch2d, cp)
        e2, ce2 = _edge_bn_ce(eij, e, stats, cp['cwn'], cp['cbn'])
        return (xx2, e2, ce2, ax2, dx2, eb2), pool

    _, pools = lax.scan(conv_step, (xx0, e0, ce0, ax0, dx0, eb0), ps)

    return _classifier(pools[0], pools[1], pools[2],
                       p['class1'], p['bnl'], p['class2'])

# --- scband reference (transcript-rebuilt; emitter-appended) ---
"""Pipeline reference for scband-brm-59674275611311 (READ-ONLY COPY).

The authoritative reference and input builder live on the scoring server;
editing this copy changes nothing except your own understanding.
"""

import jax, jax.numpy as jnp
import numpy as np

EMB = 64
NODE_FEAT = 128
EDGE_FEAT = 16
NUM_CLASSES = 10
NUM_GRAPHS = 64
N_NODES = 10000
N_EDGES = 320000


def _lin_init(key, din, dout):
    k1, k2 = jax.random.split(key)
    lim = 1.0 / np.sqrt(din)
    W = jax.random.uniform(k1, (din, dout), minval=-lim, maxval=lim, dtype=jnp.float32)
    b = jax.random.uniform(k2, (dout,), minval=-lim, maxval=lim, dtype=jnp.float32)
    return (W, b)


def _make_params(key):
    ks = iter(jax.random.split(key, 64))
    p = {}
    p['edge_emb'] = _lin_init(next(ks), EDGE_FEAT, EMB)
    p['lt11'] = _lin_init(next(ks), NODE_FEAT, EMB)
    for name in ['lt12', 'lt21', 'lt22', 'lt31', 'lt32']:
        p[name] = _lin_init(next(ks), EMB, EMB)
    for conv in ['conv1', 'conv2', 'conv3']:
        p[conv] = {m: _lin_init(next(ks), EMB, EMB) for m in ['A', 'B', 'C', 'D', 'E']}
    for ln in ['bn11', 'bn12', 'bn13', 'bn21', 'bn22', 'bn23', 'bn31', 'bn32', 'bn33']:
        p[ln] = (jnp.ones((EMB,), jnp.float32), jnp.zeros((EMB,), jnp.float32))
    p['bnl'] = (jnp.ones((256,), jnp.float32), jnp.zeros((256,), jnp.float32))
    p['class1'] = _lin_init(next(ks), 2 * EMB, 256)
    p['class2'] = _lin_init(next(ks), 256, NUM_CLASSES)
    return p


def setup_inputs(seed: int = 0):
    key = jax.random.key(seed)
    k1, k2, k3, k4, k5 = jax.random.split(key, 5)
    x = jax.random.normal(k1, (N_NODES, NODE_FEAT), dtype=jnp.float32)
    edge_index = jax.random.randint(k2, (2, N_EDGES), 0, N_NODES, dtype=jnp.int32)
    edge_attr = jax.random.normal(k3, (N_EDGES, EDGE_FEAT), dtype=jnp.float32)
    batch_index = jnp.sort(jax.random.randint(k4, (N_NODES,), 0, NUM_GRAPHS, dtype=jnp.int32))
    params = _make_params(k5)
    return {'x': x, 'edge_index': edge_index, 'edge_attr': edge_attr,
            'batch_index': batch_index, 'params': params}


def _linear(x, Wb):
    W, b = Wb
    return x @ W + b


def _layer_norm(x, gb, eps=1e-5):
    g, b = gb
    mu = jnp.mean(x, axis=-1, keepdims=True)
    var = jnp.var(x, axis=-1, keepdims=True)
    return (x - mu) / jnp.sqrt(var + eps) * g + b


def _batch_norm(x, eps=1e-5):
    mu = jnp.mean(x, axis=0, keepdims=True)
    var = jnp.var(x, axis=0, keepdims=True)
    return (x - mu) / jnp.sqrt(var + eps)


def _gated_gcn(x, e, src, dst, p):
    Ax = _linear(x, p['A'])
    Bx = _linear(x, p['B'])
    Ce = _linear(e, p['C'])
    Dx = _linear(x, p['D'])
    Ex = _linear(x, p['E'])
    e_ij = Dx[dst] + Ex[src] + Ce
    sigma = jax.nn.sigmoid(e_ij)
    n = x.shape[0]
    sum_sx = jax.ops.segment_sum(sigma * Bx[src], dst, num_segments=n)
    sum_s = jax.ops.segment_sum(sigma, dst, num_segments=n)
    x_new = Ax + sum_sx / (sum_s + 1e-6)
    x_new = jax.nn.relu(_batch_norm(x_new))
    e_new = jax.nn.relu(_batch_norm(e_ij))
    return x + x_new, e + e_new


def _pool(x, batch):
    mx = jax.ops.segment_max(x, batch, num_segments=NUM_GRAPHS)
    s = jax.ops.segment_sum(x, batch, num_segments=NUM_GRAPHS)
    cnt = jax.ops.segment_sum(jnp.ones((x.shape[0], 1), x.dtype), batch, num_segments=NUM_GRAPHS)
    return jnp.concatenate([mx, s / jnp.maximum(cnt, 1.0)], axis=1)


def _forward(x, edge_attr, params, edge_index, batch_index):
    src, dst = edge_index[0], edge_index[1]
    e = _linear(edge_attr, params['edge_emb'])
    x = _linear(x, params['lt11'])
    x = _layer_norm(x, params['bn11'])
    x, e = _gated_gcn(x, e, src, dst, params['conv1'])
    x = _layer_norm(x, params['bn12'])
    x = _linear(x, params['lt12'])
    x = _layer_norm(x, params['bn13'])
    x1 = _pool(x, batch_index)
    x = _linear(x, params['lt21'])
    x = _layer_norm(x, params['bn21'])
    x, e = _gated_gcn(x, e, src, dst, params['conv2'])
    x = _layer_norm(x, params['bn22'])
    x = _linear(x, params['lt22'])
    x = _layer_norm(x, params['bn23'])
    x2 = _pool(x, batch_index)
    x = _linear(x, params['lt31'])
    x = _layer_norm(x, params['bn31'])
    x, e = _gated_gcn(x, e, src, dst, params['conv3'])
    x = _layer_norm(x, params['bn32'])
    x = _linear(x, params['lt32'])
    x = _layer_norm(x, params['bn33'])
    x3 = _pool(x, batch_index)
    h = x1 + x2 + x3
    h = jax.nn.relu(_linear(h, params['class1']))
    h = _layer_norm(h, params['bnl'])
    return _linear(h, params['class2'])


def reference(x, edge_index, edge_attr, batch_index, params):
    return _forward(x, edge_attr, params, edge_index, batch_index)

if __name__ == "__main__":
    import jax
    _d = setup_inputs()
    print(jax.jit(kernel)(*tuple(_d.values())))

</pallas_src>

<mosaic_0001>
#map = affine_map<(d0, d1) -> (0, 0)>
#map1 = affine_map<(d0, d1) -> (0)>
#map2 = affine_map<(d0, d1) -> (0, 0, 0)>
module attributes {stable_mosaic.version = 14 : i64} {
  func.func @edge_kernel(%arg0: i32, %arg1: i32, %arg2: memref<10000x128xf32, #tpu.memory_space<hbm>>, %arg3: memref<10000x128xf32, #tpu.memory_space<hbm>>, %arg4: memref<320000x64xf32, #tpu.memory_space<hbm>>, %arg5: memref<320000xi32, #tpu.memory_space<hbm>>, %arg6: memref<320000xi32, #tpu.memory_space<hbm>>, %arg7: memref<320000x64xf32, #tpu.memory_space<hbm>>, %arg8: memref<2x10000x128xf32, #tpu.memory_space<hbm>>, %arg9: memref<32x1x128xf32, #tpu.memory_space<hbm>>, %arg10: memref<320000x128xf32, #tpu.memory_space<hbm>>, %arg11: memref<128xi32, #tpu.memory_space<vmem>>, %arg12: memref<128xi32, #tpu.memory_space<vmem>>, %arg13: memref<128xi32, #tpu.memory_space<vmem>>, %arg14: memref<128x128xf32, #tpu.memory_space<vmem>>, %arg15: memref<128x128xf32, #tpu.memory_space<vmem>>, %arg16: memref<128x64xf32, #tpu.memory_space<vmem>>, %arg17: memref<128x64xf32, #tpu.memory_space<vmem>>, %arg18: memref<128x128xf32, #tpu.memory_space<vmem>>, %arg19: memref<1x128xf32, #tpu.memory_space<vmem>>, %arg20: memref<104x128xf32, #tpu.memory_space<vmem>>, %arg21: memref<3344x128xf32, #tpu.memory_space<vmem_shared>>, %arg22: memref<!tpu.dma_semaphore, #tpu.memory_space<semaphore_mem>>, %arg23: memref<!tpu.dma_semaphore, #tpu.memory_space<semaphore_mem>>) attributes {dimension_semantics = [#tpu.dimension_semantics<core_parallel>, #tpu.dimension_semantics<subcore_parallel>], iteration_bounds = array<i64: 2, 16>, scalar_prefetch = 0 : i64, scratch_operands = 13 : i64, tpu.core_type = #tpu.core_type<sc_vector_subcore>, window_params = [{transform_indices = #map}, {transform_indices = #map}, {transform_indices = #map}, {transform_indices = #map1}, {transform_indices = #map1}, {transform_indices = #map}, {transform_indices = #map2}, {transform_indices = #map2}, {transform_indices = #map}]} {
    %mul3A = arith.constant 2 : i32
    %mul3A_0 = arith.muli %arg1, %mul3A : i32
    %add3A = arith.addi %mul3A_0, %arg0 : i32
    %broadcast_in_dim3A = arith.constant 0.000000e+00 : f32
    %broadcast_in_dim3A_1 = vector.broadcast %broadcast_in_dim3A : f32 to vector<16xf32>
    %scan3A = arith.constant 0 : i32
    %scan3A_2 = arith.constant 0 : i32
    %scan3A_3 = arith.constant 104 : i32
    %scan3A_4 = arith.addi %scan3A_2, %scan3A_3 : i32
    %scan3A_5 = arith.constant 1 : i32
    scf.for %scan3A_146 = %scan3A_2 to %scan3A_4 step %scan3A_5  : i32 {
      %swap3A_147 = arith.index_cast %scan3A_146 : i32 to index
      %swap3A_148 = arith.constant 0 : index
      %swap3A_149 = tpu.vector_load %arg20[%swap3A_147, %swap3A_148] {strides = array<i32>} : memref<104x128xf32, #tpu.memory_space<vmem>>, vector<1x16xf32>,
      %swap3A_150 = vector.shape_cast %swap3A_149 : vector<1x16xf32> to vector<16xf32>
      %swap3A_151 = vector.shape_cast %broadcast_in_dim3A_1 : vector<16xf32> to vector<1x16xf32>
      tpu.vector_store %arg20[%swap3A_147, %swap3A_148], %swap3A_151 {strides = array<i32>} : memref<104x128xf32, #tpu.memory_space<vmem>>, vector<1x16xf32>,
      %swap3A_152 = arith.index_cast %scan3A_146 : i32 to index
      %swap3A_153 = arith.constant 16 : index
      %swap3A_154 = tpu.vector_load %arg20[%swap3A_152, %swap3A_153] {strides = array<i32>} : memref<104x128xf32, #tpu.memory_space<vmem>>, vector<1x16xf32>,
      %swap3A_155 = vector.shape_cast %swap3A_154 : vector<1x16xf32> to vector<16xf32>
      %swap3A_156 = vector.shape_cast %broadcast_in_dim3A_1 : vector<16xf32> to vector<1x16xf32>
      tpu.vector_store %arg20[%swap3A_152, %swap3A_153], %swap3A_156 {strides = array<i32>} : memref<104x128xf32, #tpu.memory_space<vmem>>, vector<1x16xf32>,
      %swap3A_157 = arith.index_cast %scan3A_146 : i32 to index
      %swap3A_158 = arith.constant 32 : index
      %swap3A_159 = tpu.vector_load %arg20[%swap3A_157, %swap3A_158] {strides = array<i32>} : memref<104x128xf32, #tpu.memory_space<vmem>>, vector<1x16xf32>,
      %swap3A_160 = vector.shape_cast %swap3A_159 : vector<1x16xf32> to vector<16xf32>
      %swap3A_161 = vector.shape_cast %broadcast_in_dim3A_1 : vector<16xf32> to vector<1x16xf32>
      tpu.vector_store %arg20[%swap3A_157, %swap3A_158], %swap3A_161 {strides = array<i32>} : memref<104x128xf32, #tpu.memory_space<vmem>>, vector<1x16xf32>,
      %swap3A_162 = arith.index_cast %scan3A_146 : i32 to index
      %swap3A_163 = arith.constant 48 : index
      %swap3A_164 = tpu.vector_load %arg20[%swap3A_162, %swap3A_163] {strides = array<i32>} : memref<104x128xf32, #tpu.memory_space<vmem>>, vector<1x16xf32>,
      %swap3A_165 = vector.shape_cast %swap3A_164 : vector<1x16xf32> to vector<16xf32>
      %swap3A_166 = vector.shape_cast %broadcast_in_dim3A_1 : vector<16xf32> to vector<1x16xf32>
      tpu.vector_store %arg20[%swap3A_162, %swap3A_163], %swap3A_166 {strides = array<i32>} : memref<104x128xf32, #tpu.memory_space<vmem>>, vector<1x16xf32>,
      %swap3A_167 = arith.index_cast %scan3A_146 : i32 to index
      %swap3A_168 = arith.constant 64 : index
      %swap3A_169 = tpu.vector_load %arg20[%swap3A_167, %swap3A_168] {strides = array<i32>} : memref<104x128xf32, #tpu.memory_space<vmem>>, vector<1x16xf32>,
      %swap3A_170 = vector.shape_cast %swap3A_169 : vector<1x16xf32> to vector<16xf32>
      %swap3A_171 = vector.shape_cast %broadcast_in_dim3A_1 : vector<16xf32> to vector<1x16xf32>
      tpu.vector_store %arg20[%swap3A_167, %swap3A_168], %swap3A_171 {strides = array<i32>} : memref<104x128xf32, #tpu.memory_space<vmem>>, vector<1x16xf32>,
      %swap3A_172 = arith.index_cast %scan3A_146 : i32 to index
      %swap3A_173 = arith.constant 80 : index
      %swap3A_174 = tpu.vector_load %arg20[%swap3A_172, %swap3A_173] {strides = array<i32>} : memref<104x128xf32, #tpu.memory_space<vmem>>, vector<1x16xf32>,
      %swap3A_175 = vector.shape_cast %swap3A_174 : vector<1x16xf32> to vector<16xf32>
      %swap3A_176 = vector.shape_cast %broadcast_in_dim3A_1 : vector<16xf32> to vector<1x16xf32>
      tpu.vector_store %arg20[%swap3A_172, %swap3A_173], %swap3A_176 {strides = array<i32>} : memref<104x128xf32, #tpu.memory_space<vmem>>, vector<1x16xf32>,
      %swap3A_177 = arith.index_cast %scan3A_146 : i32 to index
      %swap3A_178 = arith.constant 96 : index
      %swap3A_179 = tpu.vector_load %arg20[%swap3A_177, %swap3A_178] {strides = array<i32>} : memref<104x128xf32, #tpu.memory_space<vmem>>, vector<1x16xf32>,
      %swap3A_180 = vector.shape_cast %swap3A_179 : vector<1x16xf32> to vector<16xf32>
      %swap3A_181 = vector.shape_cast %broadcast_in_dim3A_1 : vector<16xf32> to vector<1x16xf32>
      tpu.vector_store %arg20[%swap3A_177, %swap3A_178], %swap3A_181 {strides = array<i32>} : memref<104x128xf32, #tpu.memory_space<vmem>>, vector<1x16xf32>,
      %swap3A_182 = arith.index_cast %scan3A_146 : i32 to index
      %swap3A_183 = arith.constant 112 : index
      %swap3A_184 = tpu.vector_load %arg20[%swap3A_182, %swap3A_183] {strides = array<i32>} : memref<104x128xf32, #tpu.memory_space<vmem>>, vector<1x16xf32>,
      %swap3A_185 = vector.shape_cast %swap3A_184 : vector<1x16xf32> to vector<16xf32>
      %swap3A_186 = vector.shape_cast %broadcast_in_dim3A_1 : vector<16xf32> to vector<1x16xf32>
      tpu.vector_store %arg20[%swap3A_182, %swap3A_183], %swap3A_186 {strides = array<i32>} : memref<104x128xf32, #tpu.memory_space<vmem>>, vector<1x16xf32>,
    }
    %scan3A_6 = arith.constant 104 : i32
    %mul3A_7 = arith.constant 208 : i32
    %mul3A_8 = arith.muli %arg1, %mul3A_7 : i32
    %add3A_9 = arith.constant 0 : i32
    %add3A_10 = arith.addi %mul3A_8, %add3A_9 : i32
    "tpu.region"() ({
      %run_scoped3A = tpu.sem_alloc : memref<!tpu.dma_semaphore, #tpu.memory_space<semaphore_mem>>
      %dma_start3A = arith.constant 0 : i32
      %dma_start3A_146 = arith.constant 0 : i32
      %dma_start3A_147 = tpu.memref_slice %arg20[%dma_start3A, %dma_start3A_146] : memref<104x128xf32, #tpu.memory_space<vmem>> -> memref<104x128xf32, #tpu.memory_space<vmem>>
      %dma_start3A_148 = arith.constant 0 : i32
      %dma_start3A_149 = tpu.memref_slice %arg21[%add3A_10, %dma_start3A_148] : memref<3344x128xf32, #tpu.memory_space<vmem_shared>> -> memref<104x128xf32, #tpu.memory_space<vmem_shared>>
      %dma_start3A_150 = arith.constant 0 : i32
      %dma_start3A_151 = tpu.memref_slice %arg21[%add3A_10, %dma_start3A_150] : memref<3344x128xf32, #tpu.memory_space<vmem_shared>> -> memref<104x128xf32, #tpu.memory_space<vmem_shared>>
      %dma_start3A_152 = arith.constant 0 : i32
      %dma_start3A_153 = arith.constant 0 : i32
      %dma_start3A_154 = tpu.memref_slice %arg20[%dma_start3A_152, %dma_start3A_153] : memref<104x128xf32, #tpu.memory_space<vmem>> -> memref<104x128xf32, #tpu.memory_space<vmem>>
      tpu.enqueue_dma source(%dma_start3A_154 : memref<104x128xf32, #tpu.memory_space<vmem>>) target(%dma_start3A_151 : memref<104x128xf32, #tpu.memory_space<vmem_shared>>) target_semaphore(%run_scoped3A : memref<!tpu.dma_semaphore, #tpu.memory_space<semaphore_mem>>)
      %dma_wait3A = arith.constant 0 : i32
      %dma_wait3A_155 = arith.constant 0 : i32
      %dma_wait3A_156 = tpu.memref_slice %arg20[%dma_wait3A, %dma_wait3A_155] : memref<104x128xf32, #tpu.memory_space<vmem>> -> memref<104x128xf32, #tpu.memory_space<vmem>>
      %dma_wait3A_157 = arith.constant 0 : i32
      %dma_wait3A_158 = tpu.memref_slice %arg21[%add3A_10, %dma_wait3A_157] : memref<3344x128xf32, #tpu.memory_space<vmem_shared>> -> memref<104x128xf32, #tpu.memory_space<vmem_shared>>
      %dma_wait3A_159 = arith.constant 0 : i32
      %dma_wait3A_160 = tpu.memref_slice %arg21[%add3A_10, %dma_wait3A_159] : memref<3344x128xf32, #tpu.memory_space<vmem_shared>> -> memref<104x128xf32, #tpu.memory_space<vmem_shared>>
      %dma_wait3A_161 = arith.constant 0 : i32
      %dma_wait3A_162 = arith.constant 0 : i32
      %dma_wait3A_163 = tpu.memref_slice %arg20[%dma_wait3A_161, %dma_wait3A_162] : memref<104x128xf32, #tpu.memory_space<vmem>> -> memref<104x128xf32, #tpu.memory_space<vmem>>
      tpu.wait_dma2 semaphore(%run_scoped3A : memref<!tpu.dma_semaphore, #tpu.memory_space<semaphore_mem>>) src(%dma_wait3A_163 : memref<104x128xf32, #tpu.memory_space<vmem>>) dst(%dma_wait3A_160 : memref<104x128xf32, #tpu.memory_space<vmem_shared>>)
      tpu.yield
    }) : () -> ()
    %mul3A_11 = arith.constant 208 : i32
    %mul3A_12 = arith.muli %arg1, %mul3A_11 : i32
    %add3A_13 = arith.constant 104 : i32
    %add3A_14 = arith.addi %mul3A_12, %add3A_13 : i32
    "tpu.region"() ({
      %run_scoped3A = tpu.sem_alloc : memref<!tpu.dma_semaphore, #tpu.memory_space<semaphore_mem>>
      %dma_start3A = arith.constant 0 : i32
      %dma_start3A_146 = arith.constant 0 : i32
      %dma_start3A_147 = tpu.memref_slice %arg20[%dma_start3A, %dma_start3A_146] : memref<104x128xf32, #tpu.memory_space<vmem>> -> memref<104x128xf32, #tpu.memory_space<vmem>>
      %dma_start3A_148 = arith.constant 0 : i32
      %dma_start3A_149 = tpu.memref_slice %arg21[%add3A_14, %dma_start3A_148] : memref<3344x128xf32, #tpu.memory_space<vmem_shared>> -> memref<104x128xf32, #tpu.memory_space<vmem_shared>>
      %dma_start3A_150 = arith.constant 0 : i32
      %dma_start3A_151 = tpu.memref_slice %arg21[%add3A_14, %dma_start3A_150] : memref<3344x128xf32, #tpu.memory_space<vmem_shared>> -> memref<104x128xf32, #tpu.memory_space<vmem_shared>>
      %dma_start3A_152 = arith.constant 0 : i32
      %dma_start3A_153 = arith.constant 0 : i32
      %dma_start3A_154 = tpu.memref_slice %arg20[%dma_start3A_152, %dma_start3A_153] : memref<104x128xf32, #tpu.memory_space<vmem>> -> memref<104x128xf32, #tpu.memory_space<vmem>>
      tpu.enqueue_dma source(%dma_start3A_154 : memref<104x128xf32, #tpu.memory_space<vmem>>) target(%dma_start3A_151 : memref<104x128xf32, #tpu.memory_space<vmem_shared>>) target_semaphore(%run_scoped3A : memref<!tpu.dma_semaphore, #tpu.memory_space<semaphore_mem>>)
      %dma_wait3A = arith.constant 0 : i32
      %dma_wait3A_155 = arith.constant 0 : i32
      %dma_wait3A_156 = tpu.memref_slice %arg20[%dma_wait3A, %dma_wait3A_155] : memref<104x128xf32, #tpu.memory_space<vmem>> -> memref<104x128xf32, #tpu.memory_space<vmem>>
      %dma_wait3A_157 = arith.constant 0 : i32
      %dma_wait3A_158 = tpu.memref_slice %arg21[%add3A_14, %dma_wait3A_157] : memref<3344x128xf32, #tpu.memory_space<vmem_shared>> -> memref<104x128xf32, #tpu.memory_space<vmem_shared>>
      %dma_wait3A_159 = arith.constant 0 : i32
      %dma_wait3A_160 = tpu.memref_slice %arg21[%add3A_14, %dma_wait3A_159] : memref<3344x128xf32, #tpu.memory_space<vmem_shared>> -> memref<104x128xf32, #tpu.memory_space<vmem_shared>>
      %dma_wait3A_161 = arith.constant 0 : i32
      %dma_wait3A_162 = arith.constant 0 : i32
      %dma_wait3A_163 = tpu.memref_slice %arg20[%dma_wait3A_161, %dma_wait3A_162] : memref<104x128xf32, #tpu.memory_space<vmem>> -> memref<104x128xf32, #tpu.memory_space<vmem>>
      tpu.wait_dma2 semaphore(%run_scoped3A : memref<!tpu.dma_semaphore, #tpu.memory_space<semaphore_mem>>) src(%dma_wait3A_163 : memref<104x128xf32, #tpu.memory_space<vmem>>) dst(%dma_wait3A_160 : memref<104x128xf32, #tpu.memory_space<vmem_shared>>)
      tpu.yield
    }) : () -> ()
    %eq3A = arith.constant 15 : i32
    %eq3A_15 = arith.cmpi eq, %arg1, %eq3A : i32
    %convert_element_type3A = arith.extui %eq3A_15 : i1 to i32
    %cond3A = arith.constant 0 : i32
    %cond3A_16 = arith.cmpi ne, %convert_element_type3A, %cond3A : i32
    scf.if %cond3A_16 {
      "tpu.region"() ({
        %run_scoped3A = tpu.sem_alloc : memref<!tpu.dma_semaphore, #tpu.memory_space<semaphore_mem>>
        %dma_start3A = arith.constant 0 : i32
        %dma_start3A_146 = arith.constant 0 : i32
        %dma_start3A_147 = tpu.memref_slice %arg20[%dma_start3A, %dma_start3A_146] : memref<104x128xf32, #tpu.memory_space<vmem>> -> memref<16x128xf32, #tpu.memory_space<vmem>>
        %dma_start3A_148 = arith.constant 3328 : i32
        %dma_start3A_149 = arith.constant 0 : i32
        %dma_start3A_150 = tpu.memref_slice %arg21[%dma_start3A_148, %dma_start3A_149] : memref<3344x128xf32, #tpu.memory_space<vmem_shared>> -> memref<16x128xf32, #tpu.memory_space<vmem_shared>>
        %dma_start3A_151 = arith.constant 3328 : i32
        %dma_start3A_152 = arith.constant 0 : i32
        %dma_start3A_153 = tpu.memref_slice %arg21[%dma_start3A_151, %dma_start3A_152] : memref<3344x128xf32, #tpu.memory_space<vmem_shared>> -> memref<16x128xf32, #tpu.memory_space<vmem_shared>>
        %dma_start3A_154 = arith.constant 0 : i32
        %dma_start3A_155 = arith.constant 0 : i32
        %dma_start3A_156 = tpu.memref_slice %arg20[%dma_start3A_154, %dma_start3A_155] : memref<104x128xf32, #tpu.memory_space<vmem>> -> memref<16x128xf32, #tpu.memory_space<vmem>>
        tpu.enqueue_dma source(%dma_start3A_156 : memref<16x128xf32, #tpu.memory_space<vmem>>) target(%dma_start3A_153 : memref<16x128xf32, #tpu.memory_space<vmem_shared>>) target_semaphore(%run_scoped3A : memref<!tpu.dma_semaphore, #tpu.memory_space<semaphore_mem>>)
        %dma_wait3A = arith.constant 0 : i32
        %dma_wait3A_157 = arith.constant 0 : i32
        %dma_wait3A_158 = tpu.memref_slice %arg20[%dma_wait3A, %dma_wait3A_157] : memref<104x128xf32, #tpu.memory_space<vmem>> -> memref<16x128xf32, #tpu.memory_space<vmem>>
        %dma_wait3A_159 = arith.constant 3328 : i32
        %dma_wait3A_160 = arith.constant 0 : i32
        %dma_wait3A_161 = tpu.memref_slice %arg21[%dma_wait3A_159, %dma_wait3A_160] : memref<3344x128xf32, #tpu.memory_space<vmem_shared>> -> memref<16x128xf32, #tpu.memory_space<vmem_shared>>
        %dma_wait3A_162 = arith.constant 3328 : i32
        %dma_wait3A_163 = arith.constant 0 : i32
        %dma_wait3A_164 = tpu.memref_slice %arg21[%dma_wait3A_162, %dma_wait3A_163] : memref<3344x128xf32, #tpu.memory_space<vmem_shared>> -> memref<16x128xf32, #tpu.memory_space<vmem_shared>>
        %dma_wait3A_165 = arith.constant 0 : i32
        %dma_wait3A_166 = arith.constant 0 : i32
        %dma_wait3A_167 = tpu.memref_slice %arg20[%dma_wait3A_165, %dma_wait3A_166] : memref<104x128xf32, #tpu.memory_space<vmem>> -> memref<16x128xf32, #tpu.memory_space<vmem>>
        tpu.wait_dma2 semaphore(%run_scoped3A : memref<!tpu.dma_semaphore, #tpu.memory_space<semaphore_mem>>) src(%dma_wait3A_167 : memref<16x128xf32, #tpu.memory_space<vmem>>) dst(%dma_wait3A_164 : memref<16x128xf32, #tpu.memory_space<vmem_shared>>)
        tpu.yield
      }) : () -> ()
    } else {
    }
    %barrier3A = arith.constant 0 : index
    tpu.barrier barrier_id(%barrier3A)
    %lt3A = arith.constant 4 : i32
    %lt3A_17 = arith.cmpi slt, %add3A, %lt3A : i32
    %jit3A = arith.constant 79 : i32
    %jit3A_18 = arith.constant 78 : i32
    %select_n3A = arith.select %lt3A_17, %jit3A, %jit3A_18 : i32
    %broadcast_in_dim3A_19 = arith.constant 0.000000e+00 : f32
    %broadcast_in_dim3A_20 = vector.broadcast %broadcast_in_dim3A_19 : f32 to vector<16xf32>
    %broadcast_in_dim3A_21 = arith.constant 0.000000e+00 : f32
    %broadcast_in_dim3A_22 = vector.broadcast %broadcast_in_dim3A_21 : f32 to vector<16xf32>
    %broadcast_in_dim3A_23 = arith.constant 0.000000e+00 : f32
    %broadcast_in_dim3A_24 = vector.broadcast %broadcast_in_dim3A_23 : f32 to vector<16xf32>
    %broadcast_in_dim3A_25 = arith.constant 0.000000e+00 : f32
    %broadcast_in_dim3A_26 = vector.broadcast %broadcast_in_dim3A_25 : f32 to vector<16xf32>
    %broadcast_in_dim3A_27 = arith.constant 0.000000e+00 : f32
    %broadcast_in_dim3A_28 = vector.broadcast %broadcast_in_dim3A_27 : f32 to vector<16xf32>
    %broadcast_in_dim3A_29 = arith.constant 0.000000e+00 : f32
    %broadcast_in_dim3A_30 = vector.broadcast %broadcast_in_dim3A_29 : f32 to vector<16xf32>
    %broadcast_in_dim3A_31 = arith.constant 0.000000e+00 : f32
    %broadcast_in_dim3A_32 = vector.broadcast %broadcast_in_dim3A_31 : f32 to vector<16xf32>
    %broadcast_in_dim3A_33 = arith.constant 0.000000e+00 : f32
    %broadcast_in_dim3A_34 = vector.broadcast %broadcast_in_dim3A_33 : f32 to vector<16xf32>
    %while3A = arith.constant 0 : i32
    %while3A_35 = arith.subi %select_n3A, %while3A : i32
    %while3A_36 = arith.addi %while3A, %while3A_35 : i32
    %while3A_37 = arith.constant 1 : i32
    %while3A_38 = arith.divsi %while3A_35, %while3A_37 : i32
    %while3A_39 = arith.muli %while3A_38, %while3A_37 : i32
    %while3A_40 = arith.addi %while3A, %while3A_39 : i32
    %while3A_41 = arith.constant 1 : i32
    %while3A_42:8 = scf.for %while3A_146 = %while3A to %while3A_40 step %while3A_41 iter_args(%while3A_147 = %broadcast_in_dim3A_20, %while3A_148 = %broadcast_in_dim3A_22, %while3A_149 = %broadcast_in_dim3A_24, %while3A_150 = %broadcast_in_dim3A_26, %while3A_151 = %broadcast_in_dim3A_28, %while3A_152 = %broadcast_in_dim3A_30, %while3A_153 = %broadcast_in_dim3A_32, %while3A_154 = %broadcast_in_dim3A_34) -> (vector<16xf32>, vector<16xf32>, vector<16xf32>, vector<16xf32>, vector<16xf32>, vector<16xf32>, vector<16xf32>, vector<16xf32>)  : i32 {
      %mul3A_155 = arith.constant 32 : i32
      %mul3A_156 = arith.muli %mul3A_155, %while3A_146 : i32
      %add3A_157 = arith.addi %add3A, %mul3A_156 : i32
      %mul3A_158 = arith.constant 128 : i32
      %mul3A_159 = arith.muli %add3A_157, %mul3A_158 : i32
      "tpu.region"() ({
        %run_scoped3A = tpu.sem_alloc : memref<!tpu.dma_semaphore, #tpu.memory_space<semaphore_mem>>
        %dma_start3A_279 = tpu.memref_slice %arg5[%mul3A_159] : memref<320000xi32, #tpu.memory_space<hbm>> -> memref<128xi32, #tpu.memory_space<hbm>>
        %dma_start3A_280 = tpu.memref_slice %arg5[%mul3A_159] : memref<320000xi32, #tpu.memory_space<hbm>> -> memref<128xi32, #tpu.memory_space<hbm>>
        tpu.enqueue_dma source(%dma_start3A_280 : memref<128xi32, #tpu.memory_space<hbm>>) target(%arg11 : memref<128xi32, #tpu.memory_space<vmem>>) target_semaphore(%run_scoped3A : memref<!tpu.dma_semaphore, #tpu.memory_space<semaphore_mem>>)
        %dma_wait3A_281 = tpu.memref_slice %arg5[%mul3A_159] : memref<320000xi32, #tpu.memory_space<hbm>> -> memref<128xi32, #tpu.memory_space<hbm>>
        %dma_wait3A_282 = tpu.memref_slice %arg5[%mul3A_159] : memref<320000xi32, #tpu.memory_space<hbm>> -> memref<128xi32, #tpu.memory_space<hbm>>
        tpu.wait_dma2 semaphore(%run_scoped3A : memref<!tpu.dma_semaphore, #tpu.memory_space<semaphore_mem>>) src(%dma_wait3A_282 : memref<128xi32, #tpu.memory_space<hbm>>) dst(%arg11 : memref<128xi32, #tpu.memory_space<vmem>>)
        tpu.yield
      }) : () -> ()
      "tpu.region"() ({
        %run_scoped3A = tpu.sem_alloc : memref<!tpu.dma_semaphore, #tpu.memory_space<semaphore_mem>>
        %dma_start3A_279 = tpu.memref_slice %arg6[%mul3A_159] : memref<320000xi32, #tpu.memory_space<hbm>> -> memref<128xi32, #tpu.memory_space<hbm>>
        %dma_start3A_280 = tpu.memref_slice %arg6[%mul3A_159] : memref<320000xi32, #tpu.memory_space<hbm>> -> memref<128xi32, #tpu.memory_space<hbm>>
        tpu.enqueue_dma source(%dma_start3A_280 : memref<128xi32, #tpu.memory_space<hbm>>) target(%arg12 : memref<128xi32, #tpu.memory_space<vmem>>) target_semaphore(%run_scoped3A : memref<!tpu.dma_semaphore, #tpu.memory_space<semaphore_mem>>)
        %dma_wait3A_281 = tpu.memref_slice %arg6[%mul3A_159] : memref<320000xi32, #tpu.memory_space<hbm>> -> memref<128xi32, #tpu.memory_space<hbm>>
        %dma_wait3A_282 = tpu.memref_slice %arg6[%mul3A_159] : memref<320000xi32, #tpu.memory_space<hbm>> -> memref<128xi32, #tpu.memory_space<hbm>>
        tpu.wait_dma2 semaphore(%run_scoped3A : memref<!tpu.dma_semaphore, #tpu.memory_space<semaphore_mem>>) src(%dma_wait3A_282 : memref<128xi32, #tpu.memory_space<hbm>>) dst(%arg12 : memref<128xi32, #tpu.memory_space<vmem>>)
        tpu.yield
      }) : () -> ()
      %dma_start3A = arith.constant 0 : i32
      %dma_start3A_160 = arith.constant 0 : i32
      %dma_start3A_161 = tpu.memref_slice %arg2[%dma_start3A, %dma_start3A_160] : memref<10000x128xf32, #tpu.memory_space<hbm>> -> memref<10000x128xf32, #tpu.memory_space<hbm>>
      tpu.enqueue_indirect_dma source(%dma_start3A_161 : memref<10000x128xf32, #tpu.memory_space<hbm>>) target(%arg14 : memref<128x128xf32, #tpu.memory_space<vmem>>) offsets(%arg12 : memref<128xi32, #tpu.memory_space<vmem>>) semaphore(%arg22 : memref<!tpu.dma_semaphore, #tpu.memory_space<semaphore_mem>>)
      %dma_start3A_162 = arith.constant 0 : i32
      %dma_start3A_163 = arith.constant 0 : i32
      %dma_start3A_164 = tpu.memref_slice %arg3[%dma_start3A_162, %dma_start3A_163] : memref<10000x128xf32, #tpu.memory_space<hbm>> -> memref<10000x128xf32, #tpu.memory_space<hbm>>
      tpu.enqueue_indirect_dma source(%dma_start3A_164 : memref<10000x128xf32, #tpu.memory_space<hbm>>) target(%arg15 : memref<128x128xf32, #tpu.memory_space<vmem>>) offsets(%arg11 : memref<128xi32, #tpu.memory_space<vmem>>) semaphore(%arg23 : memref<!tpu.dma_semaphore, #tpu.memory_space<semaphore_mem>>)
      "tpu.region"() ({
        %run_scoped3A = tpu.sem_alloc : memref<!tpu.dma_semaphore, #tpu.memory_space<semaphore_mem>>
        %dma_start3A_279 = arith.constant 0 : i32
        %dma_start3A_280 = tpu.memref_slice %arg4[%mul3A_159, %dma_start3A_279] : memref<320000x64xf32, #tpu.memory_space<hbm>> -> memref<128x64xf32, #tpu.memory_space<hbm>>
        %dma_start3A_281 = arith.constant 0 : i32
        %dma_start3A_282 = tpu.memref_slice %arg4[%mul3A_159, %dma_start3A_281] : memref<320000x64xf32, #tpu.memory_space<hbm>> -> memref<128x64xf32, #tpu.memory_space<hbm>>
        tpu.enqueue_dma source(%dma_start3A_282 : memref<128x64xf32, #tpu.memory_space<hbm>>) target(%arg16 : memref<128x64xf32, #tpu.memory_space<vmem>>) target_semaphore(%run_scoped3A : memref<!tpu.dma_semaphore, #tpu.memory_space<semaphore_mem>>)
        %dma_wait3A_283 = arith.constant 0 : i32
        %dma_wait3A_284 = tpu.memref_slice %arg4[%mul3A_159, %dma_wait3A_283] : memref<320000x64xf32, #tpu.memory_space<hbm>> -> memref<128x64xf32, #tpu.memory_space<hbm>>
        %dma_wait3A_285 = arith.constant 0 : i32
        %dma_wait3A_286 = tpu.memref_slice %arg4[%mul3A_159, %dma_wait3A_285] : memref<320000x64xf32, #tpu.memory_space<hbm>> -> memref<128x64xf32, #tpu.memory_space<hbm>>
        tpu.wait_dma2 semaphore(%run_scoped3A : memref<!tpu.dma_semaphore, #tpu.memory_space<semaphore_mem>>) src(%dma_wait3A_286 : memref<128x64xf32, #tpu.memory_space<hbm>>) dst(%arg16 : memref<128x64xf32, #tpu.memory_space<vmem>>)
        tpu.yield
      }) : () -> ()
      %dma_wait3A = arith.constant 0 : i32
      %dma_wait3A_165 = arith.constant 0 : i32
      %dma_wait3A_166 = tpu.memref_slice %arg2[%dma_wait3A, %dma_wait3A_165] : memref<10000x128xf32, #tpu.memory_space<hbm>> -> memref<10000x128xf32, #tpu.memory_space<hbm>>
      tpu.wait_indirect_dma semaphore(%arg22 : memref<!tpu.dma_semaphore, #tpu.memory_space<semaphore_mem>>) src(%dma_wait3A_166 : memref<10000x128xf32, #tpu.memory_space<hbm>>) dst(%arg14 : memref<128x128xf32, #tpu.memory_space<vmem>>)
      %dma_wait3A_167 = arith.constant 0 : i32
      %dma_wait3A_168 = arith.constant 0 : i32
      %dma_wait3A_169 = tpu.memref_slice %arg3[%dma_wait3A_167, %dma_wait3A_168] : memref<10000x128xf32, #tpu.memory_space<hbm>> -> memref<10000x128xf32, #tpu.memory_space<hbm>>
      tpu.wait_indirect_dma semaphore(%arg23 : memref<!tpu.dma_semaphore, #tpu.memory_space<semaphore_mem>>) src(%dma_wait3A_169 : memref<10000x128xf32, #tpu.memory_space<hbm>>) dst(%arg15 : memref<128x128xf32, #tpu.memory_space<vmem>>)
      %scan3A_170 = arith.constant 0 : i32
      %scan3A_171 = arith.constant 128 : i32
      %scan3A_172 = arith.addi %scan3A_170, %scan3A_171 : i32
      %scan3A_173 = arith.constant 1 : i32
      %scan3A_174:8 = scf.for %scan3A_279 = %scan3A_170 to %scan3A_172 step %scan3A_173 iter_args(%scan3A_280 = %while3A_147, %scan3A_281 = %while3A_148, %scan3A_282 = %while3A_149, %scan3A_283 = %while3A_150, %scan3A_284 = %while3A_151, %scan3A_285 = %while3A_152, %scan3A_286 = %while3A_153, %scan3A_287 = %while3A_154) -> (vector<16xf32>, vector<16xf32>, vector<16xf32>, vector<16xf32>, vector<16xf32>, vector<16xf32>, vector<16xf32>, vector<16xf32>)  : i32 {
        %get3A_288 = arith.index_cast %scan3A_279 : i32 to index
        %get3A_289 = arith.constant 0 : index
        %get3A_290 = tpu.vector_load %arg14[%get3A_288, %get3A_289] {strides = array<i32>} : memref<128x128xf32, #tpu.memory_space<vmem>>, vector<1x16xf32>,
        %get3A_291 = vector.shape_cast %get3A_290 : vector<1x16xf32> to vector<16xf32>
        %get3A_292 = arith.index_cast %scan3A_279 : i32 to index
        %get3A_293 = arith.constant 0 : index
        %get3A_294 = tpu.vector_load %arg15[%get3A_292, %get3A_293] {strides = array<i32>} : memref<128x128xf32, #tpu.memory_space<vmem>>, vector<1x16xf32>,
        %get3A_295 = vector.shape_cast %get3A_294 : vector<1x16xf32> to vector<16xf32>
        %add3A_296 = arith.addf %get3A_291, %get3A_295 : vector<16xf32>
        %get3A_297 = arith.index_cast %scan3A_279 : i32 to index
        %get3A_298 = arith.constant 0 : index
        %get3A_299 = tpu.vector_load %arg16[%get3A_297, %get3A_298] {strides = array<i32>} : memref<128x64xf32, #tpu.memory_space<vmem>>, vector<1x16xf32>,
        %get3A_300 = vector.shape_cast %get3A_299 : vector<1x16xf32> to vector<16xf32>
        %add3A_301 = arith.addf %add3A_296, %get3A_300 : vector<16xf32>
        %neg3A = arith.constant 0.000000e+00 : f32
        %neg3A_302 = vector.broadcast %neg3A : f32 to vector<16xf32>
        %neg3A_303 = arith.subf %neg3A_302, %add3A_301 : vector<16xf32>
        %exp3A = math.exp %neg3A_303 : vector<16xf32>
        %add3A_304 = arith.constant 1.000000e+00 : f32
        %add3A_305 = vector.broadcast %add3A_304 : f32 to vector<16xf32>
        %add3A_306 = arith.addf %add3A_305, %exp3A : vector<16xf32>
        %div3A = arith.constant 1.000000e+00 : f32
        %div3A_307 = vector.broadcast %div3A : f32 to vector<16xf32>
        %div3A_308 = arith.divf %div3A_307, %add3A_306 : vector<16xf32>
        %swap3A_309 = arith.index_cast %scan3A_279 : i32 to index
        %swap3A_310 = arith.constant 0 : index
        %swap3A_311 = tpu.vector_load %arg17[%swap3A_309, %swap3A_310] {strides = array<i32>} : memref<128x64xf32, #tpu.memory_space<vmem>>, vector<1x16xf32>,
        %swap3A_312 = vector.shape_cast %swap3A_311 : vector<1x16xf32> to vector<16xf32>
        %swap3A_313 = vector.shape_cast %add3A_301 : vector<16xf32> to vector<1x16xf32>
        tpu.vector_store %arg17[%swap3A_309, %swap3A_310], %swap3A_313 {strides = array<i32>} : memref<128x64xf32, #tpu.memory_space<vmem>>, vector<1x16xf32>,
        %get3A_314 = arith.index_cast %scan3A_279 : i32 to index
        %get3A_315 = arith.constant 64 : index
        %get3A_316 = tpu.vector_load %arg15[%get3A_314, %get3A_315] {strides = array<i32>} : memref<128x128xf32, #tpu.memory_space<vmem>>, vector<1x16xf32>,
        %get3A_317 = vector.shape_cast %get3A_316 : vector<1x16xf32> to vector<16xf32>
        %mul3A_318 = arith.mulf %div3A_308, %get3A_317 : vector<16xf32>
        %swap3A_319 = arith.index_cast %scan3A_279 : i32 to index
        %swap3A_320 = arith.constant 0 : index
        %swap3A_321 = tpu.vector_load %arg18[%swap3A_319, %swap3A_320] {strides = array<i32>} : memref<128x128xf32, #tpu.memory_space<vmem>>, vector<1x16xf32>,
        %swap3A_322 = vector.shape_cast %swap3A_321 : vector<1x16xf32> to vector<16xf32>
        %swap3A_323 = vector.shape_cast %mul3A_318 : vector<16xf32> to vector<1x16xf32>
        tpu.vector_store %arg18[%swap3A_319, %swap3A_320], %swap3A_323 {strides = array<i32>} : memref<128x128xf32, #tpu.memory_space<vmem>>, vector<1x16xf32>,
        %swap3A_324 = arith.index_cast %scan3A_279 : i32 to index
        %swap3A_325 = arith.constant 64 : index
        %swap3A_326 = tpu.vector_load %arg18[%swap3A_324, %swap3A_325] {strides = array<i32>} : memref<128x128xf32, #tpu.memory_space<vmem>>, vector<1x16xf32>,
        %swap3A_327 = vector.shape_cast %swap3A_326 : vector<1x16xf32> to vector<16xf32>
        %swap3A_328 = vector.shape_cast %div3A_308 : vector<16xf32> to vector<1x16xf32>
        tpu.vector_store %arg18[%swap3A_324, %swap3A_325], %swap3A_328 {strides = array<i32>} : memref<128x128xf32, #tpu.memory_space<vmem>>, vector<1x16xf32>,
        %add3A_329 = arith.addf %scan3A_280, %add3A_301 : vector<16xf32>
        %mul3A_330 = arith.mulf %add3A_301, %add3A_301 : vector<16xf32>
        %add3A_331 = arith.addf %scan3A_284, %mul3A_330 : vector<16xf32>
        %get3A_332 = arith.index_cast %scan3A_279 : i32 to index
        %get3A_333 = arith.constant 16 : index
        %get3A_334 = tpu.vector_load %arg14[%get3A_332, %get3A_333] {strides = array<i32>} : memref<128x128xf32, #tpu.memory_space<vmem>>, vector<1x16xf32>,
        %get3A_335 = vector.shape_cast %get3A_334 : vector<1x16xf32> to vector<16xf32>
        %get3A_336 = arith.index_cast %scan3A_279 : i32 to index
        %get3A_337 = arith.constant 16 : index
        %get3A_338 = tpu.vector_load %arg15[%get3A_336, %get3A_337] {strides = array<i32>} : memref<128x128xf32, #tpu.memory_space<vmem>>, vector<1x16xf32>,
        %get3A_339 = vector.shape_cast %get3A_338 : vector<1x16xf32> to vector<16xf32>
        %add3A_340 = arith.addf %get3A_335, %get3A_339 : vector<16xf32>
        %get3A_341 = arith.index_cast %scan3A_279 : i32 to index
        %get3A_342 = arith.constant 16 : index
        %get3A_343 = tpu.vector_load %arg16[%get3A_341, %get3A_342] {strides = array<i32>} : memref<128x64xf32, #tpu.memory_space<vmem>>, vector<1x16xf32>,
        %get3A_344 = vector.shape_cast %get3A_343 : vector<1x16xf32> to vector<16xf32>
        %add3A_345 = arith.addf %add3A_340, %get3A_344 : vector<16xf32>
        %neg3A_346 = arith.constant 0.000000e+00 : f32
        %neg3A_347 = vector.broadcast %neg3A_346 : f32 to vector<16xf32>
        %neg3A_348 = arith.subf %neg3A_347, %add3A_345 : vector<16xf32>
        %exp3A_349 = math.exp %neg3A_348 : vector<16xf32>
        %add3A_350 = arith.constant 1.000000e+00 : f32
        %add3A_351 = vector.broadcast %add3A_350 : f32 to vector<16xf32>
        %add3A_352 = arith.addf %add3A_351, %exp3A_349 : vector<16xf32>
        %div3A_353 = arith.constant 1.000000e+00 : f32
        %div3A_354 = vector.broadcast %div3A_353 : f32 to vector<16xf32>
        %div3A_355 = arith.divf %div3A_354, %add3A_352 : vector<16xf32>
        %swap3A_356 = arith.index_cast %scan3A_279 : i32 to index
        %swap3A_357 = arith.constant 16 : index
        %swap3A_358 = tpu.vector_load %arg17[%swap3A_356, %swap3A_357] {strides = array<i32>} : memref<128x64xf32, #tpu.memory_space<vmem>>, vector<1x16xf32>,
        %swap3A_359 = vector.shape_cast %swap3A_358 : vector<1x16xf32> to vector<16xf32>
        %swap3A_360 = vector.shape_cast %add3A_345 : vector<16xf32> to vector<1x16xf32>
        tpu.vector_store %arg17[%swap3A_356, %swap3A_357], %swap3A_360 {strides = array<i32>} : memref<128x64xf32, #tpu.memory_space<vmem>>, vector<1x16xf32>,
        %get3A_361 = arith.index_cast %scan3A_279 : i32 to index
        %get3A_362 = arith.constant 80 : index
        %get3A_363 = tpu.vector_load %arg15[%get3A_361, %get3A_362] {strides = array<i32>} : memref<128x128xf32, #tpu.memory_space<vmem>>, vector<1x16xf32>,
        %get3A_364 = vector.shape_cast %get3A_363 : vector<1x16xf32> to vector<16xf32>
        %mul3A_365 = arith.mulf %div3A_355, %get3A_364 : vector<16xf32>
        %swap3A_366 = arith.index_cast %scan3A_279 : i32 to index
        %swap3A_367 = arith.constant 16 : index
        %swap3A_368 = tpu.vector_load %arg18[%swap3A_366, %swap3A_367] {strides = array<i32>} : memref<128x128xf32, #tpu.memory_space<vmem>>, vector<1x16xf32>,
        %swap3A_369 = vector.shape_cast %swap3A_368 : vector<1x16xf32> to vector<16xf32>
        %swap3A_370 = vector.shape_cast %mul3A_365 : vector<16xf32> to vector<1x16xf32>
        tpu.vector_store %arg18[%swap3A_366, %swap3A_367], %swap3A_370 {strides = array<i32>} : memref<128x128xf32, #tpu.memory_space<vmem>>, vector<1x16xf32>,
        %swap3A_371 = arith.index_cast %scan3A_279 : i32 to index
        %swap3A_372 = arith.constant 80 : index
        %swap3A_373 = tpu.vector_load %arg18[%swap3A_371, %swap3A_372] {strides = array<i32>} : memref<128x128xf32, #tpu.memory_space<vmem>>, vector<1x16xf32>,
        %swap3A_374 = vector.shape_cast %swap3A_373 : vector<1x16xf32> to vector<16xf32>
        %swap3A_375 = vector.shape_cast %div3A_355 : vector<16xf32> to vector<1x16xf32>
        tpu.vector_store %arg18[%swap3A_371, %swap3A_372], %swap3A_375 {strides = array<i32>} : memref<128x128xf32, #tpu.memory_space<vmem>>, vector<1x16xf32>,
        %add3A_376 = arith.addf %scan3A_281, %add3A_345 : vector<16xf32>
        %mul3A_377 = arith.mulf %add3A_345, %add3A_345 : vector<16xf32>
        %add3A_378 = arith.addf %scan3A_285, %mul3A_377 : vector<16xf32>
        %get3A_379 = arith.index_cast %scan3A_279 : i32 to index
        %get3A_380 = arith.constant 32 : index
        %get3A_381 = tpu.vector_load %arg14[%get3A_379, %get3A_380] {strides = array<i32>} : memref<128x128xf32, #tpu.memory_space<vmem>>, vector<1x16xf32>,
        %get3A_382 = vector.shape_cast %get3A_381 : vector<1x16xf32> to vector<16xf32>
        %get3A_383 = arith.index_cast %scan3A_279 : i32 to index
        %get3A_384 = arith.constant 32 : index
        %get3A_385 = tpu.vector_load %arg15[%get3A_383, %get3A_384] {strides = array<i32>} : memref<128x128xf32, #tpu.memory_space<vmem>>, vector<1x16xf32>,
        %get3A_386 = vector.shape_cast %get3A_385 : vector<1x16xf32> to vector<16xf32>
        %add3A_387 = arith.addf %get3A_382, %get3A_386 : vector<16xf32>
        %get3A_388 = arith.index_cast %scan3A_279 : i32 to index
        %get3A_389 = arith.constant 32 : index
        %get3A_390 = tpu.vector_load %arg16[%get3A_388, %get3A_389] {strides = array<i32>} : memref<128x64xf32, #tpu.memory_space<vmem>>, vector<1x16xf32>,
        %get3A_391 = vector.shape_cast %get3A_390 : vector<1x16xf32> to vector<16xf32>
        %add3A_392 = arith.addf %add3A_387, %get3A_391 : vector<16xf32>
        %neg3A_393 = arith.constant 0.000000e+00 : f32
        %neg3A_394 = vector.broadcast %neg3A_393 : f32 to vector<16xf32>
        %neg3A_395 = arith.subf %neg3A_394, %add3A_392 : vector<16xf32>
        %exp3A_396 = math.exp %neg3A_395 : vector<16xf32>
        %add3A_397 = arith.constant 1.000000e+00 : f32
        %add3A_398 = vector.broadcast %add3A_397 : f32 to vector<16xf32>
        %add3A_399 = arith.addf %add3A_398, %exp3A_396 : vector<16xf32>
        %div3A_400 = arith.constant 1.000000e+00 : f32
        %div3A_401 = vector.broadcast %div3A_400 : f32 to vector<16xf32>
        %div3A_402 = arith.divf %div3A_401, %add3A_399 : vector<16xf32>
        %swap3A_403 = arith.index_cast %scan3A_279 : i32 to index
        %swap3A_404 = arith.constant 32 : index
        %swap3A_405 = tpu.vector_load %arg17[%swap3A_403, %swap3A_404] {strides = array<i32>} : memref<128x64xf32, #tpu.memory_space<vmem>>, vector<1x16xf32>,
        %swap3A_406 = vector.shape_cast %swap3A_405 : vector<1x16xf32> to vector<16xf32>
        %swap3A_407 = vector.shape_cast %add3A_392 : vector<16xf32> to vector<1x16xf32>
        tpu.vector_store %arg17[%swap3A_403, %swap3A_404], %swap3A_407 {strides = array<i32>} : memref<128x64xf32, #tpu.memory_space<vmem>>, vector<1x16xf32>,
        %get3A_408 = arith.index_cast %scan3A_279 : i32 to index
        %get3A_409 = arith.constant 96 : index
        %get3A_410 = tpu.vector_load %arg15[%get3A_408, %get3A_409] {strides = array<i32>} : memref<128x128xf32, #tpu.memory_space<vmem>>, vector<1x16xf32>,
        %get3A_411 = vector.shape_cast %get3A_410 : vector<1x16xf32> to vector<16xf32>
        %mul3A_412 = arith.mulf %div3A_402, %get3A_411 : vector<16xf32>
        %swap3A_413 = arith.index_cast %scan3A_279 : i32 to index
        %swap3A_414 = arith.constant 32 : index
        %swap3A_415 = tpu.vector_load %arg18[%swap3A_413, %swap3A_414] {strides = array<i32>} : memref<128x128xf32, #tpu.memory_space<vmem>>, vector<1x16xf32>,
        %swap3A_416 = vector.shape_cast %swap3A_415 : vector<1x16xf32> to vector<16xf32>
        %swap3A_417 = vector.shape_cast %mul3A_412 : vector<16xf32> to vector<1x16xf32>
        tpu.vector_store %arg18[%swap3A_413, %swap3A_414], %swap3A_417 {strides = array<i32>} : memref<128x128xf32, #tpu.memory_space<vmem>>, vector<1x16xf32>,
        %swap3A_418 = arith.index_cast %scan3A_279 : i32 to index
        %swap3A_419 = arith.constant 96 : index
        %swap3A_420 = tpu.vector_load %arg18[%swap3A_418, %swap3A_419] {strides = array<i32>} : memref<128x128xf32, #tpu.memory_space<vmem>>, vector<1x16xf32>,
        %swap3A_421 = vector.shape_cast %swap3A_420 : vector<1x16xf32> to vector<16xf32>
        %swap3A_422 = vector.shape_cast %div3A_402 : vector<16xf32> to vector<1x16xf32>
        tpu.vector_store %arg18[%swap3A_418, %swap3A_419], %swap3A_422 {strides = array<i32>} : memref<128x128xf32, #tpu.memory_space<vmem>>, vector<1x16xf32>,
        %add3A_423 = arith.addf %scan3A_282, %add3A_392 : vector<16xf32>
        %mul3A_424 = arith.mulf %add3A_392, %add3A_392 : vector<16xf32>
        %add3A_425 = arith.addf %scan3A_286, %mul3A_424 : vector<16xf32>
        %get3A_426 = arith.index_cast %scan3A_279 : i32 to index
        %get3A_427 = arith.constant 48 : index
        %get3A_428 = tpu.vector_load %arg14[%get3A_426, %get3A_427] {strides = array<i32>} : memref<128x128xf32, #tpu.memory_space<vmem>>, vector<1x16xf32>,
        %get3A_429 = vector.shape_cast %get3A_428 : vector<1x16xf32> to vector<16xf32>
        %get3A_430 = arith.index_cast %scan3A_279 : i32 to index
        %get3A_431 = arith.constant 48 : index
        %get3A_432 = tpu.vector_load %arg15[%get3A_430, %get3A_431] {strides = array<i32>} : memref<128x128xf32, #tpu.memory_space<vmem>>, vector<1x16xf32>,
        %get3A_433 = vector.shape_cast %get3A_432 : vector<1x16xf32> to vector<16xf32>
        %add3A_434 = arith.addf %get3A_429, %get3A_433 : vector<16xf32>
        %get3A_435 = arith.index_cast %scan3A_279 : i32 to index
        %get3A_436 = arith.constant 48 : index
        %get3A_437 = tpu.vector_load %arg16[%get3A_435, %get3A_436] {strides = array<i32>} : memref<128x64xf32, #tpu.memory_space<vmem>>, vector<1x16xf32>,
        %get3A_438 = vector.shape_cast %get3A_437 : vector<1x16xf32> to vector<16xf32>
        %add3A_439 = arith.addf %add3A_434, %get3A_438 : vector<16xf32>
        %neg3A_440 = arith.constant 0.000000e+00 : f32
        %neg3A_441 = vector.broadcast %neg3A_440 : f32 to vector<16xf32>
        %neg3A_442 = arith.subf %neg3A_441, %add3A_439 : vector<16xf32>
        %exp3A_443 = math.exp %neg3A_442 : vector<16xf32>
        %add3A_444 = arith.constant 1.000000e+00 : f32
        %add3A_445 = vector.broadcast %add3A_444 : f32 to vector<16xf32>
        %add3A_446 = arith.addf %add3A_445, %exp3A_443 : vector<16xf32>
        %div3A_447 = arith.constant 1.000000e+00 : f32
        %div3A_448 = vector.broadcast %div3A_447 : f32 to vector<16xf32>
        %div3A_449 = arith.divf %div3A_448, %add3A_446 : vector<16xf32>
        %swap3A_450 = arith.index_cast %scan3A_279 : i32 to index
        %swap3A_451 = arith.constant 48 : index
        %swap3A_452 = tpu.vector_load %arg17[%swap3A_450, %swap3A_451] {strides = array<i32>} : memref<128x64xf32, #tpu.memory_space<vmem>>, vector<1x16xf32>,
        %swap3A_453 = vector.shape_cast %swap3A_452 : vector<1x16xf32> to vector<16xf32>
        %swap3A_454 = vector.shape_cast %add3A_439 : vector<16xf32> to vector<1x16xf32>
        tpu.vector_store %arg17[%swap3A_450, %swap3A_451], %swap3A_454 {strides = array<i32>} : memref<128x64xf32, #tpu.memory_space<vmem>>, vector<1x16xf32>,
        %get3A_455 = arith.index_cast %scan3A_279 : i32 to index
        %get3A_456 = arith.constant 112 : index
        %get3A_457 = tpu.vector_load %arg15[%get3A_455, %get3A_456] {strides = array<i32>} : memref<128x128xf32, #tpu.memory_space<vmem>>, vector<1x16xf32>,
        %get3A_458 = vector.shape_cast %get3A_457 : vector<1x16xf32> to vector<16xf32>
        %mul3A_459 = arith.mulf %div3A_449, %get3A_458 : vector<16xf32>
        %swap3A_460 = arith.index_cast %scan3A_279 : i32 to index
        %swap3A_461 = arith.constant 48 : index
        %swap3A_462 = tpu.vector_load %arg18[%swap3A_460, %swap3A_461] {strides = array<i32>} : memref<128x128xf32, #tpu.memory_space<vmem>>, vector<1x16xf32>,
        %swap3A_463 = vector.shape_cast %swap3A_462 : vector<1x16xf32> to vector<16xf32>
        %swap3A_464 = vector.shape_cast %mul3A_459 : vector<16xf32> to vector<1x16xf32>
        tpu.vector_store %arg18[%swap3A_460, %swap3A_461], %swap3A_464 {strides = array<i32>} : memref<128x128xf32, #tpu.memory_space<vmem>>, vector<1x16xf32>,
        %swap3A_465 = arith.index_cast %scan3A_279 : i32 to index
        %swap3A_466 = arith.constant 112 : index
        %swap3A_467 = tpu.vector_load %arg18[%swap3A_465, %swap3A_466] {strides = array<i32>} : memref<128x128xf32, #tpu.memory_space<vmem>>, vector<1x16xf32>,
        %swap3A_468 = vector.shape_cast %swap3A_467 : vector<1x16xf32> to vector<16xf32>
        %swap3A_469 = vector.shape_cast %div3A_449 : vector<16xf32> to vector<1x16xf32>
        tpu.vector_store %arg18[%swap3A_465, %swap3A_466], %swap3A_469 {strides = array<i32>} : memref<128x128xf32, #tpu.memory_space<vmem>>, vector<1x16xf32>,
        %add3A_470 = arith.addf %scan3A_283, %add3A_439 : vector<16xf32>
        %mul3A_471 = arith.mulf %add3A_439, %add3A_439 : vector<16xf32>
        %add3A_472 = arith.addf %scan3A_287, %mul3A_471 : vector<16xf32>
        scf.yield %add3A_329, %add3A_376, %add3A_423, %add3A_470, %add3A_331, %add3A_378, %add3A_425, %add3A_472 : vector<16xf32>, vector<16xf32>, vector<16xf32>, vector<16xf32>, vector<16xf32>, vector<16xf32>, vector<16xf32>, vector<16xf32>
      }
      %scan3A_175 = arith.constant 128 : i32
      %get3A = arith.constant 0 : index
      %get3A_176 = tpu.vector_load %arg12[%get3A] {strides = array<i32>} : memref<128xi32, #tpu.memory_space<vmem>>, vector<16xi32>,
      %get3A_177 = vector.shape_cast %get3A_176 : vector<16xi32> to vector<16xi32>
      %lt3A_178 = arith.constant 3336 : i32
      %lt3A_179 = vector.broadcast %lt3A_178 : i32 to vector<16xi32>
      %lt3A_180 = arith.cmpi slt, %get3A_177, %lt3A_179 : vector<16xi32>
      %jit3A_181 = arith.constant 3336 : i32
      %broadcast_in_dim3A_182 = vector.broadcast %jit3A_181 : i32 to vector<16xi32>
      %select_n3A_183 = arith.select %lt3A_180, %get3A_177, %broadcast_in_dim3A_182 : vector<16xi1>, vector<16xi32>
      %swap3A_184 = arith.constant 0 : index
      %swap3A_185 = tpu.vector_load %arg13[%swap3A_184] {strides = array<i32>} : memref<128xi32, #tpu.memory_space<vmem>>, vector<16xi32>,
      %swap3A_186 = vector.shape_cast %swap3A_185 : vector<16xi32> to vector<16xi32>
      %swap3A_187 = vector.shape_cast %select_n3A_183 : vector<16xi32> to vector<16xi32>
      tpu.vector_store %arg13[%swap3A_184], %swap3A_187 {strides = array<i32>} : memref<128xi32, #tpu.memory_space<vmem>>, vector<16xi32>,
      %get3A_188 = arith.constant 16 : index
      %get3A_189 = tpu.vector_load %arg12[%get3A_188] {strides = array<i32>} : memref<128xi32, #tpu.memory_space<vmem>>, vector<16xi32>,
      %get3A_190 = vector.shape_cast %get3A_189 : vector<16xi32> to vector<16xi32>
      %lt3A_191 = arith.constant 3336 : i32
      %lt3A_192 = vector.broadcast %lt3A_191 : i32 to vector<16xi32>
      %lt3A_193 = arith.cmpi slt, %get3A_190, %lt3A_192 : vector<16xi32>
      %jit3A_194 = arith.constant 3336 : i32
      %broadcast_in_dim3A_195 = vector.broadcast %jit3A_194 : i32 to vector<16xi32>
      %select_n3A_196 = arith.select %lt3A_193, %get3A_190, %broadcast_in_dim3A_195 : vector<16xi1>, vector<16xi32>
      %swap3A_197 = arith.constant 16 : index
      %swap3A_198 = tpu.vector_load %arg13[%swap3A_197] {strides = array<i32>} : memref<128xi32, #tpu.memory_space<vmem>>, vector<16xi32>,
      %swap3A_199 = vector.shape_cast %swap3A_198 : vector<16xi32> to vector<16xi32>
      %swap3A_200 = vector.shape_cast %select_n3A_196 : vector<16xi32> to vector<16xi32>
      tpu.vector_store %arg13[%swap3A_197], %swap3A_200 {strides = array<i32>} : memref<128xi32, #tpu.memory_space<vmem>>, vector<16xi32>,
      %get3A_201 = arith.constant 32 : index
      %get3A_202 = tpu.vector_load %arg12[%get3A_201] {strides = array<i32>} : memref<128xi32, #tpu.memory_space<vmem>>, vector<16xi32>,
      %get3A_203 = vector.shape_cast %get3A_202 : vector<16xi32> to vector<16xi32>
      %lt3A_204 = arith.constant 3336 : i32
      %lt3A_205 = vector.broadcast %lt3A_204 : i32 to vector<16xi32>
      %lt3A_206 = arith.cmpi slt, %get3A_203, %lt3A_205 : vector<16xi32>
      %jit3A_207 = arith.constant 3336 : i32
      %broadcast_in_dim3A_208 = vector.broadcast %jit3A_207 : i32 to vector<16xi32>
      %select_n3A_209 = arith.select %lt3A_206, %get3A_203, %broadcast_in_dim3A_208 : vector<16xi1>, vector<16xi32>
      %swap3A_210 = arith.constant 32 : index
      %swap3A_211 = tpu.vector_load %arg13[%swap3A_210] {strides = array<i32>} : memref<128xi32, #tpu.memory_space<vmem>>, vector<16xi32>,
      %swap3A_212 = vector.shape_cast %swap3A_211 : vector<16xi32> to vector<16xi32>
      %swap3A_213 = vector.shape_cast %select_n3A_209 : vector<16xi32> to vector<16xi32>
      tpu.vector_store %arg13[%swap3A_210], %swap3A_213 {strides = array<i32>} : memref<128xi32, #tpu.memory_space<vmem>>, vector<16xi32>,
      %get3A_214 = arith.constant 48 : index
      %get3A_215 = tpu.vector_load %arg12[%get3A_214] {strides = array<i32>} : memref<128xi32, #tpu.memory_space<vmem>>, vector<16xi32>,
      %get3A_216 = vector.shape_cast %get3A_215 : vector<16xi32> to vector<16xi32>
      %lt3A_217 = arith.constant 3336 : i32
      %lt3A_218 = vector.broadcast %lt3A_217 : i32 to vector<16xi32>
      %lt3A_219 = arith.cmpi slt, %get3A_216, %lt3A_218 : vector<16xi32>
      %jit3A_220 = arith.constant 3336 : i32
      %broadcast_in_dim3A_221 = vector.broadcast %jit3A_220 : i32 to vector<16xi32>
      %select_n3A_222 = arith.select %lt3A_219, %get3A_216, %broadcast_in_dim3A_221 : vector<16xi1>, vector<16xi32>
      %swap3A_223 = arith.constant 48 : index
      %swap3A_224 = tpu.vector_load %arg13[%swap3A_223] {strides = array<i32>} : memref<128xi32, #tpu.memory_space<vmem>>, vector<16xi32>,
      %swap3A_225 = vector.shape_cast %swap3A_224 : vector<16xi32> to vector<16xi32>
      %swap3A_226 = vector.shape_cast %select_n3A_222 : vector<16xi32> to vector<16xi32>
      tpu.vector_store %arg13[%swap3A_223], %swap3A_226 {strides = array<i32>} : memref<128xi32, #tpu.memory_space<vmem>>, vector<16xi32>,
      %get3A_227 = arith.constant 64 : index
      %get3A_228 = tpu.vector_load %arg12[%get3A_227] {strides = array<i32>} : memref<128xi32, #tpu.memory_space<vmem>>, vector<16xi32>,
      %get3A_229 = vector.shape_cast %get3A_228 : vector<16xi32> to vector<16xi32>
      %lt3A_230 = arith.constant 3336 : i32
      %lt3A_231 = vector.broadcast %lt3A_230 : i32 to vector<16xi32>
      %lt3A_232 = arith.cmpi slt, %get3A_229, %lt3A_231 : vector<16xi32>
      %jit3A_233 = arith.constant 3336 : i32
      %broadcast_in_dim3A_234 = vector.broadcast %jit3A_233 : i32 to vector<16xi32>
      %select_n3A_235 = arith.select %lt3A_232, %get3A_229, %broadcast_in_dim3A_234 : vector<16xi1>, vector<16xi32>
      %swap3A_236 = arith.constant 64 : index
      %swap3A_237 = tpu.vector_load %arg13[%swap3A_236] {strides = array<i32>} : memref<128xi32, #tpu.memory_space<vmem>>, vector<16xi32>,
      %swap3A_238 = vector.shape_cast %swap3A_237 : vector<16xi32> to vector<16xi32>
      %swap3A_239 = vector.shape_cast %select_n3A_235 : vector<16xi32> to vector<16xi32>
      tpu.vector_store %arg13[%swap3A_236], %swap3A_239 {strides = array<i32>} : memref<128xi32, #tpu.memory_space<vmem>>, vector<16xi32>,
      %get3A_240 = arith.constant 80 : index
      %get3A_241 = tpu.vector_load %arg12[%get3A_240] {strides = array<i32>} : memref<128xi32, #tpu.memory_space<vmem>>, vector<16xi32>,
      %get3A_242 = vector.shape_cast %get3A_241 : vector<16xi32> to vector<16xi32>
      %lt3A_243 = arith.constant 3336 : i32
      %lt3A_244 = vector.broadcast %lt3A_243 : i32 to vector<16xi32>
      %lt3A_245 = arith.cmpi slt, %get3A_242, %lt3A_244 : vector<16xi32>
      %jit3A_246 = arith.constant 3336 : i32
      %broadcast_in_dim3A_247 = vector.broadcast %jit3A_246 : i32 to vector<16xi32>
      %select_n3A_248 = arith.select %lt3A_245, %get3A_242, %broadcast_in_dim3A_247 : vector<16xi1>, vector<16xi32>
      %swap3A_249 = arith.constant 80 : index
      %swap3A_250 = tpu.vector_load %arg13[%swap3A_249] {strides = array<i32>} : memref<128xi32, #tpu.memory_space<vmem>>, vector<16xi32>,
      %swap3A_251 = vector.shape_cast %swap3A_250 : vector<16xi32> to vector<16xi32>
      %swap3A_252 = vector.shape_cast %select_n3A_248 : vector<16xi32> to vector<16xi32>
      tpu.vector_store %arg13[%swap3A_249], %swap3A_252 {strides = array<i32>} : memref<128xi32, #tpu.memory_space<vmem>>, vector<16xi32>,
      %get3A_253 = arith.constant 96 : index
      %get3A_254 = tpu.vector_load %arg12[%get3A_253] {strides = array<i32>} : memref<128xi32, #tpu.memory_space<vmem>>, vector<16xi32>,
      %get3A_255 = vector.shape_cast %get3A_254 : vector<16xi32> to vector<16xi32>
      %lt3A_256 = arith.constant 3336 : i32
      %lt3A_257 = vector.broadcast %lt3A_256 : i32 to vector<16xi32>
      %lt3A_258 = arith.cmpi slt, %get3A_255, %lt3A_257 : vector<16xi32>
      %jit3A_259 = arith.constant 3336 : i32
      %broadcast_in_dim3A_260 = vector.broadcast %jit3A_259 : i32 to vector<16xi32>
      %select_n3A_261 = arith.select %lt3A_258, %get3A_255, %broadcast_in_dim3A_260 : vector<16xi1>, vector<16xi32>
      %swap3A_262 = arith.constant 96 : index
      %swap3A_263 = tpu.vector_load %arg13[%swap3A_262] {strides = array<i32>} : memref<128xi32, #tpu.memory_space<vmem>>, vector<16xi32>,
      %swap3A_264 = vector.shape_cast %swap3A_263 : vector<16xi32> to vector<16xi32>
      %swap3A_265 = vector.shape_cast %select_n3A_261 : vector<16xi32> to vector<16xi32>
      tpu.vector_store %arg13[%swap3A_262], %swap3A_265 {strides = array<i32>} : memref<128xi32, #tpu.memory_space<vmem>>, vector<16xi32>,
      %get3A_266 = arith.constant 112 : index
      %get3A_267 = tpu.vector_load %arg12[%get3A_266] {strides = array<i32>} : memref<128xi32, #tpu.memory_space<vmem>>, vector<16xi32>,
      %get3A_268 = vector.shape_cast %get3A_267 : vector<16xi32> to vector<16xi32>
      %lt3A_269 = arith.constant 3336 : i32
      %lt3A_270 = vector.broadcast %lt3A_269 : i32 to vector<16xi32>
      %lt3A_271 = arith.cmpi slt, %get3A_268, %lt3A_270 : vector<16xi32>
      %jit3A_272 = arith.constant 3336 : i32
      %broadcast_in_dim3A_273 = vector.broadcast %jit3A_272 : i32 to vector<16xi32>
      %select_n3A_274 = arith.select %lt3A_271, %get3A_268, %broadcast_in_dim3A_273 : vector<16xi1>, vector<16xi32>
      %swap3A_275 = arith.constant 112 : index
      %swap3A_276 = tpu.vector_load %arg13[%swap3A_275] {strides = array<i32>} : memref<128xi32, #tpu.memory_space<vmem>>, vector<16xi32>,
      %swap3A_277 = vector.shape_cast %swap3A_276 : vector<16xi32> to vector<16xi32>
      %swap3A_278 = vector.shape_cast %select_n3A_274 : vector<16xi32> to vector<16xi32>
      tpu.vector_store %arg13[%swap3A_275], %swap3A_278 {strides = array<i32>} : memref<128xi32, #tpu.memory_space<vmem>>, vector<16xi32>,
      "tpu.region"() ({
        %run_scoped3A = tpu.sem_alloc : memref<!tpu.dma_semaphore, #tpu.memory_space<semaphore_mem>>
        %dma_start3A_279 = arith.constant 0 : i32
        %dma_start3A_280 = tpu.memref_slice %arg7[%mul3A_159, %dma_start3A_279] : memref<320000x64xf32, #tpu.memory_space<hbm>> -> memref<128x64xf32, #tpu.memory_space<hbm>>
        %dma_start3A_281 = arith.constant 0 : i32
        %dma_start3A_282 = tpu.memref_slice %arg7[%mul3A_159, %dma_start3A_281] : memref<320000x64xf32, #tpu.memory_space<hbm>> -> memref<128x64xf32, #tpu.memory_space<hbm>>
        tpu.enqueue_dma source(%arg17 : memref<128x64xf32, #tpu.memory_space<vmem>>) target(%dma_start3A_282 : memref<128x64xf32, #tpu.memory_space<hbm>>) target_semaphore(%run_scoped3A : memref<!tpu.dma_semaphore, #tpu.memory_space<semaphore_mem>>)
        %dma_wait3A_283 = arith.constant 0 : i32
        %dma_wait3A_284 = tpu.memref_slice %arg7[%mul3A_159, %dma_wait3A_283] : memref<320000x64xf32, #tpu.memory_space<hbm>> -> memref<128x64xf32, #tpu.memory_space<hbm>>
        %dma_wait3A_285 = arith.constant 0 : i32
        %dma_wait3A_286 = tpu.memref_slice %arg7[%mul3A_159, %dma_wait3A_285] : memref<320000x64xf32, #tpu.memory_space<hbm>> -> memref<128x64xf32, #tpu.memory_space<hbm>>
        tpu.wait_dma2 semaphore(%run_scoped3A : memref<!tpu.dma_semaphore, #tpu.memory_space<semaphore_mem>>) src(%arg17 : memref<128x64xf32, #tpu.memory_space<vmem>>) dst(%dma_wait3A_286 : memref<128x64xf32, #tpu.memory_space<hbm>>)
        tpu.yield
      }) : () -> ()
      "tpu.region"() ({
        %run_scoped3A = tpu.sem_alloc : memref<!tpu.dma_semaphore, #tpu.memory_space<semaphore_mem>>
        %dma_start3A_279 = arith.constant 0 : i32
        %dma_start3A_280 = tpu.memref_slice %arg10[%mul3A_159, %dma_start3A_279] : memref<320000x128xf32, #tpu.memory_space<hbm>> -> memref<128x128xf32, #tpu.memory_space<hbm>>
        %dma_start3A_281 = arith.constant 0 : i32
        %dma_start3A_282 = tpu.memref_slice %arg10[%mul3A_159, %dma_start3A_281] : memref<320000x128xf32, #tpu.memory_space<hbm>> -> memref<128x128xf32, #tpu.memory_space<hbm>>
        tpu.enqueue_dma source(%arg18 : memref<128x128xf32, #tpu.memory_space<vmem>>) target(%dma_start3A_282 : memref<128x128xf32, #tpu.memory_space<hbm>>) target_semaphore(%run_scoped3A : memref<!tpu.dma_semaphore, #tpu.memory_space<semaphore_mem>>)
        %dma_wait3A_283 = arith.constant 0 : i32
        %dma_wait3A_284 = tpu.memref_slice %arg10[%mul3A_159, %dma_wait3A_283] : memref<320000x128xf32, #tpu.memory_space<hbm>> -> memref<128x128xf32, #tpu.memory_space<hbm>>
        %dma_wait3A_285 = arith.constant 0 : i32
        %dma_wait3A_286 = tpu.memref_slice %arg10[%mul3A_159, %dma_wait3A_285] : memref<320000x128xf32, #tpu.memory_space<hbm>> -> memref<128x128xf32, #tpu.memory_space<hbm>>
        tpu.wait_dma2 semaphore(%run_scoped3A : memref<!tpu.dma_semaphore, #tpu.memory_space<semaphore_mem>>) src(%arg18 : memref<128x128xf32, #tpu.memory_space<vmem>>) dst(%dma_wait3A_286 : memref<128x128xf32, #tpu.memory_space<hbm>>)
        tpu.yield
      }) : () -> ()
      "tpu.region"() ({
        %run_scoped3A = tpu.sem_alloc : memref<!tpu.dma_semaphore, #tpu.memory_space<semaphore_mem>>
        %dma_start3A_279 = arith.constant 0 : i32
        %dma_start3A_280 = arith.constant 0 : i32
        %dma_start3A_281 = tpu.memref_slice %arg21[%dma_start3A_279, %dma_start3A_280] : memref<3344x128xf32, #tpu.memory_space<vmem_shared>> -> memref<3344x128xf32, #tpu.memory_space<vmem_shared>>
        tpu.enqueue_indirect_dma source(%arg18 : memref<128x128xf32, #tpu.memory_space<vmem>>) target(%dma_start3A_281 : memref<3344x128xf32, #tpu.memory_space<vmem_shared>>) offsets(%arg13 : memref<128xi32, #tpu.memory_space<vmem>>) semaphore(%run_scoped3A : memref<!tpu.dma_semaphore, #tpu.memory_space<semaphore_mem>>) {add = true}
        %dma_wait3A_282 = arith.constant 0 : i32
        %dma_wait3A_283 = arith.constant 0 : i32
        %dma_wait3A_284 = tpu.memref_slice %arg21[%dma_wait3A_282, %dma_wait3A_283] : memref<3344x128xf32, #tpu.memory_space<vmem_shared>> -> memref<3344x128xf32, #tpu.memory_space<vmem_shared>>
        tpu.wait_indirect_dma semaphore(%run_scoped3A : memref<!tpu.dma_semaphore, #tpu.memory_space<semaphore_mem>>) src(%arg18 : memref<128x128xf32, #tpu.memory_space<vmem>>) dst(%dma_wait3A_284 : memref<3344x128xf32, #tpu.memory_space<vmem_shared>>)
        tpu.yield
      }) : () -> ()
      scf.yield %scan3A_174#0, %scan3A_174#1, %scan3A_174#2, %scan3A_174#3, %scan3A_174#4, %scan3A_174#5, %scan3A_174#6, %scan3A_174#7 : vector<16xf32>, vector<16xf32>, vector<16xf32>, vector<16xf32>, vector<16xf32>, vector<16xf32>, vector<16xf32>, vector<16xf32>
    }
    %while3A_43 = arith.constant 1 : i32
    %while3A_44:8 = scf.for %while3A_146 = %while3A_40 to %while3A_36 step %while3A_43 iter_args(%while3A_147 = %while3A_42#0, %while3A_148 = %while3A_42#1, %while3A_149 = %while3A_42#2, %while3A_150 = %while3A_42#3, %while3A_151 = %while3A_42#4, %while3A_152 = %while3A_42#5, %while3A_153 = %while3A_42#6, %while3A_154 = %while3A_42#7) -> (vector<16xf32>, vector<16xf32>, vector<16xf32>, vector<16xf32>, vector<16xf32>, vector<16xf32>, vector<16xf32>, vector<16xf32>)  : i32 {
      %mul3A_155 = arith.constant 32 : i32
      %mul3A_156 = arith.muli %mul3A_155, %while3A_146 : i32
      %add3A_157 = arith.addi %add3A, %mul3A_156 : i32
      %mul3A_158 = arith.constant 128 : i32
      %mul3A_159 = arith.muli %add3A_157, %mul3A_158 : i32
      "tpu.region"() ({
        %run_scoped3A = tpu.sem_alloc : memref<!tpu.dma_semaphore, #tpu.memory_space<semaphore_mem>>
        %dma_start3A_279 = tpu.memref_slice %arg5[%mul3A_159] : memref<320000xi32, #tpu.memory_space<hbm>> -> memref<128xi32, #tpu.memory_space<hbm>>
        %dma_start3A_280 = tpu.memref_slice %arg5[%mul3A_159] : memref<320000xi32, #tpu.memory_space<hbm>> -> memref<128xi32, #tpu.memory_space<hbm>>
        tpu.enqueue_dma source(%dma_start3A_280 : memref<128xi32, #tpu.memory_space<hbm>>) target(%arg11 : memref<128xi32, #tpu.memory_space<vmem>>) target_semaphore(%run_scoped3A : memref<!tpu.dma_semaphore, #tpu.memory_space<semaphore_mem>>)
        %dma_wait3A_281 = tpu.memref_slice %arg5[%mul3A_159] : memref<320000xi32, #tpu.memory_space<hbm>> -> memref<128xi32, #tpu.memory_space<hbm>>
        %dma_wait3A_282 = tpu.memref_slice %arg5[%mul3A_159] : memref<320000xi32, #tpu.memory_space<hbm>> -> memref<128xi32, #tpu.memory_space<hbm>>
        tpu.wait_dma2 semaphore(%run_scoped3A : memref<!tpu.dma_semaphore, #tpu.memory_space<semaphore_mem>>) src(%dma_wait3A_282 : memref<128xi32, #tpu.memory_space<hbm>>) dst(%arg11 : memref<128xi32, #tpu.memory_space<vmem>>)
        tpu.yield
      }) : () -> ()
      "tpu.region"() ({
        %run_scoped3A = tpu.sem_alloc : memref<!tpu.dma_semaphore, #tpu.memory_space<semaphore_mem>>
        %dma_start3A_279 = tpu.memref_slice %arg6[%mul3A_159] : memref<320000xi32, #tpu.memory_space<hbm>> -> memref<128xi32, #tpu.memory_space<hbm>>
        %dma_start3A_280 = tpu.memref_slice %arg6[%mul3A_159] : memref<320000xi32, #tpu.memory_space<hbm>> -> memref<128xi32, #tpu.memory_space<hbm>>
        tpu.enqueue_dma source(%dma_start3A_280 : memref<128xi32, #tpu.memory_space<hbm>>) target(%arg12 : memref<128xi32, #tpu.memory_space<vmem>>) target_semaphore(%run_scoped3A : memref<!tpu.dma_semaphore, #tpu.memory_space<semaphore_mem>>)
        %dma_wait3A_281 = tpu.memref_slice %arg6[%mul3A_159] : memref<320000xi32, #tpu.memory_space<hbm>> -> memref<128xi32, #tpu.memory_space<hbm>>
        %dma_wait3A_282 = tpu.memref_slice %arg6[%mul3A_159] : memref<320000xi32, #tpu.memory_space<hbm>> -> memref<128xi32, #tpu.memory_space<hbm>>
        tpu.wait_dma2 semaphore(%run_scoped3A : memref<!tpu.dma_semaphore, #tpu.memory_space<semaphore_mem>>) src(%dma_wait3A_282 : memref<128xi32, #tpu.memory_space<hbm>>) dst(%arg12 : memref<128xi32, #tpu.memory_space<vmem>>)
        tpu.yield
      }) : () -> ()
      %dma_start3A = arith.constant 0 : i32
      %dma_start3A_160 = arith.constant 0 : i32
      %dma_start3A_161 = tpu.memref_slice %arg2[%dma_start3A, %dma_start3A_160] : memref<10000x128xf32, #tpu.memory_space<hbm>> -> memref<10000x128xf32, #tpu.memory_space<hbm>>
      tpu.enqueue_indirect_dma source(%dma_start3A_161 : memref<10000x128xf32, #tpu.memory_space<hbm>>) target(%arg14 : memref<128x128xf32, #tpu.memory_space<vmem>>) offsets(%arg12 : memref<128xi32, #tpu.memory_space<vmem>>) semaphore(%arg22 : memref<!tpu.dma_semaphore, #tpu.memory_space<semaphore_mem>>)
      %dma_start3A_162 = arith.constant 0 : i32
      %dma_start3A_163 = arith.constant 0 : i32
      %dma_start3A_164 = tpu.memref_slice %arg3[%dma_start3A_162, %dma_start3A_163] : memref<10000x128xf32, #tpu.memory_space<hbm>> -> memref<10000x128xf32, #tpu.memory_space<hbm>>
      tpu.enqueue_indirect_dma source(%dma_start3A_164 : memref<10000x128xf32, #tpu.memory_space<hbm>>) target(%arg15 : memref<128x128xf32, #tpu.memory_space<vmem>>) offsets(%arg11 : memref<128xi32, #tpu.memory_space<vmem>>) semaphore(%arg23 : memref<!tpu.dma_semaphore, #tpu.memory_space<semaphore_mem>>)
      "tpu.region"() ({
        %run_scoped3A = tpu.sem_alloc : memref<!tpu.dma_semaphore, #tpu.memory_space<semaphore_mem>>
        %dma_start3A_279 = arith.constant 0 : i32
        %dma_start3A_280 = tpu.memref_slice %arg4[%mul3A_159, %dma_start3A_279] : memref<320000x64xf32, #tpu.memory_space<hbm>> -> memref<128x64xf32, #tpu.memory_space<hbm>>
        %dma_start3A_281 = arith.constant 0 : i32
        %dma_start3A_282 = tpu.memref_slice %arg4[%mul3A_159, %dma_start3A_281] : memref<320000x64xf32, #tpu.memory_space<hbm>> -> memref<128x64xf32, #tpu.memory_space<hbm>>
        tpu.enqueue_dma source(%dma_start3A_282 : memref<128x64xf32, #tpu.memory_space<hbm>>) target(%arg16 : memref<128x64xf32, #tpu.memory_space<vmem>>) target_semaphore(%run_scoped3A : memref<!tpu.dma_semaphore, #tpu.memory_space<semaphore_mem>>)
        %dma_wait3A_283 = arith.constant 0 : i32
        %dma_wait3A_284 = tpu.memref_slice %arg4[%mul3A_159, %dma_wait3A_283] : memref<320000x64xf32, #tpu.memory_space<hbm>> -> memref<128x64xf32, #tpu.memory_space<hbm>>
        %dma_wait3A_285 = arith.constant 0 : i32
        %dma_wait3A_286 = tpu.memref_slice %arg4[%mul3A_159, %dma_wait3A_285] : memref<320000x64xf32, #tpu.memory_space<hbm>> -> memref<128x64xf32, #tpu.memory_space<hbm>>
        tpu.wait_dma2 semaphore(%run_scoped3A : memref<!tpu.dma_semaphore, #tpu.memory_space<semaphore_mem>>) src(%dma_wait3A_286 : memref<128x64xf32, #tpu.memory_space<hbm>>) dst(%arg16 : memref<128x64xf32, #tpu.memory_space<vmem>>)
        tpu.yield
      }) : () -> ()
      %dma_wait3A = arith.constant 0 : i32
      %dma_wait3A_165 = arith.constant 0 : i32
      %dma_wait3A_166 = tpu.memref_slice %arg2[%dma_wait3A, %dma_wait3A_165] : memref<10000x128xf32, #tpu.memory_space<hbm>> -> memref<10000x128xf32, #tpu.memory_space<hbm>>
      tpu.wait_indirect_dma semaphore(%arg22 : memref<!tpu.dma_semaphore, #tpu.memory_space<semaphore_mem>>) src(%dma_wait3A_166 : memref<10000x128xf32, #tpu.memory_space<hbm>>) dst(%arg14 : memref<128x128xf32, #tpu.memory_space<vmem>>)
      %dma_wait3A_167 = arith.constant 0 : i32
      %dma_wait3A_168 = arith.constant 0 : i32
      %dma_wait3A_169 = tpu.memref_slice %arg3[%dma_wait3A_167, %dma_wait3A_168] : memref<10000x128xf32, #tpu.memory_space<hbm>> -> memref<10000x128xf32, #tpu.memory_space<hbm>>
      tpu.wait_indirect_dma semaphore(%arg23 : memref<!tpu.dma_semaphore, #tpu.memory_space<semaphore_mem>>) src(%dma_wait3A_169 : memref<10000x128xf32, #tpu.memory_space<hbm>>) dst(%arg15 : memref<128x128xf32, #tpu.memory_space<vmem>>)
      %scan3A_170 = arith.constant 0 : i32
      %scan3A_171 = arith.constant 128 : i32
      %scan3A_172 = arith.addi %scan3A_170, %scan3A_171 : i32
      %scan3A_173 = arith.constant 1 : i32
      %scan3A_174:8 = scf.for %scan3A_279 = %scan3A_170 to %scan3A_172 step %scan3A_173 iter_args(%scan3A_280 = %while3A_147, %scan3A_281 = %while3A_148, %scan3A_282 = %while3A_149, %scan3A_283 = %while3A_150, %scan3A_284 = %while3A_151, %scan3A_285 = %while3A_152, %scan3A_286 = %while3A_153, %scan3A_287 = %while3A_154) -> (vector<16xf32>, vector<16xf32>, vector<16xf32>, vector<16xf32>, vector<16xf32>, vector<16xf32>, vector<16xf32>, vector<16xf32>)  : i32 {
        %get3A_288 = arith.index_cast %scan3A_279 : i32 to index
        %get3A_289 = arith.constant 0 : index
        %get3A_290 = tpu.vector_load %arg14[%get3A_288, %get3A_289] {strides = array<i32>} : memref<128x128xf32, #tpu.memory_space<vmem>>, vector<1x16xf32>,
        %get3A_291 = vector.shape_cast %get3A_290 : vector<1x16xf32> to vector<16xf32>
        %get3A_292 = arith.index_cast %scan3A_279 : i32 to index
        %get3A_293 = arith.constant 0 : index
        %get3A_294 = tpu.vector_load %arg15[%get3A_292, %get3A_293] {strides = array<i32>} : memref<128x128xf32, #tpu.memory_space<vmem>>, vector<1x16xf32>,
        %get3A_295 = vector.shape_cast %get3A_294 : vector<1x16xf32> to vector<16xf32>
        %add3A_296 = arith.addf %get3A_291, %get3A_295 : vector<16xf32>
        %get3A_297 = arith.index_cast %scan3A_279 : i32 to index
        %get3A_298 = arith.constant 0 : index
        %get3A_299 = tpu.vector_load %arg16[%get3A_297, %get3A_298] {strides = array<i32>} : memref<128x64xf32, #tpu.memory_space<vmem>>, vector<1x16xf32>,
        %get3A_300 = vector.shape_cast %get3A_299 : vector<1x16xf32> to vector<16xf32>
        %add3A_301 = arith.addf %add3A_296, %get3A_300 : vector<16xf32>
        %neg3A = arith.constant 0.000000e+00 : f32
        %neg3A_302 = vector.broadcast %neg3A : f32 to vector<16xf32>
        %neg3A_303 = arith.subf %neg3A_302, %add3A_301 : vector<16xf32>
        %exp3A = math.exp %neg3A_303 : vector<16xf32>
        %add3A_304 = arith.constant 1.000000e+00 : f32
        %add3A_305 = vector.broadcast %add3A_304 : f32 to vector<16xf32>
        %add3A_306 = arith.addf %add3A_305, %exp3A : vector<16xf32>
        %div3A = arith.constant 1.000000e+00 : f32
        %div3A_307 = vector.broadcast %div3A : f32 to vector<16xf32>
        %div3A_308 = arith.divf %div3A_307, %add3A_306 : vector<16xf32>
        %swap3A_309 = arith.index_cast %scan3A_279 : i32 to index
        %swap3A_310 = arith.constant 0 : index
        %swap3A_311 = tpu.vector_load %arg17[%swap3A_309, %swap3A_310] {strides = array<i32>} : memref<128x64xf32, #tpu.memory_space<vmem>>, vector<1x16xf32>,
        %swap3A_312 = vector.shape_cast %swap3A_311 : vector<1x16xf32> to vector<16xf32>
        %swap3A_313 = vector.shape_cast %add3A_301 : vector<16xf32> to vector<1x16xf32>
        tpu.vector_store %arg17[%swap3A_309, %swap3A_310], %swap3A_313 {strides = array<i32>} : memref<128x64xf32, #tpu.memory_space<vmem>>, vector<1x16xf32>,
        %get3A_314 = arith.index_cast %scan3A_279 : i32 to index
        %get3A_315 = arith.constant 64 : index
        %get3A_316 = tpu.vector_load %arg15[%get3A_314, %get3A_315] {strides = array<i32>} : memref<128x128xf32, #tpu.memory_space<vmem>>, vector<1x16xf32>,
        %get3A_317 = vector.shape_cast %get3A_316 : vector<1x16xf32> to vector<16xf32>
        %mul3A_318 = arith.mulf %div3A_308, %get3A_317 : vector<16xf32>
        %swap3A_319 = arith.index_cast %scan3A_279 : i32 to index
        %swap3A_320 = arith.constant 0 : index
        %swap3A_321 = tpu.vector_load %arg18[%swap3A_319, %swap3A_320] {strides = array<i32>} : memref<128x128xf32, #tpu.memory_space<vmem>>, vector<1x16xf32>,
        %swap3A_322 = vector.shape_cast %swap3A_321 : vector<1x16xf32> to vector<16xf32>
        %swap3A_323 = vector.shape_cast %mul3A_318 : vector<16xf32> to vector<1x16xf32>
        tpu.vector_store %arg18[%swap3A_319, %swap3A_320], %swap3A_323 {strides = array<i32>} : memref<128x128xf32, #tpu.memory_space<vmem>>, vector<1x16xf32>,
        %swap3A_324 = arith.index_cast %scan3A_279 : i32 to index
        %swap3A_325 = arith.constant 64 : index
        %swap3A_326 = tpu.vector_load %arg18[%swap3A_324, %swap3A_325] {strides = array<i32>} : memref<128x128xf32, #tpu.memory_space<vmem>>, vector<1x16xf32>,
        %swap3A_327 = vector.shape_cast %swap3A_326 : vector<1x16xf32> to vector<16xf32>
        %swap3A_328 = vector.shape_cast %div3A_308 : vector<16xf32> to vector<1x16xf32>
        tpu.vector_store %arg18[%swap3A_324, %swap3A_325], %swap3A_328 {strides = array<i32>} : memref<128x128xf32, #tpu.memory_space<vmem>>, vector<1x16xf32>,
        %add3A_329 = arith.addf %scan3A_280, %add3A_301 : vector<16xf32>
        %mul3A_330 = arith.mulf %add3A_301, %add3A_301 : vector<16xf32>
        %add3A_331 = arith.addf %scan3A_284, %mul3A_330 : vector<16xf32>
        %get3A_332 = arith.index_cast %scan3A_279 : i32 to index
        %get3A_333 = arith.constant 16 : index
        %get3A_334 = tpu.vector_load %arg14[%get3A_332, %get3A_333] {strides = array<i32>} : memref<128x128xf32, #tpu.memory_space<vmem>>, vector<1x16xf32>,
        %get3A_335 = vector.shape_cast %get3A_334 : vector<1x16xf32> to vector<16xf32>
        %get3A_336 = arith.index_cast %scan3A_279 : i32 to index
        %get3A_337 = arith.constant 16 : index
        %get3A_338 = tpu.vector_load %arg15[%get3A_336, %get3A_337] {strides = array<i32>} : memref<128x128xf32, #tpu.memory_space<vmem>>, vector<1x16xf32>,
        %get3A_339 = vector.shape_cast %get3A_338 : vector<1x16xf32> to vector<16xf32>
        %add3A_340 = arith.addf %get3A_335, %get3A_339 : vector<16xf32>
        %get3A_341 = arith.index_cast %scan3A_279 : i32 to index
        %get3A_342 = arith.constant 16 : index
        %get3A_343 = tpu.vector_load %arg16[%get3A_341, %get3A_342] {strides = array<i32>} : memref<128x64xf32, #tpu.memory_space<vmem>>, vector<1x16xf32>,
        %get3A_344 = vector.shape_cast %get3A_343 : vector<1x16xf32> to vector<16xf32>
        %add3A_345 = arith.addf %add3A_340, %get3A_344 : vector<16xf32>
        %neg3A_346 = arith.constant 0.000000e+00 : f32
        %neg3A_347 = vector.broadcast %neg3A_346 : f32 to vector<16xf32>
        %neg3A_348 = arith.subf %neg3A_347, %add3A_345 : vector<16xf32>
        %exp3A_349 = math.exp %neg3A_348 : vector<16xf32>
        %add3A_350 = arith.constant 1.000000e+00 : f32
        %add3A_351 = vector.broadcast %add3A_350 : f32 to vector<16xf32>
        %add3A_352 = arith.addf %add3A_351, %exp3A_349 : vector<16xf32>
        %div3A_353 = arith.constant 1.000000e+00 : f32
        %div3A_354 = vector.broadcast %div3A_353 : f32 to vector<16xf32>
        %div3A_355 = arith.divf %div3A_354, %add3A_352 : vector<16xf32>
        %swap3A_356 = arith.index_cast %scan3A_279 : i32 to index
        %swap3A_357 = arith.constant 16 : index
        %swap3A_358 = tpu.vector_load %arg17[%swap3A_356, %swap3A_357] {strides = array<i32>} : memref<128x64xf32, #tpu.memory_space<vmem>>, vector<1x16xf32>,
        %swap3A_359 = vector.shape_cast %swap3A_358 : vector<1x16xf32> to vector<16xf32>
        %swap3A_360 = vector.shape_cast %add3A_345 : vector<16xf32> to vector<1x16xf32>
        tpu.vector_store %arg17[%swap3A_356, %swap3A_357], %swap3A_360 {strides = array<i32>} : memref<128x64xf32, #tpu.memory_space<vmem>>, vector<1x16xf32>,
        %get3A_361 = arith.index_cast %scan3A_279 : i32 to index
        %get3A_362 = arith.constant 80 : index
        %get3A_363 = tpu.vector_load %arg15[%get3A_361, %get3A_362] {strides = array<i32>} : memref<128x128xf32, #tpu.memory_space<vmem>>, vector<1x16xf32>,
        %get3A_364 = vector.shape_cast %get3A_363 : vector<1x16xf32> to vector<16xf32>
        %mul3A_365 = arith.mulf %div3A_355, %get3A_364 : vector<16xf32>
        %swap3A_366 = arith.index_cast %scan3A_279 : i32 to index
        %swap3A_367 = arith.constant 16 : index
        %swap3A_368 = tpu.vector_load %arg18[%swap3A_366, %swap3A_367] {strides = array<i32>} : memref<128x128xf32, #tpu.memory_space<vmem>>, vector<1x16xf32>,
        %swap3A_369 = vector.shape_cast %swap3A_368 : vector<1x16xf32> to vector<16xf32>
        %swap3A_370 = vector.shape_cast %mul3A_365 : vector<16xf32> to vector<1x16xf32>
        tpu.vector_store %arg18[%swap3A_366, %swap3A_367], %swap3A_370 {strides = array<i32>} : memref<128x128xf32, #tpu.memory_space<vmem>>, vector<1x16xf32>,
        %swap3A_371 = arith.index_cast %scan3A_279 : i32 to index
        %swap3A_372 = arith.constant 80 : index
        %swap3A_373 = tpu.vector_load %arg18[%swap3A_371, %swap3A_372] {strides = array<i32>} : memref<128x128xf32, #tpu.memory_space<vmem>>, vector<1x16xf32>,
        %swap3A_374 = vector.shape_cast %swap3A_373 : vector<1x16xf32> to vector<16xf32>
        %swap3A_375 = vector.shape_cast %div3A_355 : vector<16xf32> to vector<1x16xf32>
        tpu.vector_store %arg18[%swap3A_371, %swap3A_372], %swap3A_375 {strides = array<i32>} : memref<128x128xf32, #tpu.memory_space<vmem>>, vector<1x16xf32>,
        %add3A_376 = arith.addf %scan3A_281, %add3A_345 : vector<16xf32>
        %mul3A_377 = arith.mulf %add3A_345, %add3A_345 : vector<16xf32>
        %add3A_378 = arith.addf %scan3A_285, %mul3A_377 : vector<16xf32>
        %get3A_379 = arith.index_cast %scan3A_279 : i32 to index
        %get3A_380 = arith.constant 32 : index
        %get3A_381 = tpu.vector_load %arg14[%get3A_379, %get3A_380] {strides = array<i32>} : memref<128x128xf32, #tpu.memory_space<vmem>>, vector<1x16xf32>,
        %get3A_382 = vector.shape_cast %get3A_381 : vector<1x16xf32> to vector<16xf32>
        %get3A_383 = arith.index_cast %scan3A_279 : i32 to index
        %get3A_384 = arith.constant 32 : index
        %get3A_385 = tpu.vector_load %arg15[%get3A_383, %get3A_384] {strides = array<i32>} : memref<128x128xf32, #tpu.memory_space<vmem>>, vector<1x16xf32>,
        %get3A_386 = vector.shape_cast %get3A_385 : vector<1x16xf32> to vector<16xf32>
        %add3A_387 = arith.addf %get3A_382, %get3A_386 : vector<16xf32>
        %get3A_388 = arith.index_cast %scan3A_279 : i32 to index
        %get3A_389 = arith.constant 32 : index
        %get3A_390 = tpu.vector_load %arg16[%get3A_388, %get3A_389] {strides = array<i32>} : memref<128x64xf32, #tpu.memory_space<vmem>>, vector<1x16xf32>,
        %get3A_391 = vector.shape_cast %get3A_390 : vector<1x16xf32> to vector<16xf32>
        %add3A_392 = arith.addf %add3A_387, %get3A_391 : vector<16xf32>
        %neg3A_393 = arith.constant 0.000000e+00 : f32
        %neg3A_394 = vector.broadcast %neg3A_393 : f32 to vector<16xf32>
        %neg3A_395 = arith.subf %neg3A_394, %add3A_392 : vector<16xf32>
        %exp3A_396 = math.exp %neg3A_395 : vector<16xf32>
        %add3A_397 = arith.constant 1.000000e+00 : f32
        %add3A_398 = vector.broadcast %add3A_397 : f32 to vector<16xf32>
        %add3A_399 = arith.addf %add3A_398, %exp3A_396 : vector<16xf32>
        %div3A_400 = arith.constant 1.000000e+00 : f32
        %div3A_401 = vector.broadcast %div3A_400 : f32 to vector<16xf32>
        %div3A_402 = arith.divf %div3A_401, %add3A_399 : vector<16xf32>
        %swap3A_403 = arith.index_cast %scan3A_279 : i32 to index
        %swap3A_404 = arith.constant 32 : index
        %swap3A_405 = tpu.vector_load %arg17[%swap3A_403, %swap3A_404] {strides = array<i32>} : memref<128x64xf32, #tpu.memory_space<vmem>>, vector<1x16xf32>,
        %swap3A_406 = vector.shape_cast %swap3A_405 : vector<1x16xf32> to vector<16xf32>
        %swap3A_407 = vector.shape_cast %add3A_392 : vector<16xf32> to vector<1x16xf32>
        tpu.vector_store %arg17[%swap3A_403, %swap3A_404], %swap3A_407 {strides = array<i32>} : memref<128x64xf32, #tpu.memory_space<vmem>>, vector<1x16xf32>,
        %get3A_408 = arith.index_cast %scan3A_279 : i32 to index
        %get3A_409 = arith.constant 96 : index
        %get3A_410 = tpu.vector_load %arg15[%get3A_408, %get3A_409] {strides = array<i32>} : memref<128x128xf32, #tpu.memory_space<vmem>>, vector<1x16xf32>,
        %get3A_411 = vector.shape_cast %get3A_410 : vector<1x16xf32> to vector<16xf32>
        %mul3A_412 = arith.mulf %div3A_402, %get3A_411 : vector<16xf32>
        %swap3A_413 = arith.index_cast %scan3A_279 : i32 to index
        %swap3A_414 = arith.constant 32 : index
        %swap3A_415 = tpu.vector_load %arg18[%swap3A_413, %swap3A_414] {strides = array<i32>} : memref<128x128xf32, #tpu.memory_space<vmem>>, vector<1x16xf32>,
        %swap3A_416 = vector.shape_cast %swap3A_415 : vector<1x16xf32> to vector<16xf32>
        %swap3A_417 = vector.shape_cast %mul3A_412 : vector<16xf32> to vector<1x16xf32>
        tpu.vector_store %arg18[%swap3A_413, %swap3A_414], %swap3A_417 {strides = array<i32>} : memref<128x128xf32, #tpu.memory_space<vmem>>, vector<1x16xf32>,
        %swap3A_418 = arith.index_cast %scan3A_279 : i32 to index
        %swap3A_419 = arith.constant 96 : index
        %swap3A_420 = tpu.vector_load %arg18[%swap3A_418, %swap3A_419] {strides = array<i32>} : memref<128x128xf32, #tpu.memory_space<vmem>>, vector<1x16xf32>,
        %swap3A_421 = vector.shape_cast %swap3A_420 : vector<1x16xf32> to vector<16xf32>
        %swap3A_422 = vector.shape_cast %div3A_402 : vector<16xf32> to vector<1x16xf32>
        tpu.vector_store %arg18[%swap3A_418, %swap3A_419], %swap3A_422 {strides = array<i32>} : memref<128x128xf32, #tpu.memory_space<vmem>>, vector<1x16xf32>,
        %add3A_423 = arith.addf %scan3A_282, %add3A_392 : vector<16xf32>
        %mul3A_424 = arith.mulf %add3A_392, %add3A_392 : vector<16xf32>
        %add3A_425 = arith.addf %scan3A_286, %mul3A_424 : vector<16xf32>
        %get3A_426 = arith.index_cast %scan3A_279 : i32 to index
        %get3A_427 = arith.constant 48 : index
        %get3A_428 = tpu.vector_load %arg14[%get3A_426, %get3A_427] {strides = array<i32>} : memref<128x128xf32, #tpu.memory_space<vmem>>, vector<1x16xf32>,
        %get3A_429 = vector.shape_cast %get3A_428 : vector<1x16xf32> to vector<16xf32>
        %get3A_430 = arith.index_cast %scan3A_279 : i32 to index
        %get3A_431 = arith.constant 48 : index
        %get3A_432 = tpu.vector_load %arg15[%get3A_430, %get3A_431] {strides = array<i32>} : memref<128x128xf32, #tpu.memory_space<vmem>>, vector<1x16xf32>,
        %get3A_433 = vector.shape_cast %get3A_432 : vector<1x16xf32> to vector<16xf32>
        %add3A_434 = arith.addf %get3A_429, %get3A_433 : vector<16xf32>
        %get3A_435 = arith.index_cast %scan3A_279 : i32 to index
        %get3A_436 = arith.constant 48 : index
        %get3A_437 = tpu.vector_load %arg16[%get3A_435, %get3A_436] {strides = array<i32>} : memref<128x64xf32, #tpu.memory_space<vmem>>, vector<1x16xf32>,
        %get3A_438 = vector.shape_cast %get3A_437 : vector<1x16xf32> to vector<16xf32>
        %add3A_439 = arith.addf %add3A_434, %get3A_438 : vector<16xf32>
        %neg3A_440 = arith.constant 0.000000e+00 : f32
        %neg3A_441 = vector.broadcast %neg3A_440 : f32 to vector<16xf32>
        %neg3A_442 = arith.subf %neg3A_441, %add3A_439 : vector<16xf32>
        %exp3A_443 = math.exp %neg3A_442 : vector<16xf32>
        %add3A_444 = arith.constant 1.000000e+00 : f32
        %add3A_445 = vector.broadcast %add3A_444 : f32 to vector<16xf32>
        %add3A_446 = arith.addf %add3A_445, %exp3A_443 : vector<16xf32>
        %div3A_447 = arith.constant 1.000000e+00 : f32
        %div3A_448 = vector.broadcast %div3A_447 : f32 to vector<16xf32>
        %div3A_449 = arith.divf %div3A_448, %add3A_446 : vector<16xf32>
        %swap3A_450 = arith.index_cast %scan3A_279 : i32 to index
        %swap3A_451 = arith.constant 48 : index
        %swap3A_452 = tpu.vector_load %arg17[%swap3A_450, %swap3A_451] {strides = array<i32>} : memref<128x64xf32, #tpu.memory_space<vmem>>, vector<1x16xf32>,
        %swap3A_453 = vector.shape_cast %swap3A_452 : vector<1x16xf32> to vector<16xf32>
        %swap3A_454 = vector.shape_cast %add3A_439 : vector<16xf32> to vector<1x16xf32>
        tpu.vector_store %arg17[%swap3A_450, %swap3A_451], %swap3A_454 {strides = array<i32>} : memref<128x64xf32, #tpu.memory_space<vmem>>, vector<1x16xf32>,
        %get3A_455 = arith.index_cast %scan3A_279 : i32 to index
        %get3A_456 = arith.constant 112 : index
        %get3A_457 = tpu.vector_load %arg15[%get3A_455, %get3A_456] {strides = array<i32>} : memref<128x128xf32, #tpu.memory_space<vmem>>, vector<1x16xf32>,
        %get3A_458 = vector.shape_cast %get3A_457 : vector<1x16xf32> to vector<16xf32>
        %mul3A_459 = arith.mulf %div3A_449, %get3A_458 : vector<16xf32>
        %swap3A_460 = arith.index_cast %scan3A_279 : i32 to index
        %swap3A_461 = arith.constant 48 : index
        %swap3A_462 = tpu.vector_load %arg18[%swap3A_460, %swap3A_461] {strides = array<i32>} : memref<128x128xf32, #tpu.memory_space<vmem>>, vector<1x16xf32>,
        %swap3A_463 = vector.shape_cast %swap3A_462 : vector<1x16xf32> to vector<16xf32>
        %swap3A_464 = vector.shape_cast %mul3A_459 : vector<16xf32> to vector<1x16xf32>
        tpu.vector_store %arg18[%swap3A_460, %swap3A_461], %swap3A_464 {strides = array<i32>} : memref<128x128xf32, #tpu.memory_space<vmem>>, vector<1x16xf32>,
        %swap3A_465 = arith.index_cast %scan3A_279 : i32 to index
        %swap3A_466 = arith.constant 112 : index
        %swap3A_467 = tpu.vector_load %arg18[%swap3A_465, %swap3A_466] {strides = array<i32>} : memref<128x128xf32, #tpu.memory_space<vmem>>, vector<1x16xf32>,
        %swap3A_468 = vector.shape_cast %swap3A_467 : vector<1x16xf32> to vector<16xf32>
        %swap3A_469 = vector.shape_cast %div3A_449 : vector<16xf32> to vector<1x16xf32>
        tpu.vector_store %arg18[%swap3A_465, %swap3A_466], %swap3A_469 {strides = array<i32>} : memref<128x128xf32, #tpu.memory_space<vmem>>, vector<1x16xf32>,
        %add3A_470 = arith.addf %scan3A_283, %add3A_439 : vector<16xf32>
        %mul3A_471 = arith.mulf %add3A_439, %add3A_439 : vector<16xf32>
        %add3A_472 = arith.addf %scan3A_287, %mul3A_471 : vector<16xf32>
        scf.yield %add3A_329, %add3A_376, %add3A_423, %add3A_470, %add3A_331, %add3A_378, %add3A_425, %add3A_472 : vector<16xf32>, vector<16xf32>, vector<16xf32>, vector<16xf32>, vector<16xf32>, vector<16xf32>, vector<16xf32>, vector<16xf32>
      }
      %scan3A_175 = arith.constant 128 : i32
      %get3A = arith.constant 0 : index
      %get3A_176 = tpu.vector_load %arg12[%get3A] {strides = array<i32>} : memref<128xi32, #tpu.memory_space<vmem>>, vector<16xi32>,
      %get3A_177 = vector.shape_cast %get3A_176 : vector<16xi32> to vector<16xi32>
      %lt3A_178 = arith.constant 3336 : i32
      %lt3A_179 = vector.broadcast %lt3A_178 : i32 to vector<16xi32>
      %lt3A_180 = arith.cmpi slt, %get3A_177, %lt3A_179 : vector<16xi32>
      %jit3A_181 = arith.constant 3336 : i32
      %broadcast_in_dim3A_182 = vector.broadcast %jit3A_181 : i32 to vector<16xi32>
      %select_n3A_183 = arith.select %lt3A_180, %get3A_177, %broadcast_in_dim3A_182 : vector<16xi1>, vector<16xi32>
      %swap3A_184 = arith.constant 0 : index
      %swap3A_185 = tpu.vector_load %arg13[%swap3A_184] {strides = array<i32>} : memref<128xi32, #tpu.memory_space<vmem>>, vector<16xi32>,
      %swap3A_186 = vector.shape_cast %swap3A_185 : vector<16xi32> to vector<16xi32>
      %swap3A_187 = vector.shape_cast %select_n3A_183 : vector<16xi32> to vector<16xi32>
      tpu.vector_store %arg13[%swap3A_184], %swap3A_187 {strides = array<i32>} : memref<128xi32, #tpu.memory_space<vmem>>, vector<16xi32>,
      %get3A_188 = arith.constant 16 : index
      %get3A_189 = tpu.vector_load %arg12[%get3A_188] {strides = array<i32>} : memref<128xi32, #tpu.memory_space<vmem>>, vector<16xi32>,
      %get3A_190 = vector.shape_cast %get3A_189 : vector<16xi32> to vector<16xi32>
      %lt3A_191 = arith.constant 3336 : i32
      %lt3A_192 = vector.broadcast %lt3A_191 : i32 to vector<16xi32>
      %lt3A_193 = arith.cmpi slt, %get3A_190, %lt3A_192 : vector<16xi32>
      %jit3A_194 = arith.constant 3336 : i32
      %broadcast_in_dim3A_195 = vector.broadcast %jit3A_194 : i32 to vector<16xi32>
      %select_n3A_196 = arith.select %lt3A_193, %get3A_190, %broadcast_in_dim3A_195 : vector<16xi1>, vector<16xi32>
      %swap3A_197 = arith.constant 16 : index
      %swap3A_198 = tpu.vector_load %arg13[%swap3A_197] {strides = array<i32>} : memref<128xi32, #tpu.memory_space<vmem>>, vector<16xi32>,
      %swap3A_199 = vector.shape_cast %swap3A_198 : vector<16xi32> to vector<16xi32>
      %swap3A_200 = vector.shape_cast %select_n3A_196 : vector<16xi32> to vector<16xi32>
      tpu.vector_store %arg13[%swap3A_197], %swap3A_200 {strides = array<i32>} : memref<128xi32, #tpu.memory_space<vmem>>, vector<16xi32>,
      %get3A_201 = arith.constant 32 : index
      %get3A_202 = tpu.vector_load %arg12[%get3A_201] {strides = array<i32>} : memref<128xi32, #tpu.memory_space<vmem>>, vector<16xi32>,
      %get3A_203 = vector.shape_cast %get3A_202 : vector<16xi32> to vector<16xi32>
      %lt3A_204 = arith.constant 3336 : i32
      %lt3A_205 = vector.broadcast %lt3A_204 : i32 to vector<16xi32>
      %lt3A_206 = arith.cmpi slt, %get3A_203, %lt3A_205 : vector<16xi32>
      %jit3A_207 = arith.constant 3336 : i32
      %broadcast_in_dim3A_208 = vector.broadcast %jit3A_207 : i32 to vector<16xi32>
      %select_n3A_209 = arith.select %lt3A_206, %get3A_203, %broadcast_in_dim3A_208 : vector<16xi1>, vector<16xi32>
      %swap3A_210 = arith.constant 32 : index
      %swap3A_211 = tpu.vector_load %arg13[%swap3A_210] {strides = array<i32>} : memref<128xi32, #tpu.memory_space<vmem>>, vector<16xi32>,
      %swap3A_212 = vector.shape_cast %swap3A_211 : vector<16xi32> to vector<16xi32>
      %swap3A_213 = vector.shape_cast %select_n3A_209 : vector<16xi32> to vector<16xi32>
      tpu.vector_store %arg13[%swap3A_210], %swap3A_213 {strides = array<i32>} : memref<128xi32, #tpu.memory_space<vmem>>, vector<16xi32>,
      %get3A_214 = arith.constant 48 : index
      %get3A_215 = tpu.vector_load %arg12[%get3A_214] {strides = array<i32>} : memref<128xi32, #tpu.memory_space<vmem>>, vector<16xi32>,
      %get3A_216 = vector.shape_cast %get3A_215 : vector<16xi32> to vector<16xi32>
      %lt3A_217 = arith.constant 3336 : i32
      %lt3A_218 = vector.broadcast %lt3A_217 : i32 to vector<16xi32>
      %lt3A_219 = arith.cmpi slt, %get3A_216, %lt3A_218 : vector<16xi32>
      %jit3A_220 = arith.constant 3336 : i32
      %broadcast_in_dim3A_221 = vector.broadcast %jit3A_220 : i32 to vector<16xi32>
      %select_n3A_222 = arith.select %lt3A_219, %get3A_216, %broadcast_in_dim3A_221 : vector<16xi1>, vector<16xi32>
      %swap3A_223 = arith.constant 48 : index
      %swap3A_224 = tpu.vector_load %arg13[%swap3A_223] {strides = array<i32>} : memref<128xi32, #tpu.memory_space<vmem>>, vector<16xi32>,
      %swap3A_225 = vector.shape_cast %swap3A_224 : vector<16xi32> to vector<16xi32>
      %swap3A_226 = vector.shape_cast %select_n3A_222 : vector<16xi32> to vector<16xi32>
      tpu.vector_store %arg13[%swap3A_223], %swap3A_226 {strides = array<i32>} : memref<128xi32, #tpu.memory_space<vmem>>, vector<16xi32>,
      %get3A_227 = arith.constant 64 : index
      %get3A_228 = tpu.vector_load %arg12[%get3A_227] {strides = array<i32>} : memref<128xi32, #tpu.memory_space<vmem>>, vector<16xi32>,
      %get3A_229 = vector.shape_cast %get3A_228 : vector<16xi32> to vector<16xi32>
      %lt3A_230 = arith.constant 3336 : i32
      %lt3A_231 = vector.broadcast %lt3A_230 : i32 to vector<16xi32>
      %lt3A_232 = arith.cmpi slt, %get3A_229, %lt3A_231 : vector<16xi32>
      %jit3A_233 = arith.constant 3336 : i32
      %broadcast_in_dim3A_234 = vector.broadcast %jit3A_233 : i32 to vector<16xi32>
      %select_n3A_235 = arith.select %lt3A_232, %get3A_229, %broadcast_in_dim3A_234 : vector<16xi1>, vector<16xi32>
      %swap3A_236 = arith.constant 64 : index
      %swap3A_237 = tpu.vector_load %arg13[%swap3A_236] {strides = array<i32>} : memref<128xi32, #tpu.memory_space<vmem>>, vector<16xi32>,
      %swap3A_238 = vector.shape_cast %swap3A_237 : vector<16xi32> to vector<16xi32>
      %swap3A_239 = vector.shape_cast %select_n3A_235 : vector<16xi32> to vector<16xi32>
      tpu.vector_store %arg13[%swap3A_236], %swap3A_239 {strides = array<i32>} : memref<128xi32, #tpu.memory_space<vmem>>, vector<16xi32>,
      %get3A_240 = arith.constant 80 : index
      %get3A_241 = tpu.vector_load %arg12[%get3A_240] {strides = array<i32>} : memref<128xi32, #tpu.memory_space<vmem>>, vector<16xi32>,
      %get3A_242 = vector.shape_cast %get3A_241 : vector<16xi32> to vector<16xi32>
      %lt3A_243 = arith.constant 3336 : i32
      %lt3A_244 = vector.broadcast %lt3A_243 : i32 to vector<16xi32>
      %lt3A_245 = arith.cmpi slt, %get3A_242, %lt3A_244 : vector<16xi32>
      %jit3A_246 = arith.constant 3336 : i32
      %broadcast_in_dim3A_247 = vector.broadcast %jit3A_246 : i32 to vector<16xi32>
      %select_n3A_248 = arith.select %lt3A_245, %get3A_242, %broadcast_in_dim3A_247 : vector<16xi1>, vector<16xi32>
      %swap3A_249 = arith.constant 80 : index
      %swap3A_250 = tpu.vector_load %arg13[%swap3A_249] {strides = array<i32>} : memref<128xi32, #tpu.memory_space<vmem>>, vector<16xi32>,
      %swap3A_251 = vector.shape_cast %swap3A_250 : vector<16xi32> to vector<16xi32>
      %swap3A_252 = vector.shape_cast %select_n3A_248 : vector<16xi32> to vector<16xi32>
      tpu.vector_store %arg13[%swap3A_249], %swap3A_252 {strides = array<i32>} : memref<128xi32, #tpu.memory_space<vmem>>, vector<16xi32>,
      %get3A_253 = arith.constant 96 : index
      %get3A_254 = tpu.vector_load %arg12[%get3A_253] {strides = array<i32>} : memref<128xi32, #tpu.memory_space<vmem>>, vector<16xi32>,
      %get3A_255 = vector.shape_cast %get3A_254 : vector<16xi32> to vector<16xi32>
      %lt3A_256 = arith.constant 3336 : i32
      %lt3A_257 = vector.broadcast %lt3A_256 : i32 to vector<16xi32>
      %lt3A_258 = arith.cmpi slt, %get3A_255, %lt3A_257 : vector<16xi32>
      %jit3A_259 = arith.constant 3336 : i32
      %broadcast_in_dim3A_260 = vector.broadcast %jit3A_259 : i32 to vector<16xi32>
      %select_n3A_261 = arith.select %lt3A_258, %get3A_255, %broadcast_in_dim3A_260 : vector<16xi1>, vector<16xi32>
      %swap3A_262 = arith.constant 96 : index
      %swap3A_263 = tpu.vector_load %arg13[%swap3A_262] {strides = array<i32>} : memref<128xi32, #tpu.memory_space<vmem>>, vector<16xi32>,
      %swap3A_264 = vector.shape_cast %swap3A_263 : vector<16xi32> to vector<16xi32>
      %swap3A_265 = vector.shape_cast %select_n3A_261 : vector<16xi32> to vector<16xi32>
      tpu.vector_store %arg13[%swap3A_262], %swap3A_265 {strides = array<i32>} : memref<128xi32, #tpu.memory_space<vmem>>, vector<16xi32>,
      %get3A_266 = arith.constant 112 : index
      %get3A_267 = tpu.vector_load %arg12[%get3A_266] {strides = array<i32>} : memref<128xi32, #tpu.memory_space<vmem>>, vector<16xi32>,
      %get3A_268 = vector.shape_cast %get3A_267 : vector<16xi32> to vector<16xi32>
      %lt3A_269 = arith.constant 3336 : i32
      %lt3A_270 = vector.broadcast %lt3A_269 : i32 to vector<16xi32>
      %lt3A_271 = arith.cmpi slt, %get3A_268, %lt3A_270 : vector<16xi32>
      %jit3A_272 = arith.constant 3336 : i32
      %broadcast_in_dim3A_273 = vector.broadcast %jit3A_272 : i32 to vector<16xi32>
      %select_n3A_274 = arith.select %lt3A_271, %get3A_268, %broadcast_in_dim3A_273 : vector<16xi1>, vector<16xi32>
      %swap3A_275 = arith.constant 112 : index
      %swap3A_276 = tpu.vector_load %arg13[%swap3A_275] {strides = array<i32>} : memref<128xi32, #tpu.memory_space<vmem>>, vector<16xi32>,
      %swap3A_277 = vector.shape_cast %swap3A_276 : vector<16xi32> to vector<16xi32>
      %swap3A_278 = vector.shape_cast %select_n3A_274 : vector<16xi32> to vector<16xi32>
      tpu.vector_store %arg13[%swap3A_275], %swap3A_278 {strides = array<i32>} : memref<128xi32, #tpu.memory_space<vmem>>, vector<16xi32>,
      "tpu.region"() ({
        %run_scoped3A = tpu.sem_alloc : memref<!tpu.dma_semaphore, #tpu.memory_space<semaphore_mem>>
        %dma_start3A_279 = arith.constant 0 : i32
        %dma_start3A_280 = tpu.memref_slice %arg7[%mul3A_159, %dma_start3A_279] : memref<320000x64xf32, #tpu.memory_space<hbm>> -> memref<128x64xf32, #tpu.memory_space<hbm>>
        %dma_start3A_281 = arith.constant 0 : i32
        %dma_start3A_282 = tpu.memref_slice %arg7[%mul3A_159, %dma_start3A_281] : memref<320000x64xf32, #tpu.memory_space<hbm>> -> memref<128x64xf32, #tpu.memory_space<hbm>>
        tpu.enqueue_dma source(%arg17 : memref<128x64xf32, #tpu.memory_space<vmem>>) target(%dma_start3A_282 : memref<128x64xf32, #tpu.memory_space<hbm>>) target_semaphore(%run_scoped3A : memref<!tpu.dma_semaphore, #tpu.memory_space<semaphore_mem>>)
        %dma_wait3A_283 = arith.constant 0 : i32
        %dma_wait3A_284 = tpu.memref_slice %arg7[%mul3A_159, %dma_wait3A_283] : memref<320000x64xf32, #tpu.memory_space<hbm>> -> memref<128x64xf32, #tpu.memory_space<hbm>>
        %dma_wait3A_285 = arith.constant 0 : i32
        %dma_wait3A_286 = tpu.memref_slice %arg7[%mul3A_159, %dma_wait3A_285] : memref<320000x64xf32, #tpu.memory_space<hbm>> -> memref<128x64xf32, #tpu.memory_space<hbm>>
        tpu.wait_dma2 semaphore(%run_scoped3A : memref<!tpu.dma_semaphore, #tpu.memory_space<semaphore_mem>>) src(%arg17 : memref<128x64xf32, #tpu.memory_space<vmem>>) dst(%dma_wait3A_286 : memref<128x64xf32, #tpu.memory_space<hbm>>)
        tpu.yield
      }) : () -> ()
      "tpu.region"() ({
        %run_scoped3A = tpu.sem_alloc : memref<!tpu.dma_semaphore, #tpu.memory_space<semaphore_mem>>
        %dma_start3A_279 = arith.constant 0 : i32
        %dma_start3A_280 = tpu.memref_slice %arg10[%mul3A_159, %dma_start3A_279] : memref<320000x128xf32, #tpu.memory_space<hbm>> -> memref<128x128xf32, #tpu.memory_space<hbm>>
        %dma_start3A_281 = arith.constant 0 : i32
        %dma_start3A_282 = tpu.memref_slice %arg10[%mul3A_159, %dma_start3A_281] : memref<320000x128xf32, #tpu.memory_space<hbm>> -> memref<128x128xf32, #tpu.memory_space<hbm>>
        tpu.enqueue_dma source(%arg18 : memref<128x128xf32, #tpu.memory_space<vmem>>) target(%dma_start3A_282 : memref<128x128xf32, #tpu.memory_space<hbm>>) target_semaphore(%run_scoped3A : memref<!tpu.dma_semaphore, #tpu.memory_space<semaphore_mem>>)
        %dma_wait3A_283 = arith.constant 0 : i32
        %dma_wait3A_284 = tpu.memref_slice %arg10[%mul3A_159, %dma_wait3A_283] : memref<320000x128xf32, #tpu.memory_space<hbm>> -> memref<128x128xf32, #tpu.memory_space<hbm>>
        %dma_wait3A_285 = arith.constant 0 : i32
        %dma_wait3A_286 = tpu.memref_slice %arg10[%mul3A_159, %dma_wait3A_285] : memref<320000x128xf32, #tpu.memory_space<hbm>> -> memref<128x128xf32, #tpu.memory_space<hbm>>
        tpu.wait_dma2 semaphore(%run_scoped3A : memref<!tpu.dma_semaphore, #tpu.memory_space<semaphore_mem>>) src(%arg18 : memref<128x128xf32, #tpu.memory_space<vmem>>) dst(%dma_wait3A_286 : memref<128x128xf32, #tpu.memory_space<hbm>>)
        tpu.yield
      }) : () -> ()
      "tpu.region"() ({
        %run_scoped3A = tpu.sem_alloc : memref<!tpu.dma_semaphore, #tpu.memory_space<semaphore_mem>>
        %dma_start3A_279 = arith.constant 0 : i32
        %dma_start3A_280 = arith.constant 0 : i32
        %dma_start3A_281 = tpu.memref_slice %arg21[%dma_start3A_279, %dma_start3A_280] : memref<3344x128xf32, #tpu.memory_space<vmem_shared>> -> memref<3344x128xf32, #tpu.memory_space<vmem_shared>>
        tpu.enqueue_indirect_dma source(%arg18 : memref<128x128xf32, #tpu.memory_space<vmem>>) target(%dma_start3A_281 : memref<3344x128xf32, #tpu.memory_space<vmem_shared>>) offsets(%arg13 : memref<128xi32, #tpu.memory_space<vmem>>) semaphore(%run_scoped3A : memref<!tpu.dma_semaphore, #tpu.memory_space<semaphore_mem>>) {add = true}
        %dma_wait3A_282 = arith.constant 0 : i32
        %dma_wait3A_283 = arith.constant 0 : i32
        %dma_wait3A_284 = tpu.memref_slice %arg21[%dma_wait3A_282, %dma_wait3A_283] : memref<3344x128xf32, #tpu.memory_space<vmem_shared>> -> memref<3344x128xf32, #tpu.memory_space<vmem_shared>>
        tpu.wait_indirect_dma semaphore(%run_scoped3A : memref<!tpu.dma_semaphore, #tpu.memory_space<semaphore_mem>>) src(%arg18 : memref<128x128xf32, #tpu.memory_space<vmem>>) dst(%dma_wait3A_284 : memref<3344x128xf32, #tpu.memory_space<vmem_shared>>)
        tpu.yield
      }) : () -> ()
      scf.yield %scan3A_174#0, %scan3A_174#1, %scan3A_174#2, %scan3A_174#3, %scan3A_174#4, %scan3A_174#5, %scan3A_174#6, %scan3A_174#7 : vector<16xf32>, vector<16xf32>, vector<16xf32>, vector<16xf32>, vector<16xf32>, vector<16xf32>, vector<16xf32>, vector<16xf32>
    }
    %swap3A = arith.constant 0 : i32
    %swap3A_45 = arith.index_cast %swap3A : i32 to index
    %swap3A_46 = arith.constant 0 : index
    %swap3A_47 = tpu.vector_load %arg19[%swap3A_45, %swap3A_46] {strides = array<i32>} : memref<1x128xf32, #tpu.memory_space<vmem>>, vector<1x16xf32>,
    %swap3A_48 = vector.shape_cast %swap3A_47 : vector<1x16xf32> to vector<16xf32>
    %swap3A_49 = vector.shape_cast %while3A_44#0 : vector<16xf32> to vector<1x16xf32>
    tpu.vector_store %arg19[%swap3A_45, %swap3A_46], %swap3A_49 {strides = array<i32>} : memref<1x128xf32, #tpu.memory_space<vmem>>, vector<1x16xf32>,
    %swap3A_50 = arith.constant 0 : i32
    %swap3A_51 = arith.index_cast %swap3A_50 : i32 to index
    %swap3A_52 = arith.constant 64 : index
    %swap3A_53 = tpu.vector_load %arg19[%swap3A_51, %swap3A_52] {strides = array<i32>} : memref<1x128xf32, #tpu.memory_space<vmem>>, vector<1x16xf32>,
    %swap3A_54 = vector.shape_cast %swap3A_53 : vector<1x16xf32> to vector<16xf32>
    %swap3A_55 = vector.shape_cast %while3A_44#4 : vector<16xf32> to vector<1x16xf32>
    tpu.vector_store %arg19[%swap3A_51, %swap3A_52], %swap3A_55 {strides = array<i32>} : memref<1x128xf32, #tpu.memory_space<vmem>>, vector<1x16xf32>,
    %swap3A_56 = arith.constant 0 : i32
    %swap3A_57 = arith.index_cast %swap3A_56 : i32 to index
    %swap3A_58 = arith.constant 16 : index
    %swap3A_59 = tpu.vector_load %arg19[%swap3A_57, %swap3A_58] {strides = array<i32>} : memref<1x128xf32, #tpu.memory_space<vmem>>, vector<1x16xf32>,
    %swap3A_60 = vector.shape_cast %swap3A_59 : vector<1x16xf32> to vector<16xf32>
    %swap3A_61 = vector.shape_cast %while3A_44#1 : vector<16xf32> to vector<1x16xf32>
    tpu.vector_store %arg19[%swap3A_57, %swap3A_58], %swap3A_61 {strides = array<i32>} : memref<1x128xf32, #tpu.memory_space<vmem>>, vector<1x16xf32>,
    %swap3A_62 = arith.constant 0 : i32
    %swap3A_63 = arith.index_cast %swap3A_62 : i32 to index
    %swap3A_64 = arith.constant 80 : index
    %swap3A_65 = tpu.vector_load %arg19[%swap3A_63, %swap3A_64] {strides = array<i32>} : memref<1x128xf32, #tpu.memory_space<vmem>>, vector<1x16xf32>,
    %swap3A_66 = vector.shape_cast %swap3A_65 : vector<1x16xf32> to vector<16xf32>
    %swap3A_67 = vector.shape_cast %while3A_44#5 : vector<16xf32> to vector<1x16xf32>
    tpu.vector_store %arg19[%swap3A_63, %swap3A_64], %swap3A_67 {strides = array<i32>} : memref<1x128xf32, #tpu.memory_space<vmem>>, vector<1x16xf32>,
    %swap3A_68 = arith.constant 0 : i32
    %swap3A_69 = arith.index_cast %swap3A_68 : i32 to index
    %swap3A_70 = arith.constant 32 : index
    %swap3A_71 = tpu.vector_load %arg19[%swap3A_69, %swap3A_70] {strides = array<i32>} : memref<1x128xf32, #tpu.memory_space<vmem>>, vector<1x16xf32>,
    %swap3A_72 = vector.shape_cast %swap3A_71 : vector<1x16xf32> to vector<16xf32>
    %swap3A_73 = vector.shape_cast %while3A_44#2 : vector<16xf32> to vector<1x16xf32>
    tpu.vector_store %arg19[%swap3A_69, %swap3A_70], %swap3A_73 {strides = array<i32>} : memref<1x128xf32, #tpu.memory_space<vmem>>, vector<1x16xf32>,
    %swap3A_74 = arith.constant 0 : i32
    %swap3A_75 = arith.index_cast %swap3A_74 : i32 to index
    %swap3A_76 = arith.constant 96 : index
    %swap3A_77 = tpu.vector_load %arg19[%swap3A_75, %swap3A_76] {strides = array<i32>} : memref<1x128xf32, #tpu.memory_space<vmem>>, vector<1x16xf32>,
    %swap3A_78 = vector.shape_cast %swap3A_77 : vector<1x16xf32> to vector<16xf32>
    %swap3A_79 = vector.shape_cast %while3A_44#6 : vector<16xf32> to vector<1x16xf32>
    tpu.vector_store %arg19[%swap3A_75, %swap3A_76], %swap3A_79 {strides = array<i32>} : memref<1x128xf32, #tpu.memory_space<vmem>>, vector<1x16xf32>,
    %swap3A_80 = arith.constant 0 : i32
    %swap3A_81 = arith.index_cast %swap3A_80 : i32 to index
    %swap3A_82 = arith.constant 48 : index
    %swap3A_83 = tpu.vector_load %arg19[%swap3A_81, %swap3A_82] {strides = array<i32>} : memref<1x128xf32, #tpu.memory_space<vmem>>, vector<1x16xf32>,
    %swap3A_84 = vector.shape_cast %swap3A_83 : vector<1x16xf32> to vector<16xf32>
    %swap3A_85 = vector.shape_cast %while3A_44#3 : vector<16xf32> to vector<1x16xf32>
    tpu.vector_store %arg19[%swap3A_81, %swap3A_82], %swap3A_85 {strides = array<i32>} : memref<1x128xf32, #tpu.memory_space<vmem>>, vector<1x16xf32>,
    %swap3A_86 = arith.constant 0 : i32
    %swap3A_87 = arith.index_cast %swap3A_86 : i32 to index
    %swap3A_88 = arith.constant 112 : index
    %swap3A_89 = tpu.vector_load %arg19[%swap3A_87, %swap3A_88] {strides = array<i32>} : memref<1x128xf32, #tpu.memory_space<vmem>>, vector<1x16xf32>,
    %swap3A_90 = vector.shape_cast %swap3A_89 : vector<1x16xf32> to vector<16xf32>
    %swap3A_91 = vector.shape_cast %while3A_44#7 : vector<16xf32> to vector<1x16xf32>
    tpu.vector_store %arg19[%swap3A_87, %swap3A_88], %swap3A_91 {strides = array<i32>} : memref<1x128xf32, #tpu.memory_space<vmem>>, vector<1x16xf32>,
    "tpu.region"() ({
      %run_scoped3A = tpu.sem_alloc : memref<!tpu.dma_semaphore, #tpu.memory_space<semaphore_mem>>
      %dma_start3A = arith.constant 0 : i32
      %dma_start3A_146 = arith.constant 0 : i32
      %dma_start3A_147 = tpu.memref_slice %arg9[%add3A, %dma_start3A, %dma_start3A_146] : memref<32x1x128xf32, #tpu.memory_space<hbm>> -> memref<1x1x128xf32, #tpu.memory_space<hbm>>
      %dma_start3A_148 = tpu.memref_squeeze %dma_start3A_147 : memref<1x1x128xf32, #tpu.memory_space<hbm>> -> memref<1x128xf32, #tpu.memory_space<hbm>>
      %dma_start3A_149 = arith.constant 0 : i32
      %dma_start3A_150 = arith.constant 0 : i32
      %dma_start3A_151 = tpu.memref_slice %arg9[%add3A, %dma_start3A_149, %dma_start3A_150] : memref<32x1x128xf32, #tpu.memory_space<hbm>> -> memref<1x1x128xf32, #tpu.memory_space<hbm>>
      %dma_start3A_152 = tpu.memref_squeeze %dma_start3A_151 : memref<1x1x128xf32, #tpu.memory_space<hbm>> -> memref<1x128xf32, #tpu.memory_space<hbm>>
      tpu.enqueue_dma source(%arg19 : memref<1x128xf32, #tpu.memory_space<vmem>>) target(%dma_start3A_152 : memref<1x128xf32, #tpu.memory_space<hbm>>) target_semaphore(%run_scoped3A : memref<!tpu.dma_semaphore, #tpu.memory_space<semaphore_mem>>)
      %dma_wait3A = arith.constant 0 : i32
      %dma_wait3A_153 = arith.constant 0 : i32
      %dma_wait3A_154 = tpu.memref_slice %arg9[%add3A, %dma_wait3A, %dma_wait3A_153] : memref<32x1x128xf32, #tpu.memory_space<hbm>> -> memref<1x1x128xf32, #tpu.memory_space<hbm>>
      %dma_wait3A_155 = tpu.memref_squeeze %dma_wait3A_154 : memref<1x1x128xf32, #tpu.memory_space<hbm>> -> memref<1x128xf32, #tpu.memory_space<hbm>>
      %dma_wait3A_156 = arith.constant 0 : i32
      %dma_wait3A_157 = arith.constant 0 : i32
      %dma_wait3A_158 = tpu.memref_slice %arg9[%add3A, %dma_wait3A_156, %dma_wait3A_157] : memref<32x1x128xf32, #tpu.memory_space<hbm>> -> memref<1x1x128xf32, #tpu.memory_space<hbm>>
      %dma_wait3A_159 = tpu.memref_squeeze %dma_wait3A_158 : memref<1x1x128xf32, #tpu.memory_space<hbm>> -> memref<1x128xf32, #tpu.memory_space<hbm>>
      tpu.wait_dma2 semaphore(%run_scoped3A : memref<!tpu.dma_semaphore, #tpu.memory_space<semaphore_mem>>) src(%arg19 : memref<1x128xf32, #tpu.memory_space<vmem>>) dst(%dma_wait3A_159 : memref<1x128xf32, #tpu.memory_space<hbm>>)
      tpu.yield
    }) : () -> ()
    %barrier3A_92 = arith.constant 0 : index
    tpu.barrier barrier_id(%barrier3A_92)
    %mul3A_93 = arith.constant 208 : i32
    %mul3A_94 = arith.muli %arg1, %mul3A_93 : i32
    %mul3A_95 = arith.constant 208 : i32
    %mul3A_96 = arith.muli %arg1, %mul3A_95 : i32
    %add3A_97 = arith.constant 0 : i32
    %add3A_98 = arith.addi %add3A_97, %mul3A_96 : i32
    "tpu.region"() ({
      %run_scoped3A = tpu.sem_alloc : memref<!tpu.dma_semaphore, #tpu.memory_space<semaphore_mem>>
      %dma_start3A = arith.constant 0 : i32
      %dma_start3A_146 = tpu.memref_slice %arg8[%arg0, %add3A_98, %dma_start3A] : memref<2x10000x128xf32, #tpu.memory_space<hbm>> -> memref<1x208x128xf32, #tpu.memory_space<hbm>>
      %dma_start3A_147 = tpu.memref_squeeze %dma_start3A_146 : memref<1x208x128xf32, #tpu.memory_space<hbm>> -> memref<208x128xf32, #tpu.memory_space<hbm>>
      %dma_start3A_148 = arith.constant 0 : i32
      %dma_start3A_149 = tpu.memref_slice %arg21[%mul3A_94, %dma_start3A_148] : memref<3344x128xf32, #tpu.memory_space<vmem_shared>> -> memref<208x128xf32, #tpu.memory_space<vmem_shared>>
      tpu.enqueue_dma source(%dma_start3A_149 : memref<208x128xf32, #tpu.memory_space<vmem_shared>>) target(%dma_start3A_147 : memref<208x128xf32, #tpu.memory_space<hbm>>) target_semaphore(%run_scoped3A : memref<!tpu.dma_semaphore, #tpu.memory_space<semaphore_mem>>)
      %dma_wait3A = arith.constant 0 : i32
      %dma_wait3A_150 = tpu.memref_slice %arg8[%arg0, %add3A_98, %dma_wait3A] : memref<2x10000x128xf32, #tpu.memory_space<hbm>> -> memref<1x208x128xf32, #tpu.memory_space<hbm>>
      %dma_wait3A_151 = tpu.memref_squeeze %dma_wait3A_150 : memref<1x208x128xf32, #tpu.memory_space<hbm>> -> memref<208x128xf32, #tpu.memory_space<hbm>>
      %dma_wait3A_152 = arith.constant 0 : i32
      %dma_wait3A_153 = tpu.memref_slice %arg21[%mul3A_94, %dma_wait3A_152] : memref<3344x128xf32, #tpu.memory_space<vmem_shared>> -> memref<208x128xf32, #tpu.memory_space<vmem_shared>>
      tpu.wait_dma2 semaphore(%run_scoped3A : memref<!tpu.dma_semaphore, #tpu.memory_space<semaphore_mem>>) src(%dma_wait3A_153 : memref<208x128xf32, #tpu.memory_space<vmem_shared>>) dst(%dma_wait3A_151 : memref<208x128xf32, #tpu.memory_space<hbm>>)
      tpu.yield
    }) : () -> ()
    %eq3A_99 = arith.constant 15 : i32
    %eq3A_100 = arith.cmpi eq, %arg1, %eq3A_99 : i32
    %convert_element_type3A_101 = arith.extui %eq3A_100 : i1 to i32
    %cond3A_102 = arith.constant 0 : i32
    %cond3A_103 = arith.cmpi ne, %convert_element_type3A_101, %cond3A_102 : i32
    scf.if %cond3A_103 {
      "tpu.region"() ({
        %run_scoped3A = tpu.sem_alloc : memref<!tpu.dma_semaphore, #tpu.memory_space<semaphore_mem>>
        %dma_start3A = arith.constant 3328 : i32
        %dma_start3A_146 = arith.constant 0 : i32
        %dma_start3A_147 = tpu.memref_slice %arg8[%arg0, %dma_start3A, %dma_start3A_146] : memref<2x10000x128xf32, #tpu.memory_space<hbm>> -> memref<1x8x128xf32, #tpu.memory_space<hbm>>
        %dma_start3A_148 = tpu.memref_squeeze %dma_start3A_147 : memref<1x8x128xf32, #tpu.memory_space<hbm>> -> memref<8x128xf32, #tpu.memory_space<hbm>>
        %dma_start3A_149 = arith.constant 3328 : i32
        %dma_start3A_150 = arith.constant 0 : i32
        %dma_start3A_151 = tpu.memref_slice %arg21[%dma_start3A_149, %dma_start3A_150] : memref<3344x128xf32, #tpu.memory_space<vmem_shared>> -> memref<8x128xf32, #tpu.memory_space<vmem_shared>>
        tpu.enqueue_dma source(%dma_start3A_151 : memref<8x128xf32, #tpu.memory_space<vmem_shared>>) target(%dma_start3A_148 : memref<8x128xf32, #tpu.memory_space<hbm>>) target_semaphore(%run_scoped3A : memref<!tpu.dma_semaphore, #tpu.memory_space<semaphore_mem>>)
        %dma_wait3A = arith.constant 3328 : i32
        %dma_wait3A_152 = arith.constant 0 : i32
        %dma_wait3A_153 = tpu.memref_slice %arg8[%arg0, %dma_wait3A, %dma_wait3A_152] : memref<2x10000x128xf32, #tpu.memory_space<hbm>> -> memref<1x8x128xf32, #tpu.memory_space<hbm>>
        %dma_wait3A_154 = tpu.memref_squeeze %dma_wait3A_153 : memref<1x8x128xf32, #tpu.memory_space<hbm>> -> memref<8x128xf32, #tpu.memory_space<hbm>>
        %dma_wait3A_155 = arith.constant 3328 : i32
        %dma_wait3A_156 = arith.constant 0 : i32
        %dma_wait3A_157 = tpu.memref_slice %arg21[%dma_wait3A_155, %dma_wait3A_156] : memref<3344x128xf32, #tpu.memory_space<vmem_shared>> -> memref<8x128xf32, #tpu.memory_space<vmem_shared>>
        tpu.wait_dma2 semaphore(%run_scoped3A : memref<!tpu.dma_semaphore, #tpu.memory_space<semaphore_mem>>) src(%dma_wait3A_157 : memref<8x128xf32, #tpu.memory_space<vmem_shared>>) dst(%dma_wait3A_154 : memref<8x128xf32, #tpu.memory_space<hbm>>)
        tpu.yield
      }) : () -> ()
    } else {
    }
    %barrier3A_104 = arith.constant 0 : index
    tpu.barrier barrier_id(%barrier3A_104)
    %while3A_105 = arith.constant 0 : i32
    %while3A_106 = arith.constant 0 : i32
    %while3A_107 = arith.subi %select_n3A, %while3A_106 : i32
    %while3A_108 = arith.addi %while3A_106, %while3A_107 : i32
    %while3A_109 = arith.constant 1 : i32
    %while3A_110 = arith.divsi %while3A_107, %while3A_109 : i32
    %while3A_111 = arith.muli %while3A_110, %while3A_109 : i32
    %while3A_112 = arith.addi %while3A_106, %while3A_111 : i32
    %while3A_113 = arith.constant 1 : i32
    scf.for %while3A_146 = %while3A_106 to %while3A_112 step %while3A_113  : i32 {
      %mul3A_147 = arith.constant 32 : i32
      %mul3A_148 = arith.muli %mul3A_147, %while3A_146 : i32
      %add3A_149 = arith.addi %add3A, %mul3A_148 : i32
      %mul3A_150 = arith.constant 128 : i32
      %mul3A_151 = arith.muli %add3A_149, %mul3A_150 : i32
      %dma_start3A = arith.constant 0 : i32
      %dma_start3A_152 = tpu.memref_slice %arg10[%mul3A_151, %dma_start3A] : memref<320000x128xf32, #tpu.memory_space<hbm>> -> memref<128x128xf32, #tpu.memory_space<hbm>>
      %dma_start3A_153 = arith.constant 0 : i32
      %dma_start3A_154 = tpu.memref_slice %arg10[%mul3A_151, %dma_start3A_153] : memref<320000x128xf32, #tpu.memory_space<hbm>> -> memref<128x128xf32, #tpu.memory_space<hbm>>
      tpu.enqueue_dma source(%dma_start3A_154 : memref<128x128xf32, #tpu.memory_space<hbm>>) target(%arg18 : memref<128x128xf32, #tpu.memory_space<vmem>>) target_semaphore(%arg22 : memref<!tpu.dma_semaphore, #tpu.memory_space<semaphore_mem>>)
      "tpu.region"() ({
        %run_scoped3A = tpu.sem_alloc : memref<!tpu.dma_semaphore, #tpu.memory_space<semaphore_mem>>
        %dma_start3A_314 = tpu.memref_slice %arg6[%mul3A_151] : memref<320000xi32, #tpu.memory_space<hbm>> -> memref<128xi32, #tpu.memory_space<hbm>>
        %dma_start3A_315 = tpu.memref_slice %arg6[%mul3A_151] : memref<320000xi32, #tpu.memory_space<hbm>> -> memref<128xi32, #tpu.memory_space<hbm>>
        tpu.enqueue_dma source(%dma_start3A_315 : memref<128xi32, #tpu.memory_space<hbm>>) target(%arg12 : memref<128xi32, #tpu.memory_space<vmem>>) target_semaphore(%run_scoped3A : memref<!tpu.dma_semaphore, #tpu.memory_space<semaphore_mem>>)
        %dma_wait3A_316 = tpu.memref_slice %arg6[%mul3A_151] : memref<320000xi32, #tpu.memory_space<hbm>> -> memref<128xi32, #tpu.memory_space<hbm>>
        %dma_wait3A_317 = tpu.memref_slice %arg6[%mul3A_151] : memref<320000xi32, #tpu.memory_space<hbm>> -> memref<128xi32, #tpu.memory_space<hbm>>
        tpu.wait_dma2 semaphore(%run_scoped3A : memref<!tpu.dma_semaphore, #tpu.memory_space<semaphore_mem>>) src(%dma_wait3A_317 : memref<128xi32, #tpu.memory_space<hbm>>) dst(%arg12 : memref<128xi32, #tpu.memory_space<vmem>>)
        tpu.yield
      }) : () -> ()
      %get3A = arith.constant 0 : index
      %get3A_155 = tpu.vector_load %arg12[%get3A] {strides = array<i32>} : memref<128xi32, #tpu.memory_space<vmem>>, vector<16xi32>,
      %get3A_156 = vector.shape_cast %get3A_155 : vector<16xi32> to vector<16xi32>
      %ge3A = arith.constant 3336 : i32
      %ge3A_157 = vector.broadcast %ge3A : i32 to vector<16xi32>
      %ge3A_158 = arith.cmpi sge, %get3A_156, %ge3A_157 : vector<16xi32>
      %lt3A_159 = arith.constant 6672 : i32
      %lt3A_160 = vector.broadcast %lt3A_159 : i32 to vector<16xi32>
      %lt3A_161 = arith.cmpi slt, %get3A_156, %lt3A_160 : vector<16xi32>
      %and3A = arith.andi %ge3A_158, %lt3A_161 : vector<16xi1>
      %sub3A = arith.constant 3336 : i32
      %sub3A_162 = vector.broadcast %sub3A : i32 to vector<16xi32>
      %sub3A_163 = arith.subi %get3A_156, %sub3A_162 : vector<16xi32>
      %jit3A_164 = arith.constant 3336 : i32
      %broadcast_in_dim3A_165 = vector.broadcast %jit3A_164 : i32 to vector<16xi32>
      %select_n3A_166 = arith.select %and3A, %sub3A_163, %broadcast_in_dim3A_165 : vector<16xi1>, vector<16xi32>
      %swap3A_167 = arith.constant 0 : index
      %swap3A_168 = tpu.vector_load %arg13[%swap3A_167] {strides = array<i32>} : memref<128xi32, #tpu.memory_space<vmem>>, vector<16xi32>,
      %swap3A_169 = vector.shape_cast %swap3A_168 : vector<16xi32> to vector<16xi32>
      %swap3A_170 = vector.shape_cast %select_n3A_166 : vector<16xi32> to vector<16xi32>
      tpu.vector_store %arg13[%swap3A_167], %swap3A_170 {strides = array<i32>} : memref<128xi32, #tpu.memory_space<vmem>>, vector<16xi32>,
      %get3A_171 = arith.constant 16 : index
      %get3A_172 = tpu.vector_load %arg12[%get3A_171] {strides = array<i32>} : memref<128xi32, #tpu.memory_space<vmem>>, vector<16xi32>,
      %get3A_173 = vector.shape_cast %get3A_172 : vector<16xi32> to vector<16xi32>
      %ge3A_174 = arith.constant 3336 : i32
      %ge3A_175 = vector.broadcast %ge3A_174 : i32 to vector<16xi32>
      %ge3A_176 = arith.cmpi sge, %get3A_173, %ge3A_175 : vector<16xi32>
      %lt3A_177 = arith.constant 6672 : i32
      %lt3A_178 = vector.broadcast %lt3A_177 : i32 to vector<16xi32>
      %lt3A_179 = arith.cmpi slt, %get3A_173, %lt3A_178 : vector<16xi32>
      %and3A_180 = arith.andi %ge3A_176, %lt3A_179 : vector<16xi1>
      %sub3A_181 = arith.constant 3336 : i32
      %sub3A_182 = vector.broadcast %sub3A_181 : i32 to vector<16xi32>
      %sub3A_183 = arith.subi %get3A_173, %sub3A_182 : vector<16xi32>
      %jit3A_184 = arith.constant 3336 : i32
      %broadcast_in_dim3A_185 = vector.broadcast %jit3A_184 : i32 to vector<16xi32>
      %select_n3A_186 = arith.select %and3A_180, %sub3A_183, %broadcast_in_dim3A_185 : vector<16xi1>, vector<16xi32>
      %swap3A_187 = arith.constant 16 : index
      %swap3A_188 = tpu.vector_load %arg13[%swap3A_187] {strides = array<i32>} : memref<128xi32, #tpu.memory_space<vmem>>, vector<16xi32>,
      %swap3A_189 = vector.shape_cast %swap3A_188 : vector<16xi32> to vector<16xi32>
      %swap3A_190 = vector.shape_cast %select_n3A_186 : vector<16xi32> to vector<16xi32>
      tpu.vector_store %arg13[%swap3A_187], %swap3A_190 {strides = array<i32>} : memref<128xi32, #tpu.memory_space<vmem>>, vector<16xi32>,
      %get3A_191 = arith.constant 32 : index
      %get3A_192 = tpu.vector_load %arg12[%get3A_191] {strides = array<i32>} : memref<128xi32, #tpu.memory_space<vmem>>, vector<16xi32>,
      %get3A_193 = vector.shape_cast %get3A_192 : vector<16xi32> to vector<16xi32>
      %ge3A_194 = arith.constant 3336 : i32
      %ge3A_195 = vector.broadcast %ge3A_194 : i32 to vector<16xi32>
      %ge3A_196 = arith.cmpi sge, %get3A_193, %ge3A_195 : vector<16xi32>
      %lt3A_197 = arith.constant 6672 : i32
      %lt3A_198 = vector.broadcast %lt3A_197 : i32 to vector<16xi32>
      %lt3A_199 = arith.cmpi slt, %get3A_193, %lt3A_198 : vector<16xi32>
      %and3A_200 = arith.andi %ge3A_196, %lt3A_199 : vector<16xi1>
      %sub3A_201 = arith.constant 3336 : i32
      %sub3A_202 = vector.broadcast %sub3A_201 : i32 to vector<16xi32>
      %sub3A_203 = arith.subi %get3A_193, %sub3A_202 : vector<16xi32>
      %jit3A_204 = arith.constant 3336 : i32
      %broadcast_in_dim3A_205 = vector.broadcast %jit3A_204 : i32 to vector<16xi32>
      %select_n3A_206 = arith.select %and3A_200, %sub3A_203, %broadcast_in_dim3A_205 : vector<16xi1>, vector<16xi32>
      %swap3A_207 = arith.constant 32 : index
      %swap3A_208 = tpu.vector_load %arg13[%swap3A_207] {strides = array<i32>} : memref<128xi32, #tpu.memory_space<vmem>>, vector<16xi32>,
      %swap3A_209 = vector.shape_cast %swap3A_208 : vector<16xi32> to vector<16xi32>
      %swap3A_210 = vector.shape_cast %select_n3A_206 : vector<16xi32> to vector<16xi32>
      tpu.vector_store %arg13[%swap3A_207], %swap3A_210 {strides = array<i32>} : memref<128xi32, #tpu.memory_space<vmem>>, vector<16xi32>,
      %get3A_211 = arith.constant 48 : index
      %get3A_212 = tpu.vector_load %arg12[%get3A_211] {strides = array<i32>} : memref<128xi32, #tpu.memory_space<vmem>>, vector<16xi32>,
      %get3A_213 = vector.shape_cast %get3A_212 : vector<16xi32> to vector<16xi32>
      %ge3A_214 = arith.constant 3336 : i32
      %ge3A_215 = vector.broadcast %ge3A_214 : i32 to vector<16xi32>
      %ge3A_216 = arith.cmpi sge, %get3A_213, %ge3A_215 : vector<16xi32>
      %lt3A_217 = arith.constant 6672 : i32
      %lt3A_218 = vector.broadcast %lt3A_217 : i32 to vector<16xi32>
      %lt3A_219 = arith.cmpi slt, %get3A_213, %lt3A_218 : vector<16xi32>
      %and3A_220 = arith.andi %ge3A_216, %lt3A_219 : vector<16xi1>
      %sub3A_221 = arith.constant 3336 : i32
      %sub3A_222 = vector.broadcast %sub3A_221 : i32 to vector<16xi32>
      %sub3A_223 = arith.subi %get3A_213, %sub3A_222 : vector<16xi32>
      %jit3A_224 = arith.constant 3336 : i32
      %broadcast_in_dim3A_225 = vector.broadcast %jit3A_224 : i32 to vector<16xi32>
      %select_n3A_226 = arith.select %and3A_220, %sub3A_223, %broadcast_in_dim3A_225 : vector<16xi1>, vector<16xi32>
      %swap3A_227 = arith.constant 48 : index
      %swap3A_228 = tpu.vector_load %arg13[%swap3A_227] {strides = array<i32>} : memref<128xi32, #tpu.memory_space<vmem>>, vector<16xi32>,
      %swap3A_229 = vector.shape_cast %swap3A_228 : vector<16xi32> to vector<16xi32>
      %swap3A_230 = vector.shape_cast %select_n3A_226 : vector<16xi32> to vector<16xi32>
      tpu.vector_store %arg13[%swap3A_227], %swap3A_230 {strides = array<i32>} : memref<128xi32, #tpu.memory_space<vmem>>, vector<16xi32>,
      %get3A_231 = arith.constant 64 : index
      %get3A_232 = tpu.vector_load %arg12[%get3A_231] {strides = array<i32>} : memref<128xi32, #tpu.memory_space<vmem>>, vector<16xi32>,
      %get3A_233 = vector.shape_cast %get3A_232 : vector<16xi32> to vector<16xi32>
      %ge3A_234 = arith.constant 3336 : i32
      %ge3A_235 = vector.broadcast %ge3A_234 : i32 to vector<16xi32>
      %ge3A_236 = arith.cmpi sge, %get3A_233, %ge3A_235 : vector<16xi32>
      %lt3A_237 = arith.constant 6672 : i32
      %lt3A_238 = vector.broadcast %lt3A_237 : i32 to vector<16xi32>
      %lt3A_239 = arith.cmpi slt, %get3A_233, %lt3A_238 : vector<16xi32>
      %and3A_240 = arith.andi %ge3A_236, %lt3A_239 : vector<16xi1>
      %sub3A_241 = arith.constant 3336 : i32
      %sub3A_242 = vector.broadcast %sub3A_241 : i32 to vector<16xi32>
      %sub3A_243 = arith.subi %get3A_233, %sub3A_242 : vector<16xi32>
      %jit3A_244 = arith.constant 3336 : i32
      %broadcast_in_dim3A_245 = vector.broadcast %jit3A_244 : i32 to vector<16xi32>
      %select_n3A_246 = arith.select %and3A_240, %sub3A_243, %broadcast_in_dim3A_245 : vector<16xi1>, vector<16xi32>
      %swap3A_247 = arith.constant 64 : index
      %swap3A_248 = tpu.vector_load %arg13[%swap3A_247] {strides = array<i32>} : memref<128xi32, #tpu.memory_space<vmem>>, vector<16xi32>,
      %swap3A_249 = vector.shape_cast %swap3A_248 : vector<16xi32> to vector<16xi32>
      %swap3A_250 = vector.shape_cast %select_n3A_246 : vector<16xi32> to vector<16xi32>
      tpu.vector_store %arg13[%swap3A_247], %swap3A_250 {strides = array<i32>} : memref<128xi32, #tpu.memory_space<vmem>>, vector<16xi32>,
      %get3A_251 = arith.constant 80 : index
      %get3A_252 = tpu.vector_load %arg12[%get3A_251] {strides = array<i32>} : memref<128xi32, #tpu.memory_space<vmem>>, vector<16xi32>,
      %get3A_253 = vector.shape_cast %get3A_252 : vector<16xi32> to vector<16xi32>
      %ge3A_254 = arith.constant 3336 : i32
      %ge3A_255 = vector.broadcast %ge3A_254 : i32 to vector<16xi32>
      %ge3A_256 = arith.cmpi sge, %get3A_253, %ge3A_255 : vector<16xi32>
      %lt3A_257 = arith.constant 6672 : i32
      %lt3A_258 = vector.broadcast %lt3A_257 : i32 to vector<16xi32>
      %lt3A_259 = arith.cmpi slt, %get3A_253, %lt3A_258 : vector<16xi32>
      %and3A_260 = arith.andi %ge3A_256, %lt3A_259 : vector<16xi1>
      %sub3A_261 = arith.constant 3336 : i32
      %sub3A_262 = vector.broadcast %sub3A_261 : i32 to vector<16xi32>
      %sub3A_263 = arith.subi %get3A_253, %sub3A_262 : vector<16xi32>
      %jit3A_264 = arith.constant 3336 : i32
      %broadcast_in_dim3A_265 = vector.broadcast %jit3A_264 : i32 to vector<16xi32>
      %select_n3A_266 = arith.select %and3A_260, %sub3A_263, %broadcast_in_dim3A_265 : vector<16xi1>, vector<16xi32>
      %swap3A_267 = arith.constant 80 : index
      %swap3A_268 = tpu.vector_load %arg13[%swap3A_267] {strides = array<i32>} : memref<128xi32, #tpu.memory_space<vmem>>, vector<16xi32>,
      %swap3A_269 = vector.shape_cast %swap3A_268 : vector<16xi32> to vector<16xi32>
      %swap3A_270 = vector.shape_cast %select_n3A_266 : vector<16xi32> to vector<16xi32>
      tpu.vector_store %arg13[%swap3A_267], %swap3A_270 {strides = array<i32>} : memref<128xi32, #tpu.memory_space<vmem>>, vector<16xi32>,
      %get3A_271 = arith.constant 96 : index
      %get3A_272 = tpu.vector_load %arg12[%get3A_271] {strides = array<i32>} : memref<128xi32, #tpu.memory_space<vmem>>, vector<16xi32>,
      %get3A_273 = vector.shape_cast %get3A_272 : vector<16xi32> to vector<16xi32>
      %ge3A_274 = arith.constant 3336 : i32
      %ge3A_275 = vector.broadcast %ge3A_274 : i32 to vector<16xi32>
      %ge3A_276 = arith.cmpi sge, %get3A_273, %ge3A_275 : vector<16xi32>
      %lt3A_277 = arith.constant 6672 : i32
      %lt3A_278 = vector.broadcast %lt3A_277 : i32 to vector<16xi32>
      %lt3A_279 = arith.cmpi slt, %get3A_273, %lt3A_278 : vector<16xi32>
      %and3A_280 = arith.andi %ge3A_276, %lt3A_279 : vector<16xi1>
      %sub3A_281 = arith.constant 3336 : i32
      %sub3A_282 = vector.broadcast %sub3A_281 : i32 to vector<16xi32>
      %sub3A_283 = arith.subi %get3A_273, %sub3A_282 : vector<16xi32>
      %jit3A_284 = arith.constant 3336 : i32
      %broadcast_in_dim3A_285 = vector.broadcast %jit3A_284 : i32 to vector<16xi32>
      %select_n3A_286 = arith.select %and3A_280, %sub3A_283, %broadcast_in_dim3A_285 : vector<16xi1>, vector<16xi32>
      %swap3A_287 = arith.constant 96 : index
      %swap3A_288 = tpu.vector_load %arg13[%swap3A_287] {strides = array<i32>} : memref<128xi32, #tpu.memory_space<vmem>>, vector<16xi32>,
      %swap3A_289 = vector.shape_cast %swap3A_288 : vector<16xi32> to vector<16xi32>
      %swap3A_290 = vector.shape_cast %select_n3A_286 : vector<16xi32> to vector<16xi32>
      tpu.vector_store %arg13[%swap3A_287], %swap3A_290 {strides = array<i32>} : memref<128xi32, #tpu.memory_space<vmem>>, vector<16xi32>,
      %get3A_291 = arith.constant 112 : index
      %get3A_292 = tpu.vector_load %arg12[%get3A_291] {strides = array<i32>} : memref<128xi32, #tpu.memory_space<vmem>>, vector<16xi32>,
      %get3A_293 = vector.shape_cast %get3A_292 : vector<16xi32> to vector<16xi32>
      %ge3A_294 = arith.constant 3336 : i32
      %ge3A_295 = vector.broadcast %ge3A_294 : i32 to vector<16xi32>
      %ge3A_296 = arith.cmpi sge, %get3A_293, %ge3A_295 : vector<16xi32>
      %lt3A_297 = arith.constant 6672 : i32
      %lt3A_298 = vector.broadcast %lt3A_297 : i32 to vector<16xi32>
      %lt3A_299 = arith.cmpi slt, %get3A_293, %lt3A_298 : vector<16xi32>
      %and3A_300 = arith.andi %ge3A_296, %lt3A_299 : vector<16xi1>
      %sub3A_301 = arith.constant 3336 : i32
      %sub3A_302 = vector.broadcast %sub3A_301 : i32 to vector<16xi32>
      %sub3A_303 = arith.subi %get3A_293, %sub3A_302 : vector<16xi32>
      %jit3A_304 = arith.constant 3336 : i32
      %broadcast_in_dim3A_305 = vector.broadcast %jit3A_304 : i32 to vector<16xi32>
      %select_n3A_306 = arith.select %and3A_300, %sub3A_303, %broadcast_in_dim3A_305 : vector<16xi1>, vector<16xi32>
      %swap3A_307 = arith.constant 112 : index
      %swap3A_308 = tpu.vector_load %arg13[%swap3A_307] {strides = array<i32>} : memref<128xi32, #tpu.memory_space<vmem>>, vector<16xi32>,
      %swap3A_309 = vector.shape_cast %swap3A_308 : vector<16xi32> to vector<16xi32>
      %swap3A_310 = vector.shape_cast %select_n3A_306 : vector<16xi32> to vector<16xi32>
      tpu.vector_store %arg13[%swap3A_307], %swap3A_310 {strides = array<i32>} : memref<128xi32, #tpu.memory_space<vmem>>, vector<16xi32>,
      %dma_wait3A = arith.constant 0 : i32
      %dma_wait3A_311 = tpu.memref_slice %arg10[%mul3A_151, %dma_wait3A] : memref<320000x128xf32, #tpu.memory_space<hbm>> -> memref<128x128xf32, #tpu.memory_space<hbm>>
      %dma_wait3A_312 = arith.constant 0 : i32
      %dma_wait3A_313 = tpu.memref_slice %arg10[%mul3A_151, %dma_wait3A_312] : memref<320000x128xf32, #tpu.memory_space<hbm>> -> memref<128x128xf32, #tpu.memory_space<hbm>>
      tpu.wait_dma2 semaphore(%arg22 : memref<!tpu.dma_semaphore, #tpu.memory_space<semaphore_mem>>) src(%dma_wait3A_313 : memref<128x128xf32, #tpu.memory_space<hbm>>) dst(%arg18 : memref<128x128xf32, #tpu.memory_space<vmem>>)
      "tpu.region"() ({
        %run_scoped3A = tpu.sem_alloc : memref<!tpu.dma_semaphore, #tpu.memory_space<semaphore_mem>>
        %dma_start3A_314 = arith.constant 0 : i32
        %dma_start3A_315 = arith.constant 0 : i32
        %dma_start3A_316 = tpu.memref_slice %arg21[%dma_start3A_314, %dma_start3A_315] : memref<3344x128xf32, #tpu.memory_space<vmem_shared>> -> memref<3344x128xf32, #tpu.memory_space<vmem_shared>>
        tpu.enqueue_indirect_dma source(%arg18 : memref<128x128xf32, #tpu.memory_space<vmem>>) target(%dma_start3A_316 : memref<3344x128xf32, #tpu.memory_space<vmem_shared>>) offsets(%arg13 : memref<128xi32, #tpu.memory_space<vmem>>) semaphore(%run_scoped3A : memref<!tpu.dma_semaphore, #tpu.memory_space<semaphore_mem>>) {add = true}
        %dma_wait3A_317 = arith.constant 0 : i32
        %dma_wait3A_318 = arith.constant 0 : i32
        %dma_wait3A_319 = tpu.memref_slice %arg21[%dma_wait3A_317, %dma_wait3A_318] : memref<3344x128xf32, #tpu.memory_space<vmem_shared>> -> memref<3344x128xf32, #tpu.memory_space<vmem_shared>>
        tpu.wait_indirect_dma semaphore(%run_scoped3A : memref<!tpu.dma_semaphore, #tpu.memory_space<semaphore_mem>>) src(%arg18 : memref<128x128xf32, #tpu.memory_space<vmem>>) dst(%dma_wait3A_319 : memref<3344x128xf32, #tpu.memory_space<vmem_shared>>)
        tpu.yield
      }) : () -> ()
    }
    %while3A_114 = arith.constant 1 : i32
    scf.for %while3A_146 = %while3A_112 to %while3A_108 step %while3A_114  : i32 {
      %mul3A_147 = arith.constant 32 : i32
      %mul3A_148 = arith.muli %mul3A_147, %while3A_146 : i32
      %add3A_149 = arith.addi %add3A, %mul3A_148 : i32
      %mul3A_150 = arith.constant 128 : i32
      %mul3A_151 = arith.muli %add3A_149, %mul3A_150 : i32
      %dma_start3A = arith.constant 0 : i32
      %dma_start3A_152 = tpu.memref_slice %arg10[%mul3A_151, %dma_start3A] : memref<320000x128xf32, #tpu.memory_space<hbm>> -> memref<128x128xf32, #tpu.memory_space<hbm>>
      %dma_start3A_153 = arith.constant 0 : i32
      %dma_start3A_154 = tpu.memref_slice %arg10[%mul3A_151, %dma_start3A_153] : memref<320000x128xf32, #tpu.memory_space<hbm>> -> memref<128x128xf32, #tpu.memory_space<hbm>>
      tpu.enqueue_dma source(%dma_start3A_154 : memref<128x128xf32, #tpu.memory_space<hbm>>) target(%arg18 : memref<128x128xf32, #tpu.memory_space<vmem>>) target_semaphore(%arg22 : memref<!tpu.dma_semaphore, #tpu.memory_space<semaphore_mem>>)
      "tpu.region"() ({
        %run_scoped3A = tpu.sem_alloc : memref<!tpu.dma_semaphore, #tpu.memory_space<semaphore_mem>>
        %dma_start3A_314 = tpu.memref_slice %arg6[%mul3A_151] : memref<320000xi32, #tpu.memory_space<hbm>> -> memref<128xi32, #tpu.memory_space<hbm>>
        %dma_start3A_315 = tpu.memref_slice %arg6[%mul3A_151] : memref<320000xi32, #tpu.memory_space<hbm>> -> memref<128xi32, #tpu.memory_space<hbm>>
        tpu.enqueue_dma source(%dma_start3A_315 : memref<128xi32, #tpu.memory_space<hbm>>) target(%arg12 : memref<128xi32, #tpu.memory_space<vmem>>) target_semaphore(%run_scoped3A : memref<!tpu.dma_semaphore, #tpu.memory_space<semaphore_mem>>)
        %dma_wait3A_316 = tpu.memref_slice %arg6[%mul3A_151] : memref<320000xi32, #tpu.memory_space<hbm>> -> memref<128xi32, #tpu.memory_space<hbm>>
        %dma_wait3A_317 = tpu.memref_slice %arg6[%mul3A_151] : memref<320000xi32, #tpu.memory_space<hbm>> -> memref<128xi32, #tpu.memory_space<hbm>>
        tpu.wait_dma2 semaphore(%run_scoped3A : memref<!tpu.dma_semaphore, #tpu.memory_space<semaphore_mem>>) src(%dma_wait3A_317 : memref<128xi32, #tpu.memory_space<hbm>>) dst(%arg12 : memref<128xi32, #tpu.memory_space<vmem>>)
        tpu.yield
      }) : () -> ()
      %get3A = arith.constant 0 : index
      %get3A_155 = tpu.vector_load %arg12[%get3A] {strides = array<i32>} : memref<128xi32, #tpu.memory_space<vmem>>, vector<16xi32>,
      %get3A_156 = vector.shape_cast %get3A_155 : vector<16xi32> to vector<16xi32>
      %ge3A = arith.constant 3336 : i32
      %ge3A_157 = vector.broadcast %ge3A : i32 to vector<16xi32>
      %ge3A_158 = arith.cmpi sge, %get3A_156, %ge3A_157 : vector<16xi32>
      %lt3A_159 = arith.constant 6672 : i32
      %lt3A_160 = vector.broadcast %lt3A_159 : i32 to vector<16xi32>
      %lt3A_161 = arith.cmpi slt, %get3A_156, %lt3A_160 : vector<16xi32>
      %and3A = arith.andi %ge3A_158, %lt3A_161 : vector<16xi1>
      %sub3A = arith.constant 3336 : i32
      %sub3A_162 = vector.broadcast %sub3A : i32 to vector<16xi32>
      %sub3A_163 = arith.subi %get3A_156, %sub3A_162 : vector<16xi32>
      %jit3A_164 = arith.constant 3336 : i32
      %broadcast_in_dim3A_165 = vector.broadcast %jit3A_164 : i32 to vector<16xi32>
      %select_n3A_166 = arith.select %and3A, %sub3A_163, %broadcast_in_dim3A_165 : vector<16xi1>, vector<16xi32>
      %swap3A_167 = arith.constant 0 : index
      %swap3A_168 = tpu.vector_load %arg13[%swap3A_167] {strides = array<i32>} : memref<128xi32, #tpu.memory_space<vmem>>, vector<16xi32>,
      %swap3A_169 = vector.shape_cast %swap3A_168 : vector<16xi32> to vector<16xi32>
      %swap3A_170 = vector.shape_cast %select_n3A_166 : vector<16xi32> to vector<16xi32>
      tpu.vector_store %arg13[%swap3A_167], %swap3A_170 {strides = array<i32>} : memref<128xi32, #tpu.memory_space<vmem>>, vector<16xi32>,
      %get3A_171 = arith.constant 16 : index
      %get3A_172 = tpu.vector_load %arg12[%get3A_171] {strides = array<i32>} : memref<128xi32, #tpu.memory_space<vmem>>, vector<16xi32>,
      %get3A_173 = vector.shape_cast %get3A_172 : vector<16xi32> to vector<16xi32>
      %ge3A_174 = arith.constant 3336 : i32
      %ge3A_175 = vector.broadcast %ge3A_174 : i32 to vector<16xi32>
      %ge3A_176 = arith.cmpi sge, %get3A_173, %ge3A_175 : vector<16xi32>
      %lt3A_177 = arith.constant 6672 : i32
      %lt3A_178 = vector.broadcast %lt3A_177 : i32 to vector<16xi32>
      %lt3A_179 = arith.cmpi slt, %get3A_173, %lt3A_178 : vector<16xi32>
      %and3A_180 = arith.andi %ge3A_176, %lt3A_179 : vector<16xi1>
      %sub3A_181 = arith.constant 3336 : i32
      %sub3A_182 = vector.broadcast %sub3A_181 : i32 to vector<16xi32>
      %sub3A_183 = arith.subi %get3A_173, %sub3A_182 : vector<16xi32>
      %jit3A_184 = arith.constant 3336 : i32
      %broadcast_in_dim3A_185 = vector.broadcast %jit3A_184 : i32 to vector<16xi32>
      %select_n3A_186 = arith.select %and3A_180, %sub3A_183, %broadcast_in_dim3A_185 : vector<16xi1>, vector<16xi32>
      %swap3A_187 = arith.constant 16 : index
      %swap3A_188 = tpu.vector_load %arg13[%swap3A_187] {strides = array<i32>} : memref<128xi32, #tpu.memory_space<vmem>>, vector<16xi32>,
      %swap3A_189 = vector.shape_cast %swap3A_188 : vector<16xi32> to vector<16xi32>
      %swap3A_190 = vector.shape_cast %select_n3A_186 : vector<16xi32> to vector<16xi32>
      tpu.vector_store %arg13[%swap3A_187], %swap3A_190 {strides = array<i32>} : memref<128xi32, #tpu.memory_space<vmem>>, vector<16xi32>,
      %get3A_191 = arith.constant 32 : index
      %get3A_192 = tpu.vector_load %arg12[%get3A_191] {strides = array<i32>} : memref<128xi32, #tpu.memory_space<vmem>>, vector<16xi32>,
      %get3A_193 = vector.shape_cast %get3A_192 : vector<16xi32> to vector<16xi32>
      %ge3A_194 = arith.constant 3336 : i32
      %ge3A_195 = vector.broadcast %ge3A_194 : i32 to vector<16xi32>
      %ge3A_196 = arith.cmpi sge, %get3A_193, %ge3A_195 : vector<16xi32>
      %lt3A_197 = arith.constant 6672 : i32
      %lt3A_198 = vector.broadcast %lt3A_197 : i32 to vector<16xi32>
      %lt3A_199 = arith.cmpi slt, %get3A_193, %lt3A_198 : vector<16xi32>
      %and3A_200 = arith.andi %ge3A_196, %lt3A_199 : vector<16xi1>
      %sub3A_201 = arith.constant 3336 : i32
      %sub3A_202 = vector.broadcast %sub3A_201 : i32 to vector<16xi32>
      %sub3A_203 = arith.subi %get3A_193, %sub3A_202 : vector<16xi32>
      %jit3A_204 = arith.constant 3336 : i32
      %broadcast_in_dim3A_205 = vector.broadcast %jit3A_204 : i32 to vector<16xi32>
      %select_n3A_206 = arith.select %and3A_200, %sub3A_203, %broadcast_in_dim3A_205 : vector<16xi1>, vector<16xi32>
      %swap3A_207 = arith.constant 32 : index
      %swap3A_208 = tpu.vector_load %arg13[%swap3A_207] {strides = array<i32>} : memref<128xi32, #tpu.memory_space<vmem>>, vector<16xi32>,
      %swap3A_209 = vector.shape_cast %swap3A_208 : vector<16xi32> to vector<16xi32>
      %swap3A_210 = vector.shape_cast %select_n3A_206 : vector<16xi32> to vector<16xi32>
      tpu.vector_store %arg13[%swap3A_207], %swap3A_210 {strides = array<i32>} : memref<128xi32, #tpu.memory_space<vmem>>, vector<16xi32>,
      %get3A_211 = arith.constant 48 : index
      %get3A_212 = tpu.vector_load %arg12[%get3A_211] {strides = array<i32>} : memref<128xi32, #tpu.memory_space<vmem>>, vector<16xi32>,
      %get3A_213 = vector.shape_cast %get3A_212 : vector<16xi32> to vector<16xi32>
      %ge3A_214 = arith.constant 3336 : i32
      %ge3A_215 = vector.broadcast %ge3A_214 : i32 to vector<16xi32>
      %ge3A_216 = arith.cmpi sge, %get3A_213, %ge3A_215 : vector<16xi32>
      %lt3A_217 = arith.constant 6672 : i32
      %lt3A_218 = vector.broadcast %lt3A_217 : i32 to vector<16xi32>
      %lt3A_219 = arith.cmpi slt, %get3A_213, %lt3A_218 : vector<16xi32>
      %and3A_220 = arith.andi %ge3A_216, %lt3A_219 : vector<16xi1>
      %sub3A_221 = arith.constant 3336 : i32
      %sub3A_222 = vector.broadcast %sub3A_221 : i32 to vector<16xi32>
      %sub3A_223 = arith.subi %get3A_213, %sub3A_222 : vector<16xi32>
      %jit3A_224 = arith.constant 3336 : i32
      %broadcast_in_dim3A_225 = vector.broadcast %jit3A_224 : i32 to vector<16xi32>
      %select_n3A_226 = arith.select %and3A_220, %sub3A_223, %broadcast_in_dim3A_225 : vector<16xi1>, vector<16xi32>
      %swap3A_227 = arith.constant 48 : index
      %swap3A_228 = tpu.vector_load %arg13[%swap3A_227] {strides = array<i32>} : memref<128xi32, #tpu.memory_space<vmem>>, vector<16xi32>,
      %swap3A_229 = vector.shape_cast %swap3A_228 : vector<16xi32> to vector<16xi32>
      %swap3A_230 = vector.shape_cast %select_n3A_226 : vector<16xi32> to vector<16xi32>
      tpu.vector_store %arg13[%swap3A_227], %swap3A_230 {strides = array<i32>} : memref<128xi32, #tpu.memory_space<vmem>>, vector<16xi32>,
      %get3A_231 = arith.constant 64 : index
      %get3A_232 = tpu.vector_load %arg12[%get3A_231] {strides = array<i32>} : memref<128xi32, #tpu.memory_space<vmem>>, vector<16xi32>,
      %get3A_233 = vector.shape_cast %get3A_232 : vector<16xi32> to vector<16xi32>
      %ge3A_234 = arith.constant 3336 : i32
      %ge3A_235 = vector.broadcast %ge3A_234 : i32 to vector<16xi32>
      %ge3A_236 = arith.cmpi sge, %get3A_233, %ge3A_235 : vector<16xi32>
      %lt3A_237 = arith.constant 6672 : i32
      %lt3A_238 = vector.broadcast %lt3A_237 : i32 to vector<16xi32>
      %lt3A_239 = arith.cmpi slt, %get3A_233, %lt3A_238 : vector<16xi32>
      %and3A_240 = arith.andi %ge3A_236, %lt3A_239 : vector<16xi1>
      %sub3A_241 = arith.constant 3336 : i32
      %sub3A_242 = vector.broadcast %sub3A_241 : i32 to vector<16xi32>
      %sub3A_243 = arith.subi %get3A_233, %sub3A_242 : vector<16xi32>
      %jit3A_244 = arith.constant 3336 : i32
      %broadcast_in_dim3A_245 = vector.broadcast %jit3A_244 : i32 to vector<16xi32>
      %select_n3A_246 = arith.select %and3A_240, %sub3A_243, %broadcast_in_dim3A_245 : vector<16xi1>, vector<16xi32>
      %swap3A_247 = arith.constant 64 : index
      %swap3A_248 = tpu.vector_load %arg13[%swap3A_247] {strides = array<i32>} : memref<128xi32, #tpu.memory_space<vmem>>, vector<16xi32>,
      %swap3A_249 = vector.shape_cast %swap3A_248 : vector<16xi32> to vector<16xi32>
      %swap3A_250 = vector.shape_cast %select_n3A_246 : vector<16xi32> to vector<16xi32>
      tpu.vector_store %arg13[%swap3A_247], %swap3A_250 {strides = array<i32>} : memref<128xi32, #tpu.memory_space<vmem>>, vector<16xi32>,
      %get3A_251 = arith.constant 80 : index
      %get3A_252 = tpu.vector_load %arg12[%get3A_251] {strides = array<i32>} : memref<128xi32, #tpu.memory_space<vmem>>, vector<16xi32>,
      %get3A_253 = vector.shape_cast %get3A_252 : vector<16xi32> to vector<16xi32>
      %ge3A_254 = arith.constant 3336 : i32
      %ge3A_255 = vector.broadcast %ge3A_254 : i32 to vector<16xi32>
      %ge3A_256 = arith.cmpi sge, %get3A_253, %ge3A_255 : vector<16xi32>
      %lt3A_257 = arith.constant 6672 : i32
      %lt3A_258 = vector.broadcast %lt3A_257 : i32 to vector<16xi32>
      %lt3A_259 = arith.cmpi slt, %get3A_253, %lt3A_258 : vector<16xi32>
      %and3A_260 = arith.andi %ge3A_256, %lt3A_259 : vector<16xi1>
      %sub3A_261 = arith.constant 3336 : i32
      %sub3A_262 = vector.broadcast %sub3A_261 : i32 to vector<16xi32>
      %sub3A_263 = arith.subi %get3A_253, %sub3A_262 : vector<16xi32>
      %jit3A_264 = arith.constant 3336 : i32
      %broadcast_in_dim3A_265 = vector.broadcast %jit3A_264 : i32 to vector<16xi32>
      %select_n3A_266 = arith.select %and3A_260, %sub3A_263, %broadcast_in_dim3A_265 : vector<16xi1>, vector<16xi32>
      %swap3A_267 = arith.constant 80 : index
      %swap3A_268 = tpu.vector_load %arg13[%swap3A_267] {strides = array<i32>} : memref<128xi32, #tpu.memory_space<vmem>>, vector<16xi32>,
      %swap3A_269 = vector.shape_cast %swap3A_268 : vector<16xi32> to vector<16xi32>
      %swap3A_270 = vector.shape_cast %select_n3A_266 : vector<16xi32> to vector<16xi32>
      tpu.vector_store %arg13[%swap3A_267], %swap3A_270 {strides = array<i32>} : memref<128xi32, #tpu.memory_space<vmem>>, vector<16xi32>,
      %get3A_271 = arith.constant 96 : index
      %get3A_272 = tpu.vector_load %arg12[%get3A_271] {strides = array<i32>} : memref<128xi32, #tpu.memory_space<vmem>>, vector<16xi32>,
      %get3A_273 = vector.shape_cast %get3A_272 : vector<16xi32> to vector<16xi32>
      %ge3A_274 = arith.constant 3336 : i32
      %ge3A_275 = vector.broadcast %ge3A_274 : i32 to vector<16xi32>
      %ge3A_276 = arith.cmpi sge, %get3A_273, %ge3A_275 : vector<16xi32>
      %lt3A_277 = arith.constant 6672 : i32
      %lt3A_278 = vector.broadcast %lt3A_277 : i32 to vector<16xi32>
      %lt3A_279 = arith.cmpi slt, %get3A_273, %lt3A_278 : vector<16xi32>
      %and3A_280 = arith.andi %ge3A_276, %lt3A_279 : vector<16xi1>
      %sub3A_281 = arith.constant 3336 : i32
      %sub3A_282 = vector.broadcast %sub3A_281 : i32 to vector<16xi32>
      %sub3A_283 = arith.subi %get3A_273, %sub3A_282 : vector<16xi32>
      %jit3A_284 = arith.constant 3336 : i32
      %broadcast_in_dim3A_285 = vector.broadcast %jit3A_284 : i32 to vector<16xi32>
      %select_n3A_286 = arith.select %and3A_280, %sub3A_283, %broadcast_in_dim3A_285 : vector<16xi1>, vector<16xi32>
      %swap3A_287 = arith.constant 96 : index
      %swap3A_288 = tpu.vector_load %arg13[%swap3A_287] {strides = array<i32>} : memref<128xi32, #tpu.memory_space<vmem>>, vector<16xi32>,
      %swap3A_289 = vector.shape_cast %swap3A_288 : vector<16xi32> to vector<16xi32>
      %swap3A_290 = vector.shape_cast %select_n3A_286 : vector<16xi32> to vector<16xi32>
      tpu.vector_store %arg13[%swap3A_287], %swap3A_290 {strides = array<i32>} : memref<128xi32, #tpu.memory_space<vmem>>, vector<16xi32>,
      %get3A_291 = arith.constant 112 : index
      %get3A_292 = tpu.vector_load %arg12[%get3A_291] {strides = array<i32>} : memref<128xi32, #tpu.memory_space<vmem>>, vector<16xi32>,
      %get3A_293 = vector.shape_cast %get3A_292 : vector<16xi32> to vector<16xi32>
      %ge3A_294 = arith.constant 3336 : i32
      %ge3A_295 = vector.broadcast %ge3A_294 : i32 to vector<16xi32>
      %ge3A_296 = arith.cmpi sge, %get3A_293, %ge3A_295 : vector<16xi32>
      %lt3A_297 = arith.constant 6672 : i32
      %lt3A_298 = vector.broadcast %lt3A_297 : i32 to vector<16xi32>
      %lt3A_299 = arith.cmpi slt, %get3A_293, %lt3A_298 : vector<16xi32>
      %and3A_300 = arith.andi %ge3A_296, %lt3A_299 : vector<16xi1>
      %sub3A_301 = arith.constant 3336 : i32
      %sub3A_302 = vector.broadcast %sub3A_301 : i32 to vector<16xi32>
      %sub3A_303 = arith.subi %get3A_293, %sub3A_302 : vector<16xi32>
      %jit3A_304 = arith.constant 3336 : i32
      %broadcast_in_dim3A_305 = vector.broadcast %jit3A_304 : i32 to vector<16xi32>
      %select_n3A_306 = arith.select %and3A_300, %sub3A_303, %broadcast_in_dim3A_305 : vector<16xi1>, vector<16xi32>
      %swap3A_307 = arith.constant 112 : index
      %swap3A_308 = tpu.vector_load %arg13[%swap3A_307] {strides = array<i32>} : memref<128xi32, #tpu.memory_space<vmem>>, vector<16xi32>,
      %swap3A_309 = vector.shape_cast %swap3A_308 : vector<16xi32> to vector<16xi32>
      %swap3A_310 = vector.shape_cast %select_n3A_306 : vector<16xi32> to vector<16xi32>
      tpu.vector_store %arg13[%swap3A_307], %swap3A_310 {strides = array<i32>} : memref<128xi32, #tpu.memory_space<vmem>>, vector<16xi32>,
      %dma_wait3A = arith.constant 0 : i32
      %dma_wait3A_311 = tpu.memref_slice %arg10[%mul3A_151, %dma_wait3A] : memref<320000x128xf32, #tpu.memory_space<hbm>> -> memref<128x128xf32, #tpu.memory_space<hbm>>
      %dma_wait3A_312 = arith.constant 0 : i32
      %dma_wait3A_313 = tpu.memref_slice %arg10[%mul3A_151, %dma_wait3A_312] : memref<320000x128xf32, #tpu.memory_space<hbm>> -> memref<128x128xf32, #tpu.memory_space<hbm>>
      tpu.wait_dma2 semaphore(%arg22 : memref<!tpu.dma_semaphore, #tpu.memory_space<semaphore_mem>>) src(%dma_wait3A_313 : memref<128x128xf32, #tpu.memory_space<hbm>>) dst(%arg18 : memref<128x128xf32, #tpu.memory_space<vmem>>)
      "tpu.region"() ({
        %run_scoped3A = tpu.sem_alloc : memref<!tpu.dma_semaphore, #tpu.memory_space<semaphore_mem>>
        %dma_start3A_314 = arith.constant 0 : i32
        %dma_start3A_315 = arith.constant 0 : i32
        %dma_start3A_316 = tpu.memref_slice %arg21[%dma_start3A_314, %dma_start3A_315] : memref<3344x128xf32, #tpu.memory_space<vmem_shared>> -> memref<3344x128xf32, #tpu.memory_space<vmem_shared>>
        tpu.enqueue_indirect_dma source(%arg18 : memref<128x128xf32, #tpu.memory_space<vmem>>) target(%dma_start3A_316 : memref<3344x128xf32, #tpu.memory_space<vmem_shared>>) offsets(%arg13 : memref<128xi32, #tpu.memory_space<vmem>>) semaphore(%run_scoped3A : memref<!tpu.dma_semaphore, #tpu.memory_space<semaphore_mem>>) {add = true}
        %dma_wait3A_317 = arith.constant 0 : i32
        %dma_wait3A_318 = arith.constant 0 : i32
        %dma_wait3A_319 = tpu.memref_slice %arg21[%dma_wait3A_317, %dma_wait3A_318] : memref<3344x128xf32, #tpu.memory_space<vmem_shared>> -> memref<3344x128xf32, #tpu.memory_space<vmem_shared>>
        tpu.wait_indirect_dma semaphore(%run_scoped3A : memref<!tpu.dma_semaphore, #tpu.memory_space<semaphore_mem>>) src(%arg18 : memref<128x128xf32, #tpu.memory_space<vmem>>) dst(%dma_wait3A_319 : memref<3344x128xf32, #tpu.memory_space<vmem_shared>>)
        tpu.yield
      }) : () -> ()
    }
    %barrier3A_115 = arith.constant 0 : index
    tpu.barrier barrier_id(%barrier3A_115)
    %mul3A_116 = arith.constant 208 : i32
    %mul3A_117 = arith.muli %arg1, %mul3A_116 : i32
    %mul3A_118 = arith.constant 208 : i32
    %mul3A_119 = arith.muli %arg1, %mul3A_118 : i32
    %add3A_120 = arith.constant 3336 : i32
    %add3A_121 = arith.addi %add3A_120, %mul3A_119 : i32
    "tpu.region"() ({
      %run_scoped3A = tpu.sem_alloc : memref<!tpu.dma_semaphore, #tpu.memory_space<semaphore_mem>>
      %dma_start3A = arith.constant 0 : i32
      %dma_start3A_146 = tpu.memref_slice %arg8[%arg0, %add3A_121, %dma_start3A] : memref<2x10000x128xf32, #tpu.memory_space<hbm>> -> memref<1x208x128xf32, #tpu.memory_space<hbm>>
      %dma_start3A_147 = tpu.memref_squeeze %dma_start3A_146 : memref<1x208x128xf32, #tpu.memory_space<hbm>> -> memref<208x128xf32, #tpu.memory_space<hbm>>
      %dma_start3A_148 = arith.constant 0 : i32
      %dma_start3A_149 = tpu.memref_slice %arg21[%mul3A_117, %dma_start3A_148] : memref<3344x128xf32, #tpu.memory_space<vmem_shared>> -> memref<208x128xf32, #tpu.memory_space<vmem_shared>>
      tpu.enqueue_dma source(%dma_start3A_149 : memref<208x128xf32, #tpu.memory_space<vmem_shared>>) target(%dma_start3A_147 : memref<208x128xf32, #tpu.memory_space<hbm>>) target_semaphore(%run_scoped3A : memref<!tpu.dma_semaphore, #tpu.memory_space<semaphore_mem>>)
      %dma_wait3A = arith.constant 0 : i32
      %dma_wait3A_150 = tpu.memref_slice %arg8[%arg0, %add3A_121, %dma_wait3A] : memref<2x10000x128xf32, #tpu.memory_space<hbm>> -> memref<1x208x128xf32, #tpu.memory_space<hbm>>
      %dma_wait3A_151 = tpu.memref_squeeze %dma_wait3A_150 : memref<1x208x128xf32, #tpu.memory_space<hbm>> -> memref<208x128xf32, #tpu.memory_space<hbm>>
      %dma_wait3A_152 = arith.constant 0 : i32
      %dma_wait3A_153 = tpu.memref_slice %arg21[%mul3A_117, %dma_wait3A_152] : memref<3344x128xf32, #tpu.memory_space<vmem_shared>> -> memref<208x128xf32, #tpu.memory_space<vmem_shared>>
      tpu.wait_dma2 semaphore(%run_scoped3A : memref<!tpu.dma_semaphore, #tpu.memory_space<semaphore_mem>>) src(%dma_wait3A_153 : memref<208x128xf32, #tpu.memory_space<vmem_shared>>) dst(%dma_wait3A_151 : memref<208x128xf32, #tpu.memory_space<hbm>>)
      tpu.yield
    }) : () -> ()
    %eq3A_122 = arith.constant 15 : i32
    %eq3A_123 = arith.cmpi eq, %arg1, %eq3A_122 : i32
    %convert_element_type3A_124 = arith.extui %eq3A_123 : i1 to i32
    %cond3A_125 = arith.constant 0 : i32
    %cond3A_126 = arith.cmpi ne, %convert_element_type3A_124, %cond3A_125 : i32
    scf.if %cond3A_126 {
      "tpu.region"() ({
        %run_scoped3A = tpu.sem_alloc : memref<!tpu.dma_semaphore, #tpu.memory_space<semaphore_mem>>
        %dma_start3A = arith.constant 6664 : i32
        %dma_start3A_146 = arith.constant 0 : i32
        %dma_start3A_147 = tpu.memref_slice %arg8[%arg0, %dma_start3A, %dma_start3A_146] : memref<2x10000x128xf32, #tpu.memory_space<hbm>> -> memref<1x8x128xf32, #tpu.memory_space<hbm>>
        %dma_start3A_148 = tpu.memref_squeeze %dma_start3A_147 : memref<1x8x128xf32, #tpu.memory_space<hbm>> -> memref<8x128xf32, #tpu.memory_space<hbm>>
        %dma_start3A_149 = arith.constant 3328 : i32
        %dma_start3A_150 = arith.constant 0 : i32
        %dma_start3A_151 = tpu.memref_slice %arg21[%dma_start3A_149, %dma_start3A_150] : memref<3344x128xf32, #tpu.memory_space<vmem_shared>> -> memref<8x128xf32, #tpu.memory_space<vmem_shared>>
        tpu.enqueue_dma source(%dma_start3A_151 : memref<8x128xf32, #tpu.memory_space<vmem_shared>>) target(%dma_start3A_148 : memref<8x128xf32, #tpu.memory_space<hbm>>) target_semaphore(%run_scoped3A : memref<!tpu.dma_semaphore, #tpu.memory_space<semaphore_mem>>)
        %dma_wait3A = arith.constant 6664 : i32
        %dma_wait3A_152 = arith.constant 0 : i32
        %dma_wait3A_153 = tpu.memref_slice %arg8[%arg0, %dma_wait3A, %dma_wait3A_152] : memref<2x10000x128xf32, #tpu.memory_space<hbm>> -> memref<1x8x128xf32, #tpu.memory_space<hbm>>
        %dma_wait3A_154 = tpu.memref_squeeze %dma_wait3A_153 : memref<1x8x128xf32, #tpu.memory_space<hbm>> -> memref<8x128xf32, #tpu.memory_space<hbm>>
        %dma_wait3A_155 = arith.constant 3328 : i32
        %dma_wait3A_156 = arith.constant 0 : i32
        %dma_wait3A_157 = tpu.memref_slice %arg21[%dma_wait3A_155, %dma_wait3A_156] : memref<3344x128xf32, #tpu.memory_space<vmem_shared>> -> memref<8x128xf32, #tpu.memory_space<vmem_shared>>
        tpu.wait_dma2 semaphore(%run_scoped3A : memref<!tpu.dma_semaphore, #tpu.memory_space<semaphore_mem>>) src(%dma_wait3A_157 : memref<8x128xf32, #tpu.memory_space<vmem_shared>>) dst(%dma_wait3A_154 : memref<8x128xf32, #tpu.memory_space<hbm>>)
        tpu.yield
      }) : () -> ()
    } else {
    }
    %barrier3A_127 = arith.constant 0 : index
    tpu.barrier barrier_id(%barrier3A_127)
    %while3A_128 = arith.constant 0 : i32
    %while3A_129 = arith.constant 0 : i32
    %while3A_130 = arith.subi %select_n3A, %while3A_129 : i32
    %while3A_131 = arith.addi %while3A_129, %while3A_130 : i32
    %while3A_132 = arith.constant 1 : i32
    %while3A_133 = arith.divsi %while3A_130, %while3A_132 : i32
    %while3A_134 = arith.muli %while3A_133, %while3A_132 : i32
    %while3A_135 = arith.addi %while3A_129, %while3A_134 : i32
    %while3A_136 = arith.constant 1 : i32
    scf.for %while3A_146 = %while3A_129 to %while3A_135 step %while3A_136  : i32 {
      %mul3A_147 = arith.constant 32 : i32
      %mul3A_148 = arith.muli %mul3A_147, %while3A_146 : i32
      %add3A_149 = arith.addi %add3A, %mul3A_148 : i32
      %mul3A_150 = arith.constant 128 : i32
      %mul3A_151 = arith.muli %add3A_149, %mul3A_150 : i32
      %dma_start3A = arith.constant 0 : i32
      %dma_start3A_152 = tpu.memref_slice %arg10[%mul3A_151, %dma_start3A] : memref<320000x128xf32, #tpu.memory_space<hbm>> -> memref<128x128xf32, #tpu.memory_space<hbm>>
      %dma_start3A_153 = arith.constant 0 : i32
      %dma_start3A_154 = tpu.memref_slice %arg10[%mul3A_151, %dma_start3A_153] : memref<320000x128xf32, #tpu.memory_space<hbm>> -> memref<128x128xf32, #tpu.memory_space<hbm>>
      tpu.enqueue_dma source(%dma_start3A_154 : memref<128x128xf32, #tpu.memory_space<hbm>>) target(%arg18 : memref<128x128xf32, #tpu.memory_space<vmem>>) target_semaphore(%arg22 : memref<!tpu.dma_semaphore, #tpu.memory_space<semaphore_mem>>)
      "tpu.region"() ({
        %run_scoped3A = tpu.sem_alloc : memref<!tpu.dma_semaphore, #tpu.memory_space<semaphore_mem>>
        %dma_start3A_314 = tpu.memref_slice %arg6[%mul3A_151] : memref<320000xi32, #tpu.memory_space<hbm>> -> memref<128xi32, #tpu.memory_space<hbm>>
        %dma_start3A_315 = tpu.memref_slice %arg6[%mul3A_151] : memref<320000xi32, #tpu.memory_space<hbm>> -> memref<128xi32, #tpu.memory_space<hbm>>
        tpu.enqueue_dma source(%dma_start3A_315 : memref<128xi32, #tpu.memory_space<hbm>>) target(%arg12 : memref<128xi32, #tpu.memory_space<vmem>>) target_semaphore(%run_scoped3A : memref<!tpu.dma_semaphore, #tpu.memory_space<semaphore_mem>>)
        %dma_wait3A_316 = tpu.memref_slice %arg6[%mul3A_151] : memref<320000xi32, #tpu.memory_space<hbm>> -> memref<128xi32, #tpu.memory_space<hbm>>
        %dma_wait3A_317 = tpu.memref_slice %arg6[%mul3A_151] : memref<320000xi32, #tpu.memory_space<hbm>> -> memref<128xi32, #tpu.memory_space<hbm>>
        tpu.wait_dma2 semaphore(%run_scoped3A : memref<!tpu.dma_semaphore, #tpu.memory_space<semaphore_mem>>) src(%dma_wait3A_317 : memref<128xi32, #tpu.memory_space<hbm>>) dst(%arg12 : memref<128xi32, #tpu.memory_space<vmem>>)
        tpu.yield
      }) : () -> ()
      %get3A = arith.constant 0 : index
      %get3A_155 = tpu.vector_load %arg12[%get3A] {strides = array<i32>} : memref<128xi32, #tpu.memory_space<vmem>>, vector<16xi32>,
      %get3A_156 = vector.shape_cast %get3A_155 : vector<16xi32> to vector<16xi32>
      %ge3A = arith.constant 6672 : i32
      %ge3A_157 = vector.broadcast %ge3A : i32 to vector<16xi32>
      %ge3A_158 = arith.cmpi sge, %get3A_156, %ge3A_157 : vector<16xi32>
      %lt3A_159 = arith.constant 10000 : i32
      %lt3A_160 = vector.broadcast %lt3A_159 : i32 to vector<16xi32>
      %lt3A_161 = arith.cmpi slt, %get3A_156, %lt3A_160 : vector<16xi32>
      %and3A = arith.andi %ge3A_158, %lt3A_161 : vector<16xi1>
      %sub3A = arith.constant 6672 : i32
      %sub3A_162 = vector.broadcast %sub3A : i32 to vector<16xi32>
      %sub3A_163 = arith.subi %get3A_156, %sub3A_162 : vector<16xi32>
      %jit3A_164 = arith.constant 3336 : i32
      %broadcast_in_dim3A_165 = vector.broadcast %jit3A_164 : i32 to vector<16xi32>
      %select_n3A_166 = arith.select %and3A, %sub3A_163, %broadcast_in_dim3A_165 : vector<16xi1>, vector<16xi32>
      %swap3A_167 = arith.constant 0 : index
      %swap3A_168 = tpu.vector_load %arg13[%swap3A_167] {strides = array<i32>} : memref<128xi32, #tpu.memory_space<vmem>>, vector<16xi32>,
      %swap3A_169 = vector.shape_cast %swap3A_168 : vector<16xi32> to vector<16xi32>
      %swap3A_170 = vector.shape_cast %select_n3A_166 : vector<16xi32> to vector<16xi32>
      tpu.vector_store %arg13[%swap3A_167], %swap3A_170 {strides = array<i32>} : memref<128xi32, #tpu.memory_space<vmem>>, vector<16xi32>,
      %get3A_171 = arith.constant 16 : index
      %get3A_172 = tpu.vector_load %arg12[%get3A_171] {strides = array<i32>} : memref<128xi32, #tpu.memory_space<vmem>>, vector<16xi32>,
      %get3A_173 = vector.shape_cast %get3A_172 : vector<16xi32> to vector<16xi32>
      %ge3A_174 = arith.constant 6672 : i32
      %ge3A_175 = vector.broadcast %ge3A_174 : i32 to vector<16xi32>
      %ge3A_176 = arith.cmpi sge, %get3A_173, %ge3A_175 : vector<16xi32>
      %lt3A_177 = arith.constant 10000 : i32
      %lt3A_178 = vector.broadcast %lt3A_177 : i32 to vector<16xi32>
      %lt3A_179 = arith.cmpi slt, %get3A_173, %lt3A_178 : vector<16xi32>
      %and3A_180 = arith.andi %ge3A_176, %lt3A_179 : vector<16xi1>
      %sub3A_181 = arith.constant 6672 : i32
      %sub3A_182 = vector.broadcast %sub3A_181 : i32 to vector<16xi32>
      %sub3A_183 = arith.subi %get3A_173, %sub3A_182 : vector<16xi32>
      %jit3A_184 = arith.constant 3336 : i32
      %broadcast_in_dim3A_185 = vector.broadcast %jit3A_184 : i32 to vector<16xi32>
      %select_n3A_186 = arith.select %and3A_180, %sub3A_183, %broadcast_in_dim3A_185 : vector<16xi1>, vector<16xi32>
      %swap3A_187 = arith.constant 16 : index
      %swap3A_188 = tpu.vector_load %arg13[%swap3A_187] {strides = array<i32>} : memref<128xi32, #tpu.memory_space<vmem>>, vector<16xi32>,
      %swap3A_189 = vector.shape_cast %swap3A_188 : vector<16xi32> to vector<16xi32>
      %swap3A_190 = vector.shape_cast %select_n3A_186 : vector<16xi32> to vector<16xi32>
      tpu.vector_store %arg13[%swap3A_187], %swap3A_190 {strides = array<i32>} : memref<128xi32, #tpu.memory_space<vmem>>, vector<16xi32>,
      %get3A_191 = arith.constant 32 : index
      %get3A_192 = tpu.vector_load %arg12[%get3A_191] {strides = array<i32>} : memref<128xi32, #tpu.memory_space<vmem>>, vector<16xi32>,
      %get3A_193 = vector.shape_cast %get3A_192 : vector<16xi32> to vector<16xi32>
      %ge3A_194 = arith.constant 6672 : i32
      %ge3A_195 = vector.broadcast %ge3A_194 : i32 to vector<16xi32>
      %ge3A_196 = arith.cmpi sge, %get3A_193, %ge3A_195 : vector<16xi32>
      %lt3A_197 = arith.constant 10000 : i32
      %lt3A_198 = vector.broadcast %lt3A_197 : i32 to vector<16xi32>
      %lt3A_199 = arith.cmpi slt, %get3A_193, %lt3A_198 : vector<16xi32>
      %and3A_200 = arith.andi %ge3A_196, %lt3A_199 : vector<16xi1>
      %sub3A_201 = arith.constant 6672 : i32
      %sub3A_202 = vector.broadcast %sub3A_201 : i32 to vector<16xi32>
      %sub3A_203 = arith.subi %get3A_193, %sub3A_202 : vector<16xi32>
      %jit3A_204 = arith.constant 3336 : i32
      %broadcast_in_dim3A_205 = vector.broadcast %jit3A_204 : i32 to vector<16xi32>
      %select_n3A_206 = arith.select %and3A_200, %sub3A_203, %broadcast_in_dim3A_205 : vector<16xi1>, vector<16xi32>
      %swap3A_207 = arith.constant 32 : index
      %swap3A_208 = tpu.vector_load %arg13[%swap3A_207] {strides = array<i32>} : memref<128xi32, #tpu.memory_space<vmem>>, vector<16xi32>,
      %swap3A_209 = vector.shape_cast %swap3A_208 : vector<16xi32> to vector<16xi32>
      %swap3A_210 = vector.shape_cast %select_n3A_206 : vector<16xi32> to vector<16xi32>
      tpu.vector_store %arg13[%swap3A_207], %swap3A_210 {strides = array<i32>} : memref<128xi32, #tpu.memory_space<vmem>>, vector<16xi32>,
      %get3A_211 = arith.constant 48 : index
      %get3A_212 = tpu.vector_load %arg12[%get3A_211] {strides = array<i32>} : memref<128xi32, #tpu.memory_space<vmem>>, vector<16xi32>,
      %get3A_213 = vector.shape_cast %get3A_212 : vector<16xi32> to vector<16xi32>
      %ge3A_214 = arith.constant 6672 : i32
      %ge3A_215 = vector.broadcast %ge3A_214 : i32 to vector<16xi32>
      %ge3A_216 = arith.cmpi sge, %get3A_213, %ge3A_215 : vector<16xi32>
      %lt3A_217 = arith.constant 10000 : i32
      %lt3A_218 = vector.broadcast %lt3A_217 : i32 to vector<16xi32>
      %lt3A_219 = arith.cmpi slt, %get3A_213, %lt3A_218 : vector<16xi32>
      %and3A_220 = arith.andi %ge3A_216, %lt3A_219 : vector<16xi1>
      %sub3A_221 = arith.constant 6672 : i32
      %sub3A_222 = vector.broadcast %sub3A_221 : i32 to vector<16xi32>
      %sub3A_223 = arith.subi %get3A_213, %sub3A_222 : vector<16xi32>
      %jit3A_224 = arith.constant 3336 : i32
      %broadcast_in_dim3A_225 = vector.broadcast %jit3A_224 : i32 to vector<16xi32>
      %select_n3A_226 = arith.select %and3A_220, %sub3A_223, %broadcast_in_dim3A_225 : vector<16xi1>, vector<16xi32>
      %swap3A_227 = arith.constant 48 : index
      %swap3A_228 = tpu.vector_load %arg13[%swap3A_227] {strides = array<i32>} : memref<128xi32, #tpu.memory_space<vmem>>, vector<16xi32>,
      %swap3A_229 = vector.shape_cast %swap3A_228 : vector<16xi32> to vector<16xi32>
      %swap3A_230 = vector.shape_cast %select_n3A_226 : vector<16xi32> to vector<16xi32>
      tpu.vector_store %arg13[%swap3A_227], %swap3A_230 {strides = array<i32>} : memref<128xi32, #tpu.memory_space<vmem>>, vector<16xi32>,
      %get3A_231 = arith.constant 64 : index
      %get3A_232 = tpu.vector_load %arg12[%get3A_231] {strides = array<i32>} : memref<128xi32, #tpu.memory_space<vmem>>, vector<16xi32>,
      %get3A_233 = vector.shape_cast %get3A_232 : vector<16xi32> to vector<16xi32>
      %ge3A_234 = arith.constant 6672 : i32
      %ge3A_235 = vector.broadcast %ge3A_234 : i32 to vector<16xi32>
      %ge3A_236 = arith.cmpi sge, %get3A_233, %ge3A_235 : vector<16xi32>
      %lt3A_237 = arith.constant 10000 : i32
      %lt3A_238 = vector.broadcast %lt3A_237 : i32 to vector<16xi32>
      %lt3A_239 = arith.cmpi slt, %get3A_233, %lt3A_238 : vector<16xi32>
      %and3A_240 = arith.andi %ge3A_236, %lt3A_239 : vector<16xi1>
      %sub3A_241 = arith.constant 6672 : i32
      %sub3A_242 = vector.broadcast %sub3A_241 : i32 to vector<16xi32>
      %sub3A_243 = arith.subi %get3A_233, %sub3A_242 : vector<16xi32>
      %jit3A_244 = arith.constant 3336 : i32
      %broadcast_in_dim3A_245 = vector.broadcast %jit3A_244 : i32 to vector<16xi32>
      %select_n3A_246 = arith.select %and3A_240, %sub3A_243, %broadcast_in_dim3A_245 : vector<16xi1>, vector<16xi32>
      %swap3A_247 = arith.constant 64 : index
      %swap3A_248 = tpu.vector_load %arg13[%swap3A_247] {strides = array<i32>} : memref<128xi32, #tpu.memory_space<vmem>>, vector<16xi32>,
      %swap3A_249 = vector.shape_cast %swap3A_248 : vector<16xi32> to vector<16xi32>
      %swap3A_250 = vector.shape_cast %select_n3A_246 : vector<16xi32> to vector<16xi32>
      tpu.vector_store %arg13[%swap3A_247], %swap3A_250 {strides = array<i32>} : memref<128xi32, #tpu.memory_space<vmem>>, vector<16xi32>,
      %get3A_251 = arith.constant 80 : index
      %get3A_252 = tpu.vector_load %arg12[%get3A_251] {strides = array<i32>} : memref<128xi32, #tpu.memory_space<vmem>>, vector<16xi32>,
      %get3A_253 = vector.shape_cast %get3A_252 : vector<16xi32> to vector<16xi32>
      %ge3A_254 = arith.constant 6672 : i32
      %ge3A_255 = vector.broadcast %ge3A_254 : i32 to vector<16xi32>
      %ge3A_256 = arith.cmpi sge, %get3A_253, %ge3A_255 : vector<16xi32>
      %lt3A_257 = arith.constant 10000 : i32
      %lt3A_258 = vector.broadcast %lt3A_257 : i32 to vector<16xi32>
      %lt3A_259 = arith.cmpi slt, %get3A_253, %lt3A_258 : vector<16xi32>
      %and3A_260 = arith.andi %ge3A_256, %lt3A_259 : vector<16xi1>
      %sub3A_261 = arith.constant 6672 : i32
      %sub3A_262 = vector.broadcast %sub3A_261 : i32 to vector<16xi32>
      %sub3A_263 = arith.subi %get3A_253, %sub3A_262 : vector<16xi32>
      %jit3A_264 = arith.constant 3336 : i32
      %broadcast_in_dim3A_265 = vector.broadcast %jit3A_264 : i32 to vector<16xi32>
      %select_n3A_266 = arith.select %and3A_260, %sub3A_263, %broadcast_in_dim3A_265 : vector<16xi1>, vector<16xi32>
      %swap3A_267 = arith.constant 80 : index
      %swap3A_268 = tpu.vector_load %arg13[%swap3A_267] {strides = array<i32>} : memref<128xi32, #tpu.memory_space<vmem>>, vector<16xi32>,
      %swap3A_269 = vector.shape_cast %swap3A_268 : vector<16xi32> to vector<16xi32>
      %swap3A_270 = vector.shape_cast %select_n3A_266 : vector<16xi32> to vector<16xi32>
      tpu.vector_store %arg13[%swap3A_267], %swap3A_270 {strides = array<i32>} : memref<128xi32, #tpu.memory_space<vmem>>, vector<16xi32>,
      %get3A_271 = arith.constant 96 : index
      %get3A_272 = tpu.vector_load %arg12[%get3A_271] {strides = array<i32>} : memref<128xi32, #tpu.memory_space<vmem>>, vector<16xi32>,
      %get3A_273 = vector.shape_cast %get3A_272 : vector<16xi32> to vector<16xi32>
      %ge3A_274 = arith.constant 6672 : i32
      %ge3A_275 = vector.broadcast %ge3A_274 : i32 to vector<16xi32>
      %ge3A_276 = arith.cmpi sge, %get3A_273, %ge3A_275 : vector<16xi32>
      %lt3A_277 = arith.constant 10000 : i32
      %lt3A_278 = vector.broadcast %lt3A_277 : i32 to vector<16xi32>
      %lt3A_279 = arith.cmpi slt, %get3A_273, %lt3A_278 : vector<16xi32>
      %and3A_280 = arith.andi %ge3A_276, %lt3A_279 : vector<16xi1>
      %sub3A_281 = arith.constant 6672 : i32
      %sub3A_282 = vector.broadcast %sub3A_281 : i32 to vector<16xi32>
      %sub3A_283 = arith.subi %get3A_273, %sub3A_282 : vector<16xi32>
      %jit3A_284 = arith.constant 3336 : i32
      %broadcast_in_dim3A_285 = vector.broadcast %jit3A_284 : i32 to vector<16xi32>
      %select_n3A_286 = arith.select %and3A_280, %sub3A_283, %broadcast_in_dim3A_285 : vector<16xi1>, vector<16xi32>
      %swap3A_287 = arith.constant 96 : index
      %swap3A_288 = tpu.vector_load %arg13[%swap3A_287] {strides = array<i32>} : memref<128xi32, #tpu.memory_space<vmem>>, vector<16xi32>,
      %swap3A_289 = vector.shape_cast %swap3A_288 : vector<16xi32> to vector<16xi32>
      %swap3A_290 = vector.shape_cast %select_n3A_286 : vector<16xi32> to vector<16xi32>
      tpu.vector_store %arg13[%swap3A_287], %swap3A_290 {strides = array<i32>} : memref<128xi32, #tpu.memory_space<vmem>>, vector<16xi32>,
      %get3A_291 = arith.constant 112 : index
      %get3A_292 = tpu.vector_load %arg12[%get3A_291] {strides = array<i32>} : memref<128xi32, #tpu.memory_space<vmem>>, vector<16xi32>,
      %get3A_293 = vector.shape_cast %get3A_292 : vector<16xi32> to vector<16xi32>
      %ge3A_294 = arith.constant 6672 : i32
      %ge3A_295 = vector.broadcast %ge3A_294 : i32 to vector<16xi32>
      %ge3A_296 = arith.cmpi sge, %get3A_293, %ge3A_295 : vector<16xi32>
      %lt3A_297 = arith.constant 10000 : i32
      %lt3A_298 = vector.broadcast %lt3A_297 : i32 to vector<16xi32>
      %lt3A_299 = arith.cmpi slt, %get3A_293, %lt3A_298 : vector<16xi32>
      %and3A_300 = arith.andi %ge3A_296, %lt3A_299 : vector<16xi1>
      %sub3A_301 = arith.constant 6672 : i32
      %sub3A_302 = vector.broadcast %sub3A_301 : i32 to vector<16xi32>
      %sub3A_303 = arith.subi %get3A_293, %sub3A_302 : vector<16xi32>
      %jit3A_304 = arith.constant 3336 : i32
      %broadcast_in_dim3A_305 = vector.broadcast %jit3A_304 : i32 to vector<16xi32>
      %select_n3A_306 = arith.select %and3A_300, %sub3A_303, %broadcast_in_dim3A_305 : vector<16xi1>, vector<16xi32>
      %swap3A_307 = arith.constant 112 : index
      %swap3A_308 = tpu.vector_load %arg13[%swap3A_307] {strides = array<i32>} : memref<128xi32, #tpu.memory_space<vmem>>, vector<16xi32>,
      %swap3A_309 = vector.shape_cast %swap3A_308 : vector<16xi32> to vector<16xi32>
      %swap3A_310 = vector.shape_cast %select_n3A_306 : vector<16xi32> to vector<16xi32>
      tpu.vector_store %arg13[%swap3A_307], %swap3A_310 {strides = array<i32>} : memref<128xi32, #tpu.memory_space<vmem>>, vector<16xi32>,
      %dma_wait3A = arith.constant 0 : i32
      %dma_wait3A_311 = tpu.memref_slice %arg10[%mul3A_151, %dma_wait3A] : memref<320000x128xf32, #tpu.memory_space<hbm>> -> memref<128x128xf32, #tpu.memory_space<hbm>>
      %dma_wait3A_312 = arith.constant 0 : i32
      %dma_wait3A_313 = tpu.memref_slice %arg10[%mul3A_151, %dma_wait3A_312] : memref<320000x128xf32, #tpu.memory_space<hbm>> -> memref<128x128xf32, #tpu.memory_space<hbm>>
      tpu.wait_dma2 semaphore(%arg22 : memref<!tpu.dma_semaphore, #tpu.memory_space<semaphore_mem>>) src(%dma_wait3A_313 : memref<128x128xf32, #tpu.memory_space<hbm>>) dst(%arg18 : memref<128x128xf32, #tpu.memory_space<vmem>>)
      "tpu.region"() ({
        %run_scoped3A = tpu.sem_alloc : memref<!tpu.dma_semaphore, #tpu.memory_space<semaphore_mem>>
        %dma_start3A_314 = arith.constant 0 : i32
        %dma_start3A_315 = arith.constant 0 : i32
        %dma_start3A_316 = tpu.memref_slice %arg21[%dma_start3A_314, %dma_start3A_315] : memref<3344x128xf32, #tpu.memory_space<vmem_shared>> -> memref<3344x128xf32, #tpu.memory_space<vmem_shared>>
        tpu.enqueue_indirect_dma source(%arg18 : memref<128x128xf32, #tpu.memory_space<vmem>>) target(%dma_start3A_316 : memref<3344x128xf32, #tpu.memory_space<vmem_shared>>) offsets(%arg13 : memref<128xi32, #tpu.memory_space<vmem>>) semaphore(%run_scoped3A : memref<!tpu.dma_semaphore, #tpu.memory_space<semaphore_mem>>) {add = true}
        %dma_wait3A_317 = arith.constant 0 : i32
        %dma_wait3A_318 = arith.constant 0 : i32
        %dma_wait3A_319 = tpu.memref_slice %arg21[%dma_wait3A_317, %dma_wait3A_318] : memref<3344x128xf32, #tpu.memory_space<vmem_shared>> -> memref<3344x128xf32, #tpu.memory_space<vmem_shared>>
        tpu.wait_indirect_dma semaphore(%run_scoped3A : memref<!tpu.dma_semaphore, #tpu.memory_space<semaphore_mem>>) src(%arg18 : memref<128x128xf32, #tpu.memory_space<vmem>>) dst(%dma_wait3A_319 : memref<3344x128xf32, #tpu.memory_space<vmem_shared>>)
        tpu.yield
      }) : () -> ()
    }
    %while3A_137 = arith.constant 1 : i32
    scf.for %while3A_146 = %while3A_135 to %while3A_131 step %while3A_137  : i32 {
      %mul3A_147 = arith.constant 32 : i32
      %mul3A_148 = arith.muli %mul3A_147, %while3A_146 : i32
      %add3A_149 = arith.addi %add3A, %mul3A_148 : i32
      %mul3A_150 = arith.constant 128 : i32
      %mul3A_151 = arith.muli %add3A_149, %mul3A_150 : i32
      %dma_start3A = arith.constant 0 : i32
      %dma_start3A_152 = tpu.memref_slice %arg10[%mul3A_151, %dma_start3A] : memref<320000x128xf32, #tpu.memory_space<hbm>> -> memref<128x128xf32, #tpu.memory_space<hbm>>
      %dma_start3A_153 = arith.constant 0 : i32
      %dma_start3A_154 = tpu.memref_slice %arg10[%mul3A_151, %dma_start3A_153] : memref<320000x128xf32, #tpu.memory_space<hbm>> -> memref<128x128xf32, #tpu.memory_space<hbm>>
      tpu.enqueue_dma source(%dma_start3A_154 : memref<128x128xf32, #tpu.memory_space<hbm>>) target(%arg18 : memref<128x128xf32, #tpu.memory_space<vmem>>) target_semaphore(%arg22 : memref<!tpu.dma_semaphore, #tpu.memory_space<semaphore_mem>>)
      "tpu.region"() ({
        %run_scoped3A = tpu.sem_alloc : memref<!tpu.dma_semaphore, #tpu.memory_space<semaphore_mem>>
        %dma_start3A_314 = tpu.memref_slice %arg6[%mul3A_151] : memref<320000xi32, #tpu.memory_space<hbm>> -> memref<128xi32, #tpu.memory_space<hbm>>
        %dma_start3A_315 = tpu.memref_slice %arg6[%mul3A_151] : memref<320000xi32, #tpu.memory_space<hbm>> -> memref<128xi32, #tpu.memory_space<hbm>>
        tpu.enqueue_dma source(%dma_start3A_315 : memref<128xi32, #tpu.memory_space<hbm>>) target(%arg12 : memref<128xi32, #tpu.memory_space<vmem>>) target_semaphore(%run_scoped3A : memref<!tpu.dma_semaphore, #tpu.memory_space<semaphore_mem>>)
        %dma_wait3A_316 = tpu.memref_slice %arg6[%mul3A_151] : memref<320000xi32, #tpu.memory_space<hbm>> -> memref<128xi32, #tpu.memory_space<hbm>>
        %dma_wait3A_317 = tpu.memref_slice %arg6[%mul3A_151] : memref<320000xi32, #tpu.memory_space<hbm>> -> memref<128xi32, #tpu.memory_space<hbm>>
        tpu.wait_dma2 semaphore(%run_scoped3A : memref<!tpu.dma_semaphore, #tpu.memory_space<semaphore_mem>>) src(%dma_wait3A_317 : memref<128xi32, #tpu.memory_space<hbm>>) dst(%arg12 : memref<128xi32, #tpu.memory_space<vmem>>)
        tpu.yield
      }) : () -> ()
      %get3A = arith.constant 0 : index
      %get3A_155 = tpu.vector_load %arg12[%get3A] {strides = array<i32>} : memref<128xi32, #tpu.memory_space<vmem>>, vector<16xi32>,
      %get3A_156 = vector.shape_cast %get3A_155 : vector<16xi32> to vector<16xi32>
      %ge3A = arith.constant 6672 : i32
      %ge3A_157 = vector.broadcast %ge3A : i32 to vector<16xi32>
      %ge3A_158 = arith.cmpi sge, %get3A_156, %ge3A_157 : vector<16xi32>
      %lt3A_159 = arith.constant 10000 : i32
      %lt3A_160 = vector.broadcast %lt3A_159 : i32 to vector<16xi32>
      %lt3A_161 = arith.cmpi slt, %get3A_156, %lt3A_160 : vector<16xi32>
      %and3A = arith.andi %ge3A_158, %lt3A_161 : vector<16xi1>
      %sub3A = arith.constant 6672 : i32
      %sub3A_162 = vector.broadcast %sub3A : i32 to vector<16xi32>
      %sub3A_163 = arith.subi %get3A_156, %sub3A_162 : vector<16xi32>
      %jit3A_164 = arith.constant 3336 : i32
      %broadcast_in_dim3A_165 = vector.broadcast %jit3A_164 : i32 to vector<16xi32>
      %select_n3A_166 = arith.select %and3A, %sub3A_163, %broadcast_in_dim3A_165 : vector<16xi1>, vector<16xi32>
      %swap3A_167 = arith.constant 0 : index
      %swap3A_168 = tpu.vector_load %arg13[%swap3A_167] {strides = array<i32>} : memref<128xi32, #tpu.memory_space<vmem>>, vector<16xi32>,
      %swap3A_169 = vector.shape_cast %swap3A_168 : vector<16xi32> to vector<16xi32>
      %swap3A_170 = vector.shape_cast %select_n3A_166 : vector<16xi32> to vector<16xi32>
      tpu.vector_store %arg13[%swap3A_167], %swap3A_170 {strides = array<i32>} : memref<128xi32, #tpu.memory_space<vmem>>, vector<16xi32>,
      %get3A_171 = arith.constant 16 : index
      %get3A_172 = tpu.vector_load %arg12[%get3A_171] {strides = array<i32>} : memref<128xi32, #tpu.memory_space<vmem>>, vector<16xi32>,
      %get3A_173 = vector.shape_cast %get3A_172 : vector<16xi32> to vector<16xi32>
      %ge3A_174 = arith.constant 6672 : i32
      %ge3A_175 = vector.broadcast %ge3A_174 : i32 to vector<16xi32>
      %ge3A_176 = arith.cmpi sge, %get3A_173, %ge3A_175 : vector<16xi32>
      %lt3A_177 = arith.constant 10000 : i32
      %lt3A_178 = vector.broadcast %lt3A_177 : i32 to vector<16xi32>
      %lt3A_179 = arith.cmpi slt, %get3A_173, %lt3A_178 : vector<16xi32>
      %and3A_180 = arith.andi %ge3A_176, %lt3A_179 : vector<16xi1>
      %sub3A_181 = arith.constant 6672 : i32
      %sub3A_182 = vector.broadcast %sub3A_181 : i32 to vector<16xi32>
      %sub3A_183 = arith.subi %get3A_173, %sub3A_182 : vector<16xi32>
      %jit3A_184 = arith.constant 3336 : i32
      %broadcast_in_dim3A_185 = vector.broadcast %jit3A_184 : i32 to vector<16xi32>
      %select_n3A_186 = arith.select %and3A_180, %sub3A_183, %broadcast_in_dim3A_185 : vector<16xi1>, vector<16xi32>
      %swap3A_187 = arith.constant 16 : index
      %swap3A_188 = tpu.vector_load %arg13[%swap3A_187] {strides = array<i32>} : memref<128xi32, #tpu.memory_space<vmem>>, vector<16xi32>,
      %swap3A_189 = vector.shape_cast %swap3A_188 : vector<16xi32> to vector<16xi32>
      %swap3A_190 = vector.shape_cast %select_n3A_186 : vector<16xi32> to vector<16xi32>
      tpu.vector_store %arg13[%swap3A_187], %swap3A_190 {strides = array<i32>} : memref<128xi32, #tpu.memory_space<vmem>>, vector<16xi32>,
      %get3A_191 = arith.constant 32 : index
      %get3A_192 = tpu.vector_load %arg12[%get3A_191] {strides = array<i32>} : memref<128xi32, #tpu.memory_space<vmem>>, vector<16xi32>,
      %get3A_193 = vector.shape_cast %get3A_192 : vector<16xi32> to vector<16xi32>
      %ge3A_194 = arith.constant 6672 : i32
      %ge3A_195 = vector.broadcast %ge3A_194 : i32 to vector<16xi32>
      %ge3A_196 = arith.cmpi sge, %get3A_193, %ge3A_195 : vector<16xi32>
      %lt3A_197 = arith.constant 10000 : i32
      %lt3A_198 = vector.broadcast %lt3A_197 : i32 to vector<16xi32>
      %lt3A_199 = arith.cmpi slt, %get3A_193, %lt3A_198 : vector<16xi32>
      %and3A_200 = arith.andi %ge3A_196, %lt3A_199 : vector<16xi1>
      %sub3A_201 = arith.constant 6672 : i32
      %sub3A_202 = vector.broadcast %sub3A_201 : i32 to vector<16xi32>
      %sub3A_203 = arith.subi %get3A_193, %sub3A_202 : vector<16xi32>
      %jit3A_204 = arith.constant 3336 : i32
      %broadcast_in_dim3A_205 = vector.broadcast %jit3A_204 : i32 to vector<16xi32>
      %select_n3A_206 = arith.select %and3A_200, %sub3A_203, %broadcast_in_dim3A_205 : vector<16xi1>, vector<16xi32>
      %swap3A_207 = arith.constant 32 : index
      %swap3A_208 = tpu.vector_load %arg13[%swap3A_207] {strides = array<i32>} : memref<128xi32, #tpu.memory_space<vmem>>, vector<16xi32>,
      %swap3A_209 = vector.shape_cast %swap3A_208 : vector<16xi32> to vector<16xi32>
      %swap3A_210 = vector.shape_cast %select_n3A_206 : vector<16xi32> to vector<16xi32>
      tpu.vector_store %arg13[%swap3A_207], %swap3A_210 {strides = array<i32>} : memref<128xi32, #tpu.memory_space<vmem>>, vector<16xi32>,
      %get3A_211 = arith.constant 48 : index
      %get3A_212 = tpu.vector_load %arg12[%get3A_211] {strides = array<i32>} : memref<128xi32, #tpu.memory_space<vmem>>, vector<16xi32>,
      %get3A_213 = vector.shape_cast %get3A_212 : vector<16xi32> to vector<16xi32>
      %ge3A_214 = arith.constant 6672 : i32
      %ge3A_215 = vector.broadcast %ge3A_214 : i32 to vector<16xi32>
      %ge3A_216 = arith.cmpi sge, %get3A_213, %ge3A_215 : vector<16xi32>
      %lt3A_217 = arith.constant 10000 : i32
      %lt3A_218 = vector.broadcast %lt3A_217 : i32 to vector<16xi32>
      %lt3A_219 = arith.cmpi slt, %get3A_213, %lt3A_218 : vector<16xi32>
      %and3A_220 = arith.andi %ge3A_216, %lt3A_219 : vector<16xi1>
      %sub3A_221 = arith.constant 6672 : i32
      %sub3A_222 = vector.broadcast %sub3A_221 : i32 to vector<16xi32>
      %sub3A_223 = arith.subi %get3A_213, %sub3A_222 : vector<16xi32>
      %jit3A_224 = arith.constant 3336 : i32
      %broadcast_in_dim3A_225 = vector.broadcast %jit3A_224 : i32 to vector<16xi32>
      %select_n3A_226 = arith.select %and3A_220, %sub3A_223, %broadcast_in_dim3A_225 : vector<16xi1>, vector<16xi32>
      %swap3A_227 = arith.constant 48 : index
      %swap3A_228 = tpu.vector_load %arg13[%swap3A_227] {strides = array<i32>} : memref<128xi32, #tpu.memory_space<vmem>>, vector<16xi32>,
      %swap3A_229 = vector.shape_cast %swap3A_228 : vector<16xi32> to vector<16xi32>
      %swap3A_230 = vector.shape_cast %select_n3A_226 : vector<16xi32> to vector<16xi32>
      tpu.vector_store %arg13[%swap3A_227], %swap3A_230 {strides = array<i32>} : memref<128xi32, #tpu.memory_space<vmem>>, vector<16xi32>,
      %get3A_231 = arith.constant 64 : index
      %get3A_232 = tpu.vector_load %arg12[%get3A_231] {strides = array<i32>} : memref<128xi32, #tpu.memory_space<vmem>>, vector<16xi32>,
      %get3A_233 = vector.shape_cast %get3A_232 : vector<16xi32> to vector<16xi32>
      %ge3A_234 = arith.constant 6672 : i32
      %ge3A_235 = vector.broadcast %ge3A_234 : i32 to vector<16xi32>
      %ge3A_236 = arith.cmpi sge, %get3A_233, %ge3A_235 : vector<16xi32>
      %lt3A_237 = arith.constant 10000 : i32
      %lt3A_238 = vector.broadcast %lt3A_237 : i32 to vector<16xi32>
      %lt3A_239 = arith.cmpi slt, %get3A_233, %lt3A_238 : vector<16xi32>
      %and3A_240 = arith.andi %ge3A_236, %lt3A_239 : vector<16xi1>
      %sub3A_241 = arith.constant 6672 : i32
      %sub3A_242 = vector.broadcast %sub3A_241 : i32 to vector<16xi32>
      %sub3A_243 = arith.subi %get3A_233, %sub3A_242 : vector<16xi32>
      %jit3A_244 = arith.constant 3336 : i32
      %broadcast_in_dim3A_245 = vector.broadcast %jit3A_244 : i32 to vector<16xi32>
      %select_n3A_246 = arith.select %and3A_240, %sub3A_243, %broadcast_in_dim3A_245 : vector<16xi1>, vector<16xi32>
      %swap3A_247 = arith.constant 64 : index
      %swap3A_248 = tpu.vector_load %arg13[%swap3A_247] {strides = array<i32>} : memref<128xi32, #tpu.memory_space<vmem>>, vector<16xi32>,
      %swap3A_249 = vector.shape_cast %swap3A_248 : vector<16xi32> to vector<16xi32>
      %swap3A_250 = vector.shape_cast %select_n3A_246 : vector<16xi32> to vector<16xi32>
      tpu.vector_store %arg13[%swap3A_247], %swap3A_250 {strides = array<i32>} : memref<128xi32, #tpu.memory_space<vmem>>, vector<16xi32>,
      %get3A_251 = arith.constant 80 : index
      %get3A_252 = tpu.vector_load %arg12[%get3A_251] {strides = array<i32>} : memref<128xi32, #tpu.memory_space<vmem>>, vector<16xi32>,
      %get3A_253 = vector.shape_cast %get3A_252 : vector<16xi32> to vector<16xi32>
      %ge3A_254 = arith.constant 6672 : i32
      %ge3A_255 = vector.broadcast %ge3A_254 : i32 to vector<16xi32>
      %ge3A_256 = arith.cmpi sge, %get3A_253, %ge3A_255 : vector<16xi32>
      %lt3A_257 = arith.constant 10000 : i32
      %lt3A_258 = vector.broadcast %lt3A_257 : i32 to vector<16xi32>
      %lt3A_259 = arith.cmpi slt, %get3A_253, %lt3A_258 : vector<16xi32>
      %and3A_260 = arith.andi %ge3A_256, %lt3A_259 : vector<16xi1>
      %sub3A_261 = arith.constant 6672 : i32
      %sub3A_262 = vector.broadcast %sub3A_261 : i32 to vector<16xi32>
      %sub3A_263 = arith.subi %get3A_253, %sub3A_262 : vector<16xi32>
      %jit3A_264 = arith.constant 3336 : i32
      %broadcast_in_dim3A_265 = vector.broadcast %jit3A_264 : i32 to vector<16xi32>
      %select_n3A_266 = arith.select %and3A_260, %sub3A_263, %broadcast_in_dim3A_265 : vector<16xi1>, vector<16xi32>
      %swap3A_267 = arith.constant 80 : index
      %swap3A_268 = tpu.vector_load %arg13[%swap3A_267] {strides = array<i32>} : memref<128xi32, #tpu.memory_space<vmem>>, vector<16xi32>,
      %swap3A_269 = vector.shape_cast %swap3A_268 : vector<16xi32> to vector<16xi32>
      %swap3A_270 = vector.shape_cast %select_n3A_266 : vector<16xi32> to vector<16xi32>
      tpu.vector_store %arg13[%swap3A_267], %swap3A_270 {strides = array<i32>} : memref<128xi32, #tpu.memory_space<vmem>>, vector<16xi32>,
      %get3A_271 = arith.constant 96 : index
      %get3A_272 = tpu.vector_load %arg12[%get3A_271] {strides = array<i32>} : memref<128xi32, #tpu.memory_space<vmem>>, vector<16xi32>,
      %get3A_273 = vector.shape_cast %get3A_272 : vector<16xi32> to vector<16xi32>
      %ge3A_274 = arith.constant 6672 : i32
      %ge3A_275 = vector.broadcast %ge3A_274 : i32 to vector<16xi32>
      %ge3A_276 = arith.cmpi sge, %get3A_273, %ge3A_275 : vector<16xi32>
      %lt3A_277 = arith.constant 10000 : i32
      %lt3A_278 = vector.broadcast %lt3A_277 : i32 to vector<16xi32>
      %lt3A_279 = arith.cmpi slt, %get3A_273, %lt3A_278 : vector<16xi32>
      %and3A_280 = arith.andi %ge3A_276, %lt3A_279 : vector<16xi1>
      %sub3A_281 = arith.constant 6672 : i32
      %sub3A_282 = vector.broadcast %sub3A_281 : i32 to vector<16xi32>
      %sub3A_283 = arith.subi %get3A_273, %sub3A_282 : vector<16xi32>
      %jit3A_284 = arith.constant 3336 : i32
      %broadcast_in_dim3A_285 = vector.broadcast %jit3A_284 : i32 to vector<16xi32>
      %select_n3A_286 = arith.select %and3A_280, %sub3A_283, %broadcast_in_dim3A_285 : vector<16xi1>, vector<16xi32>
      %swap3A_287 = arith.constant 96 : index
      %swap3A_288 = tpu.vector_load %arg13[%swap3A_287] {strides = array<i32>} : memref<128xi32, #tpu.memory_space<vmem>>, vector<16xi32>,
      %swap3A_289 = vector.shape_cast %swap3A_288 : vector<16xi32> to vector<16xi32>
      %swap3A_290 = vector.shape_cast %select_n3A_286 : vector<16xi32> to vector<16xi32>
      tpu.vector_store %arg13[%swap3A_287], %swap3A_290 {strides = array<i32>} : memref<128xi32, #tpu.memory_space<vmem>>, vector<16xi32>,
      %get3A_291 = arith.constant 112 : index
      %get3A_292 = tpu.vector_load %arg12[%get3A_291] {strides = array<i32>} : memref<128xi32, #tpu.memory_space<vmem>>, vector<16xi32>,
      %get3A_293 = vector.shape_cast %get3A_292 : vector<16xi32> to vector<16xi32>
      %ge3A_294 = arith.constant 6672 : i32
      %ge3A_295 = vector.broadcast %ge3A_294 : i32 to vector<16xi32>
      %ge3A_296 = arith.cmpi sge, %get3A_293, %ge3A_295 : vector<16xi32>
      %lt3A_297 = arith.constant 10000 : i32
      %lt3A_298 = vector.broadcast %lt3A_297 : i32 to vector<16xi32>
      %lt3A_299 = arith.cmpi slt, %get3A_293, %lt3A_298 : vector<16xi32>
      %and3A_300 = arith.andi %ge3A_296, %lt3A_299 : vector<16xi1>
      %sub3A_301 = arith.constant 6672 : i32
      %sub3A_302 = vector.broadcast %sub3A_301 : i32 to vector<16xi32>
      %sub3A_303 = arith.subi %get3A_293, %sub3A_302 : vector<16xi32>
      %jit3A_304 = arith.constant 3336 : i32
      %broadcast_in_dim3A_305 = vector.broadcast %jit3A_304 : i32 to vector<16xi32>
      %select_n3A_306 = arith.select %and3A_300, %sub3A_303, %broadcast_in_dim3A_305 : vector<16xi1>, vector<16xi32>
      %swap3A_307 = arith.constant 112 : index
      %swap3A_308 = tpu.vector_load %arg13[%swap3A_307] {strides = array<i32>} : memref<128xi32, #tpu.memory_space<vmem>>, vector<16xi32>,
      %swap3A_309 = vector.shape_cast %swap3A_308 : vector<16xi32> to vector<16xi32>
      %swap3A_310 = vector.shape_cast %select_n3A_306 : vector<16xi32> to vector<16xi32>
      tpu.vector_store %arg13[%swap3A_307], %swap3A_310 {strides = array<i32>} : memref<128xi32, #tpu.memory_space<vmem>>, vector<16xi32>,
      %dma_wait3A = arith.constant 0 : i32
      %dma_wait3A_311 = tpu.memref_slice %arg10[%mul3A_151, %dma_wait3A] : memref<320000x128xf32, #tpu.memory_space<hbm>> -> memref<128x128xf32, #tpu.memory_space<hbm>>
      %dma_wait3A_312 = arith.constant 0 : i32
      %dma_wait3A_313 = tpu.memref_slice %arg10[%mul3A_151, %dma_wait3A_312] : memref<320000x128xf32, #tpu.memory_space<hbm>> -> memref<128x128xf32, #tpu.memory_space<hbm>>
      tpu.wait_dma2 semaphore(%arg22 : memref<!tpu.dma_semaphore, #tpu.memory_space<semaphore_mem>>) src(%dma_wait3A_313 : memref<128x128xf32, #tpu.memory_space<hbm>>) dst(%arg18 : memref<128x128xf32, #tpu.memory_space<vmem>>)
      "tpu.region"() ({
        %run_scoped3A = tpu.sem_alloc : memref<!tpu.dma_semaphore, #tpu.memory_space<semaphore_mem>>
        %dma_start3A_314 = arith.constant 0 : i32
        %dma_start3A_315 = arith.constant 0 : i32
        %dma_start3A_316 = tpu.memref_slice %arg21[%dma_start3A_314, %dma_start3A_315] : memref<3344x128xf32, #tpu.memory_space<vmem_shared>> -> memref<3344x128xf32, #tpu.memory_space<vmem_shared>>
        tpu.enqueue_indirect_dma source(%arg18 : memref<128x128xf32, #tpu.memory_space<vmem>>) target(%dma_start3A_316 : memref<3344x128xf32, #tpu.memory_space<vmem_shared>>) offsets(%arg13 : memref<128xi32, #tpu.memory_space<vmem>>) semaphore(%run_scoped3A : memref<!tpu.dma_semaphore, #tpu.memory_space<semaphore_mem>>) {add = true}
        %dma_wait3A_317 = arith.constant 0 : i32
        %dma_wait3A_318 = arith.constant 0 : i32
        %dma_wait3A_319 = tpu.memref_slice %arg21[%dma_wait3A_317, %dma_wait3A_318] : memref<3344x128xf32, #tpu.memory_space<vmem_shared>> -> memref<3344x128xf32, #tpu.memory_space<vmem_shared>>
        tpu.wait_indirect_dma semaphore(%run_scoped3A : memref<!tpu.dma_semaphore, #tpu.memory_space<semaphore_mem>>) src(%arg18 : memref<128x128xf32, #tpu.memory_space<vmem>>) dst(%dma_wait3A_319 : memref<3344x128xf32, #tpu.memory_space<vmem_shared>>)
        tpu.yield
      }) : () -> ()
    }
    %barrier3A_138 = arith.constant 0 : index
    tpu.barrier barrier_id(%barrier3A_138)
    %mul3A_139 = arith.constant 208 : i32
    %mul3A_140 = arith.muli %arg1, %mul3A_139 : i32
    %mul3A_141 = arith.constant 208 : i32
    %mul3A_142 = arith.muli %arg1, %mul3A_141 : i32
    %add3A_143 = arith.constant 6672 : i32
    %add3A_144 = arith.addi %add3A_143, %mul3A_142 : i32
    "tpu.region"() ({
      %run_scoped3A = tpu.sem_alloc : memref<!tpu.dma_semaphore, #tpu.memory_space<semaphore_mem>>
      %dma_start3A = arith.constant 0 : i32
      %dma_start3A_146 = tpu.memref_slice %arg8[%arg0, %add3A_144, %dma_start3A] : memref<2x10000x128xf32, #tpu.memory_space<hbm>> -> memref<1x208x128xf32, #tpu.memory_space<hbm>>
      %dma_start3A_147 = tpu.memref_squeeze %dma_start3A_146 : memref<1x208x128xf32, #tpu.memory_space<hbm>> -> memref<208x128xf32, #tpu.memory_space<hbm>>
      %dma_start3A_148 = arith.constant 0 : i32
      %dma_start3A_149 = tpu.memref_slice %arg21[%mul3A_140, %dma_start3A_148] : memref<3344x128xf32, #tpu.memory_space<vmem_shared>> -> memref<208x128xf32, #tpu.memory_space<vmem_shared>>
      tpu.enqueue_dma source(%dma_start3A_149 : memref<208x128xf32, #tpu.memory_space<vmem_shared>>) target(%dma_start3A_147 : memref<208x128xf32, #tpu.memory_space<hbm>>) target_semaphore(%run_scoped3A : memref<!tpu.dma_semaphore, #tpu.memory_space<semaphore_mem>>)
      %dma_wait3A = arith.constant 0 : i32
      %dma_wait3A_150 = tpu.memref_slice %arg8[%arg0, %add3A_144, %dma_wait3A] : memref<2x10000x128xf32, #tpu.memory_space<hbm>> -> memref<1x208x128xf32, #tpu.memory_space<hbm>>
      %dma_wait3A_151 = tpu.memref_squeeze %dma_wait3A_150 : memref<1x208x128xf32, #tpu.memory_space<hbm>> -> memref<208x128xf32, #tpu.memory_space<hbm>>
      %dma_wait3A_152 = arith.constant 0 : i32
      %dma_wait3A_153 = tpu.memref_slice %arg21[%mul3A_140, %dma_wait3A_152] : memref<3344x128xf32, #tpu.memory_space<vmem_shared>> -> memref<208x128xf32, #tpu.memory_space<vmem_shared>>
      tpu.wait_dma2 semaphore(%run_scoped3A : memref<!tpu.dma_semaphore, #tpu.memory_space<semaphore_mem>>) src(%dma_wait3A_153 : memref<208x128xf32, #tpu.memory_space<vmem_shared>>) dst(%dma_wait3A_151 : memref<208x128xf32, #tpu.memory_space<hbm>>)
      tpu.yield
    }) : () -> ()
    %barrier3A_145 = arith.constant 0 : index
    tpu.barrier barrier_id(%barrier3A_145)
    return
  }
}

module attributes {stable_mosaic.version = 14 : i64} {
  func.func @_mm_ln_body(%arg0: memref<10000x128xf32, #tpu.memory_space<vmem>>, %arg1: memref<128x64xf32, #tpu.memory_space<vmem>>, %arg2: memref<1x64xf32, #tpu.memory_space<vmem>>, %arg3: memref<1x64xf32, #tpu.memory_space<vmem>>, %arg4: memref<1x64xf32, #tpu.memory_space<vmem>>, %arg5: memref<10000x64xf32, #tpu.memory_space<vmem>>) attributes {dimension_semantics = [], scalar_prefetch = 0 : i64, scratch_operands = 0 : i64, tpu.core_type = #tpu.core_type<tc>} {
    %get3A = arith.constant 0 : index
    %get3A_0 = arith.constant 0 : index
    %get3A_1 = vector.load %arg0[%get3A, %get3A_0] : memref<10000x128xf32, #tpu.memory_space<vmem>>, vector<10000x128xf32>
    %get3A_2 = arith.constant 0 : index
    %get3A_3 = arith.constant 0 : index
    %get3A_4 = vector.load %arg1[%get3A_2, %get3A_3] : memref<128x64xf32, #tpu.memory_space<vmem>>, vector<128x64xf32>
    %dot_general3A = arith.constant dense<0.000000e+00> : vector<10000x64xf32>
    %dot_general3A_5 = tpu.matmul %get3A_1, %get3A_4, %dot_general3A {dimension_numbers = #tpu.dot_dimension_numbers<[1], [0], [0], [1], [0, 0, 1, 1], [], []>, transpose_lhs_hint = false} : vector<10000x128xf32>, vector<128x64xf32>, vector<10000x64xf32> -> vector<10000x64xf32>
    %get3A_6 = arith.constant 0 : index
    %get3A_7 = arith.constant 0 : index
    %get3A_8 = vector.load %arg2[%get3A_6, %get3A_7] : memref<1x64xf32, #tpu.memory_space<vmem>>, vector<1x64xf32>
    %add3A = vector.broadcast %get3A_8 : vector<1x64xf32> to vector<10000x64xf32>
    %add3A_9 = arith.addf %dot_general3A_5, %add3A : vector<10000x64xf32>
    %reduce_sum3A = arith.constant dense<0.000000e+00> : vector<10000xf32>
    %reduce_sum3A_10 = vector.multi_reduction <add>, %add3A_9, %reduce_sum3A [1] : vector<10000x64xf32> to vector<10000xf32>
    %broadcast_in_dim3A = vector.shape_cast %reduce_sum3A_10 : vector<10000xf32> to vector<10000x1xf32>
    %div3A = arith.constant 6.400000e+01 : f32
    %div3A_11 = vector.broadcast %div3A : f32 to vector<10000x1xf32>
    %div3A_12 = arith.divf %broadcast_in_dim3A, %div3A_11 : vector<10000x1xf32>
    %sub3A = vector.broadcast %div3A_12 : vector<10000x1xf32> to vector<10000x64xf32>
    %sub3A_13 = arith.subf %add3A_9, %sub3A : vector<10000x64xf32>
    %integer_pow3A = arith.mulf %sub3A_13, %sub3A_13 : vector<10000x64xf32>
    %reduce_sum3A_14 = arith.constant dense<0.000000e+00> : vector<10000xf32>
    %reduce_sum3A_15 = vector.multi_reduction <add>, %integer_pow3A, %reduce_sum3A_14 [1] : vector<10000x64xf32> to vector<10000xf32>
    %broadcast_in_dim3A_16 = vector.shape_cast %reduce_sum3A_15 : vector<10000xf32> to vector<10000x1xf32>
    %div3A_17 = arith.constant 6.400000e+01 : f32
    %div3A_18 = vector.broadcast %div3A_17 : f32 to vector<10000x1xf32>
    %div3A_19 = arith.divf %broadcast_in_dim3A_16, %div3A_18 : vector<10000x1xf32>
    %sub3A_20 = vector.broadcast %div3A_12 : vector<10000x1xf32> to vector<10000x64xf32>
    %sub3A_21 = arith.subf %add3A_9, %sub3A_20 : vector<10000x64xf32>
    %add3A_22 = arith.constant 9.99999974E-6 : f32
    %add3A_23 = vector.broadcast %add3A_22 : f32 to vector<10000x1xf32>
    %add3A_24 = arith.addf %div3A_19, %add3A_23 : vector<10000x1xf32>
    %sqrt3A = math.sqrt %add3A_24 : vector<10000x1xf32>
    %div3A_25 = vector.broadcast %sqrt3A : vector<10000x1xf32> to vector<10000x64xf32>
    %div3A_26 = arith.divf %sub3A_21, %div3A_25 : vector<10000x64xf32>
    %get3A_27 = arith.constant 0 : index
    %get3A_28 = arith.constant 0 : index
    %get3A_29 = vector.load %arg3[%get3A_27, %get3A_28] : memref<1x64xf32, #tpu.memory_space<vmem>>, vector<1x64xf32>
    %mul3A = vector.broadcast %get3A_29 : vector<1x64xf32> to vector<10000x64xf32>
    %mul3A_30 = arith.mulf %div3A_26, %mul3A : vector<10000x64xf32>
    %get3A_31 = arith.constant 0 : index
    %get3A_32 = arith.constant 0 : index
    %get3A_33 = vector.load %arg4[%get3A_31, %get3A_32] : memref<1x64xf32, #tpu.memory_space<vmem>>, vector<1x64xf32>
    %add3A_34 = vector.broadcast %get3A_33 : vector<1x64xf32> to vector<10000x64xf32>
    %add3A_35 = arith.addf %mul3A_30, %add3A_34 : vector<10000x64xf32>
    %swap3A = arith.constant 0 : index
    %swap3A_36 = arith.constant 0 : index
    %swap3A_37 = vector.load %arg5[%swap3A, %swap3A_36] : memref<10000x64xf32, #tpu.memory_space<vmem>>, vector<10000x64xf32>
    tpu.vector_store %arg5[%swap3A, %swap3A_36], %add3A_35 {strides = array<i32>} : memref<10000x64xf32, #tpu.memory_space<vmem>>, vector<10000x64xf32>,
    return
  }
}

module attributes {stable_mosaic.version = 14 : i64} {
  func.func @_node3_body(%arg0: memref<10000x64xf32, #tpu.memory_space<vmem>>, %arg1: memref<64x256xf32, #tpu.memory_space<vmem>>, %arg2: memref<1x256xf32, #tpu.memory_space<vmem>>, %arg3: memref<10000x64xf32, #tpu.memory_space<vmem>>, %arg4: memref<10000x128xf32, #tpu.memory_space<vmem>>, %arg5: memref<10000x128xf32, #tpu.memory_space<vmem>>) attributes {dimension_semantics = [], scalar_prefetch = 0 : i64, scratch_operands = 0 : i64, tpu.core_type = #tpu.core_type<tc>} {
    %get3A = arith.constant 0 : index
    %get3A_0 = arith.constant 0 : index
    %get3A_1 = vector.load %arg0[%get3A, %get3A_0] : memref<10000x64xf32, #tpu.memory_space<vmem>>, vector<10000x64xf32>
    %get3A_2 = arith.constant 0 : index
    %get3A_3 = arith.constant 0 : index
    %get3A_4 = vector.load %arg1[%get3A_2, %get3A_3] : memref<64x256xf32, #tpu.memory_space<vmem>>, vector<64x256xf32>
    %dot_general3A = arith.constant dense<0.000000e+00> : vector<10000x256xf32>
    %dot_general3A_5 = tpu.matmul %get3A_1, %get3A_4, %dot_general3A {dimension_numbers = #tpu.dot_dimension_numbers<[1], [0], [0], [1], [0, 0, 1, 1], [], []>, transpose_lhs_hint = false} : vector<10000x64xf32>, vector<64x256xf32>, vector<10000x256xf32> -> vector<10000x256xf32>
    %get3A_6 = arith.constant 0 : index
    %get3A_7 = arith.constant 0 : index
    %get3A_8 = vector.load %arg2[%get3A_6, %get3A_7] : memref<1x256xf32, #tpu.memory_space<vmem>>, vector<1x256xf32>
    %add3A = vector.broadcast %get3A_8 : vector<1x256xf32> to vector<10000x256xf32>
    %add3A_9 = arith.addf %dot_general3A_5, %add3A : vector<10000x256xf32>
    %slice3A = vector.extract_strided_slice %add3A_9 {offsets = [0, 0], sizes = [10000, 64], strides = [1, 1]} : vector<10000x256xf32> to vector<10000x64xf32>
    %swap3A = arith.constant 0 : index
    %swap3A_10 = arith.constant 0 : index
    %swap3A_11 = vector.load %arg3[%swap3A, %swap3A_10] : memref<10000x64xf32, #tpu.memory_space<vmem>>, vector<10000x64xf32>
    tpu.vector_store %arg3[%swap3A, %swap3A_10], %slice3A {strides = array<i32>} : memref<10000x64xf32, #tpu.memory_space<vmem>>, vector<10000x64xf32>,
    %slice3A_12 = vector.extract_strided_slice %add3A_9 {offsets = [0, 64], sizes = [10000, 64], strides = [1, 1]} : vector<10000x256xf32> to vector<10000x64xf32>
    %swap3A_13 = arith.constant 0 : index
    %swap3A_14 = arith.constant 0 : index
    %swap3A_15 = vector.load %arg4[%swap3A_13, %swap3A_14] : memref<10000x128xf32, #tpu.memory_space<vmem>>, vector<10000x64xf32>
    tpu.vector_store %arg4[%swap3A_13, %swap3A_14], %slice3A_12 {strides = array<i32>} : memref<10000x128xf32, #tpu.memory_space<vmem>>, vector<10000x64xf32>,
    %broadcast_in_dim3A = arith.constant 0.000000e+00 : f32
    %broadcast_in_dim3A_16 = vector.broadcast %broadcast_in_dim3A : f32 to vector<10000x64xf32>
    %swap3A_17 = arith.constant 0 : index
    %swap3A_18 = arith.constant 64 : index
    %swap3A_19 = vector.load %arg4[%swap3A_17, %swap3A_18] : memref<10000x128xf32, #tpu.memory_space<vmem>>, vector<10000x64xf32>
    tpu.vector_store %arg4[%swap3A_17, %swap3A_18], %broadcast_in_dim3A_16 {strides = array<i32>} : memref<10000x128xf32, #tpu.memory_space<vmem>>, vector<10000x64xf32>,
    %slice3A_20 = vector.extract_strided_slice %add3A_9 {offsets = [0, 128], sizes = [10000, 128], strides = [1, 1]} : vector<10000x256xf32> to vector<10000x128xf32>
    %swap3A_21 = arith.constant 0 : index
    %swap3A_22 = arith.constant 0 : index
    %swap3A_23 = vector.load %arg5[%swap3A_21, %swap3A_22] : memref<10000x128xf32, #tpu.memory_space<vmem>>, vector<10000x128xf32>
    tpu.vector_store %arg5[%swap3A_21, %swap3A_22], %slice3A_20 {strides = array<i32>} : memref<10000x128xf32, #tpu.memory_space<vmem>>, vector<10000x128xf32>,
    return
  }
}

module attributes {stable_mosaic.version = 14 : i64} {
  func.func @_edge_emb_ce_body(%arg0: i32, %arg1: memref<8000x16xf32, #tpu.memory_space<vmem>>, %arg2: memref<16x64xf32, #tpu.memory_space<vmem>>, %arg3: memref<1x64xf32, #tpu.memory_space<vmem>>, %arg4: memref<64x64xf32, #tpu.memory_space<vmem>>, %arg5: memref<1x64xf32, #tpu.memory_space<vmem>>, %arg6: memref<8000x64xf32, #tpu.memory_space<vmem>>, %arg7: memref<8000x64xf32, #tpu.memory_space<vmem>>) attributes {dimension_semantics = [#tpu.dimension_semantics<arbitrary>], iteration_bounds = array<i64: 40>, scalar_prefetch = 0 : i64, scratch_operands = 0 : i64, tpu.core_type = #tpu.core_type<tc>, window_params = [{transform_indices = @transform_0, window_bounds = array<i64: 8000, 16>}, {pipeline_mode = #tpu.pipeline_mode<synchronous>, transform_indices = @transform_1, window_bounds = array<i64: 16, 64>}, {pipeline_mode = #tpu.pipeline_mode<synchronous>, transform_indices = @transform_2, window_bounds = array<i64: 1, 64>}, {pipeline_mode = #tpu.pipeline_mode<synchronous>, transform_indices = @transform_3, window_bounds = array<i64: 64, 64>}, {pipeline_mode = #tpu.pipeline_mode<synchronous>, transform_indices = @transform_4, window_bounds = array<i64: 1, 64>}, {transform_indices = @transform_5, window_bounds = array<i64: 8000, 64>}, {transform_indices = @transform_6, window_bounds = array<i64: 8000, 64>}]} {
    %get3A = arith.constant 0 : index
    %get3A_0 = arith.constant 0 : index
    %get3A_1 = vector.load %arg1[%get3A, %get3A_0] : memref<8000x16xf32, #tpu.memory_space<vmem>>, vector<8000x16xf32>
    %get3A_2 = arith.constant 0 : index
    %get3A_3 = arith.constant 0 : index
    %get3A_4 = vector.load %arg2[%get3A_2, %get3A_3] : memref<16x64xf32, #tpu.memory_space<vmem>>, vector<16x64xf32>
    %dot_general3A = arith.constant dense<0.000000e+00> : vector<8000x64xf32>
    %dot_general3A_5 = tpu.matmul %get3A_1, %get3A_4, %dot_general3A {dimension_numbers = #tpu.dot_dimension_numbers<[1], [0], [0], [1], [0, 0, 1, 1], [], []>, transpose_lhs_hint = false} : vector<8000x16xf32>, vector<16x64xf32>, vector<8000x64xf32> -> vector<8000x64xf32>
    %get3A_6 = arith.constant 0 : index
    %get3A_7 = arith.constant 0 : index
    %get3A_8 = vector.load %arg3[%get3A_6, %get3A_7] : memref<1x64xf32, #tpu.memory_space<vmem>>, vector<1x64xf32>
    %add3A = vector.broadcast %get3A_8 : vector<1x64xf32> to vector<8000x64xf32>
    %add3A_9 = arith.addf %dot_general3A_5, %add3A : vector<8000x64xf32>
    %swap3A = arith.constant 0 : index
    %swap3A_10 = arith.constant 0 : index
    %swap3A_11 = vector.load %arg6[%swap3A, %swap3A_10] : memref<8000x64xf32, #tpu.memory_space<vmem>>, vector<8000x64xf32>
    tpu.vector_store %arg6[%swap3A, %swap3A_10], %add3A_9 {strides = array<i32>} : memref<8000x64xf32, #tpu.memory_space<vmem>>, vector<8000x64xf32>,
    %get3A_12 = arith.constant 0 : index
    %get3A_13 = arith.constant 0 : index
    %get3A_14 = vector.load %arg4[%get3A_12, %get3A_13] : memref<64x64xf32, #tpu.memory_space<vmem>>, vector<64x64xf32>
    %dot_general3A_15 = arith.constant dense<0.000000e+00> : vector<8000x64xf32>
    %dot_general3A_16 = tpu.matmul %add3A_9, %get3A_14, %dot_general3A_15 {dimension_numbers = #tpu.dot_dimension_numbers<[1], [0], [0], [1], [0, 0, 1, 1], [], []>, transpose_lhs_hint = false} : vector<8000x64xf32>, vector<64x64xf32>, vector<8000x64xf32> -> vector<8000x64xf32>
    %get3A_17 = arith.constant 0 : index
    %get3A_18 = arith.constant 0 : index
    %get3A_19 = vector.load %arg5[%get3A_17, %get3A_18] : memref<1x64xf32, #tpu.memory_space<vmem>>, vector<1x64xf32>
    %add3A_20 = vector.broadcast %get3A_19 : vector<1x64xf32> to vector<8000x64xf32>
    %add3A_21 = arith.addf %dot_general3A_16, %add3A_20 : vector<8000x64xf32>
    %swap3A_22 = arith.constant 0 : index
    %swap3A_23 = arith.constant 0 : index
    %swap3A_24 = vector.load %arg7[%swap3A_22, %swap3A_23] : memref<8000x64xf32, #tpu.memory_space<vmem>>, vector<8000x64xf32>
    tpu.vector_store %arg7[%swap3A_22, %swap3A_23], %add3A_21 {strides = array<i32>} : memref<8000x64xf32, #tpu.memory_space<vmem>>, vector<8000x64xf32>,
    return
  }
  func.func @transform_0(%arg0: i32) -> (i32, i32) {
    %c0_i32 = arith.constant 0 : i32
    %c0_i32_0 = arith.constant 0 : i32
    return %arg0, %c0_i32 : i32, i32
  }
  func.func @transform_1(%arg0: i32) -> (i32, i32) {
    %c0_i32 = arith.constant 0 : i32
    %c0_i32_0 = arith.constant 0 : i32
    %c0_i32_1 = arith.constant 0 : i32
    return %c0_i32, %c0_i32_0 : i32, i32
  }
  func.func @transform_2(%arg0: i32) -> (i32, i32) {
    %c0_i32 = arith.constant 0 : i32
    %c0_i32_0 = arith.constant 0 : i32
    %c0_i32_1 = arith.constant 0 : i32
    return %c0_i32, %c0_i32_0 : i32, i32
  }
  func.func @transform_3(%arg0: i32) -> (i32, i32) {
    %c0_i32 = arith.constant 0 : i32
    %c0_i32_0 = arith.constant 0 : i32
    %c0_i32_1 = arith.constant 0 : i32
    return %c0_i32, %c0_i32_0 : i32, i32
  }
  func.func @transform_4(%arg0: i32) -> (i32, i32) {
    %c0_i32 = arith.constant 0 : i32
    %c0_i32_0 = arith.constant 0 : i32
    %c0_i32_1 = arith.constant 0 : i32
    return %c0_i32, %c0_i32_0 : i32, i32
  }
  func.func @transform_5(%arg0: i32) -> (i32, i32) {
    %c0_i32 = arith.constant 0 : i32
    %c0_i32_0 = arith.constant 0 : i32
    return %arg0, %c0_i32 : i32, i32
  }
  func.func @transform_6(%arg0: i32) -> (i32, i32) {
    %c0_i32 = arith.constant 0 : i32
    %c0_i32_0 = arith.constant 0 : i32
    return %arg0, %c0_i32 : i32, i32
  }
}

module attributes {stable_mosaic.version = 14 : i64} {
  func.func @_post_full_body(%arg0: memref<2x10000x128xf32, #tpu.memory_space<vmem>>, %arg1: memref<10000x64xf32, #tpu.memory_space<vmem>>, %arg2: memref<10000x64xf32, #tpu.memory_space<vmem>>, %arg3: memref<10000x1xi32, #tpu.memory_space<vmem>>, %arg4: memref<1x64xf32, #tpu.memory_space<vmem>>, %arg5: memref<1x64xf32, #tpu.memory_space<vmem>>, %arg6: memref<64x64xf32, #tpu.memory_space<vmem>>, %arg7: memref<1x64xf32, #tpu.memory_space<vmem>>, %arg8: memref<1x64xf32, #tpu.memory_space<vmem>>, %arg9: memref<1x64xf32, #tpu.memory_space<vmem>>, %arg10: memref<64x64xf32, #tpu.memory_space<vmem>>, %arg11: memref<1x64xf32, #tpu.memory_space<vmem>>, %arg12: memref<1x64xf32, #tpu.memory_space<vmem>>, %arg13: memref<1x64xf32, #tpu.memory_space<vmem>>, %arg14: memref<64x256xf32, #tpu.memory_space<vmem>>, %arg15: memref<1x256xf32, #tpu.memory_space<vmem>>, %arg16: memref<64x128xf32, #tpu.memory_space<vmem>>, %arg17: memref<10000x64xf32, #tpu.memory_space<vmem>>, %arg18: memref<10000x64xf32, #tpu.memory_space<vmem>>, %arg19: memref<10000x128xf32, #tpu.memory_space<vmem>>, %arg20: memref<10000x128xf32, #tpu.memory_space<vmem>>) attributes {dimension_semantics = [], scalar_prefetch = 0 : i64, scratch_operands = 0 : i64, tpu.core_type = #tpu.core_type<tc>} {
    %get3A = arith.constant 0 : index
    %get3A_0 = arith.constant 0 : index
    %get3A_1 = arith.constant 0 : index
    %get3A_2 = vector.load %arg0[%get3A, %get3A_0, %get3A_1] : memref<2x10000x128xf32, #tpu.memory_space<vmem>>, vector<1x10000x128xf32>
    %get3A_3 = vector.shape_cast %get3A_2 : vector<1x10000x128xf32> to vector<10000x128xf32>
    %get3A_4 = arith.constant 1 : index
    %get3A_5 = arith.constant 0 : index
    %get3A_6 = arith.constant 0 : index
    %get3A_7 = vector.load %arg0[%get3A_4, %get3A_5, %get3A_6] : memref<2x10000x128xf32, #tpu.memory_space<vmem>>, vector<1x10000x128xf32>
    %get3A_8 = vector.shape_cast %get3A_7 : vector<1x10000x128xf32> to vector<10000x128xf32>
    %add3A = arith.addf %get3A_3, %get3A_8 : vector<10000x128xf32>
    %slice3A = vector.extract_strided_slice %add3A {offsets = [0, 0], sizes = [3336, 128], strides = [1, 1]} : vector<10000x128xf32> to vector<3336x128xf32>
    %slice3A_9 = vector.extract_strided_slice %add3A {offsets = [3336, 0], sizes = [3336, 128], strides = [1, 1]} : vector<10000x128xf32> to vector<3336x128xf32>
    %slice3A_10 = vector.extract_strided_slice %add3A {offsets = [0, 0], sizes = [3336, 128], strides = [1, 1]} : vector<10000x128xf32> to vector<3336x128xf32>
    %sub3A = arith.subf %slice3A_9, %slice3A_10 : vector<3336x128xf32>
    %slice3A_11 = vector.extract_strided_slice %add3A {offsets = [6672, 0], sizes = [3328, 128], strides = [1, 1]} : vector<10000x128xf32> to vector<3328x128xf32>
    %slice3A_12 = vector.extract_strided_slice %add3A {offsets = [3336, 0], sizes = [3328, 128], strides = [1, 1]} : vector<10000x128xf32> to vector<3328x128xf32>
    %sub3A_13 = arith.subf %slice3A_11, %slice3A_12 : vector<3328x128xf32>
    %concatenate3A = tpu.concatenate %slice3A, %sub3A, %sub3A_13 in 0 : vector<3336x128xf32>, vector<3336x128xf32>, vector<3328x128xf32> -> vector<10000x128xf32>
    %slice3A_14 = vector.extract_strided_slice %concatenate3A {offsets = [0, 0], sizes = [10000, 64], strides = [1, 1]} : vector<10000x128xf32> to vector<10000x64xf32>
    %slice3A_15 = vector.extract_strided_slice %concatenate3A {offsets = [0, 64], sizes = [10000, 64], strides = [1, 1]} : vector<10000x128xf32> to vector<10000x64xf32>
    %get3A_16 = arith.constant 0 : index
    %get3A_17 = arith.constant 0 : index
    %get3A_18 = vector.load %arg1[%get3A_16, %get3A_17] : memref<10000x64xf32, #tpu.memory_space<vmem>>, vector<10000x64xf32>
    %add3A_19 = arith.constant 9.99999997E-7 : f32
    %add3A_20 = vector.broadcast %add3A_19 : f32 to vector<10000x64xf32>
    %add3A_21 = arith.addf %slice3A_15, %add3A_20 : vector<10000x64xf32>
    %div3A = arith.divf %slice3A_14, %add3A_21 : vector<10000x64xf32>
    %add3A_22 = arith.addf %get3A_18, %div3A : vector<10000x64xf32>
    %reduce_sum3A = arith.constant dense<0.000000e+00> : vector<64xf32>
    %reduce_sum3A_23 = vector.multi_reduction <add>, %add3A_22, %reduce_sum3A [0] : vector<10000x64xf32> to vector<64xf32>
    %broadcast_in_dim3A = vector.shape_cast %reduce_sum3A_23 : vector<64xf32> to vector<1x64xf32>
    %div3A_24 = arith.constant 1.000000e+04 : f32
    %div3A_25 = vector.broadcast %div3A_24 : f32 to vector<1x64xf32>
    %div3A_26 = arith.divf %broadcast_in_dim3A, %div3A_25 : vector<1x64xf32>
    %sub3A_27 = vector.broadcast %div3A_26 : vector<1x64xf32> to vector<10000x64xf32>
    %sub3A_28 = arith.subf %add3A_22, %sub3A_27 : vector<10000x64xf32>
    %integer_pow3A = arith.mulf %sub3A_28, %sub3A_28 : vector<10000x64xf32>
    %reduce_sum3A_29 = arith.constant dense<0.000000e+00> : vector<64xf32>
    %reduce_sum3A_30 = vector.multi_reduction <add>, %integer_pow3A, %reduce_sum3A_29 [0] : vector<10000x64xf32> to vector<64xf32>
    %broadcast_in_dim3A_31 = vector.shape_cast %reduce_sum3A_30 : vector<64xf32> to vector<1x64xf32>
    %div3A_32 = arith.constant 1.000000e+04 : f32
    %div3A_33 = vector.broadcast %div3A_32 : f32 to vector<1x64xf32>
    %div3A_34 = arith.divf %broadcast_in_dim3A_31, %div3A_33 : vector<1x64xf32>
    %sub3A_35 = vector.broadcast %div3A_26 : vector<1x64xf32> to vector<10000x64xf32>
    %sub3A_36 = arith.subf %add3A_22, %sub3A_35 : vector<10000x64xf32>
    %add3A_37 = arith.constant 9.99999974E-6 : f32
    %add3A_38 = vector.broadcast %add3A_37 : f32 to vector<1x64xf32>
    %add3A_39 = arith.addf %div3A_34, %add3A_38 : vector<1x64xf32>
    %sqrt3A = math.sqrt %add3A_39 : vector<1x64xf32>
    %div3A_40 = vector.broadcast %sqrt3A : vector<1x64xf32> to vector<10000x64xf32>
    %div3A_41 = arith.divf %sub3A_36, %div3A_40 : vector<10000x64xf32>
    %max3A = arith.constant 0.000000e+00 : f32
    %max3A_42 = vector.broadcast %max3A : f32 to vector<10000x64xf32>
    %max3A_43 = arith.maximumf %div3A_41, %max3A_42 : vector<10000x64xf32>
    %get3A_44 = arith.constant 0 : index
    %get3A_45 = arith.constant 0 : index
    %get3A_46 = vector.load %arg2[%get3A_44, %get3A_45] : memref<10000x64xf32, #tpu.memory_space<vmem>>, vector<10000x64xf32>
    %add3A_47 = arith.addf %get3A_46, %max3A_43 : vector<10000x64xf32>
    %reduce_sum3A_48 = arith.constant dense<0.000000e+00> : vector<10000xf32>
    %reduce_sum3A_49 = vector.multi_reduction <add>, %add3A_47, %reduce_sum3A_48 [1] : vector<10000x64xf32> to vector<10000xf32>
    %broadcast_in_dim3A_50 = vector.shape_cast %reduce_sum3A_49 : vector<10000xf32> to vector<10000x1xf32>
    %div3A_51 = arith.constant 6.400000e+01 : f32
    %div3A_52 = vector.broadcast %div3A_51 : f32 to vector<10000x1xf32>
    %div3A_53 = arith.divf %broadcast_in_dim3A_50, %div3A_52 : vector<10000x1xf32>
    %sub3A_54 = vector.broadcast %div3A_53 : vector<10000x1xf32> to vector<10000x64xf32>
    %sub3A_55 = arith.subf %add3A_47, %sub3A_54 : vector<10000x64xf32>
    %integer_pow3A_56 = arith.mulf %sub3A_55, %sub3A_55 : vector<10000x64xf32>
    %reduce_sum3A_57 = arith.constant dense<0.000000e+00> : vector<10000xf32>
    %reduce_sum3A_58 = vector.multi_reduction <add>, %integer_pow3A_56, %reduce_sum3A_57 [1] : vector<10000x64xf32> to vector<10000xf32>
    %broadcast_in_dim3A_59 = vector.shape_cast %reduce_sum3A_58 : vector<10000xf32> to vector<10000x1xf32>
    %div3A_60 = arith.constant 6.400000e+01 : f32
    %div3A_61 = vector.broadcast %div3A_60 : f32 to vector<10000x1xf32>
    %div3A_62 = arith.divf %broadcast_in_dim3A_59, %div3A_61 : vector<10000x1xf32>
    %sub3A_63 = vector.broadcast %div3A_53 : vector<10000x1xf32> to vector<10000x64xf32>
    %sub3A_64 = arith.subf %add3A_47, %sub3A_63 : vector<10000x64xf32>
    %add3A_65 = arith.constant 9.99999974E-6 : f32
    %add3A_66 = vector.broadcast %add3A_65 : f32 to vector<10000x1xf32>
    %add3A_67 = arith.addf %div3A_62, %add3A_66 : vector<10000x1xf32>
    %sqrt3A_68 = math.sqrt %add3A_67 : vector<10000x1xf32>
    %div3A_69 = vector.broadcast %sqrt3A_68 : vector<10000x1xf32> to vector<10000x64xf32>
    %div3A_70 = arith.divf %sub3A_64, %div3A_69 : vector<10000x64xf32>
    %get3A_71 = arith.constant 0 : index
    %get3A_72 = arith.constant 0 : index
    %get3A_73 = vector.load %arg4[%get3A_71, %get3A_72] : memref<1x64xf32, #tpu.memory_space<vmem>>, vector<1x64xf32>
    %mul3A = vector.broadcast %get3A_73 : vector<1x64xf32> to vector<10000x64xf32>
    %mul3A_74 = arith.mulf %div3A_70, %mul3A : vector<10000x64xf32>
    %get3A_75 = arith.constant 0 : index
    %get3A_76 = arith.constant 0 : index
    %get3A_77 = vector.load %arg5[%get3A_75, %get3A_76] : memref<1x64xf32, #tpu.memory_space<vmem>>, vector<1x64xf32>
    %add3A_78 = vector.broadcast %get3A_77 : vector<1x64xf32> to vector<10000x64xf32>
    %add3A_79 = arith.addf %mul3A_74, %add3A_78 : vector<10000x64xf32>
    %get3A_80 = arith.constant 0 : index
    %get3A_81 = arith.constant 0 : index
    %get3A_82 = vector.load %arg6[%get3A_80, %get3A_81] : memref<64x64xf32, #tpu.memory_space<vmem>>, vector<64x64xf32>
    %dot_general3A = arith.constant dense<0.000000e+00> : vector<10000x64xf32>
    %dot_general3A_83 = tpu.matmul %add3A_79, %get3A_82, %dot_general3A {dimension_numbers = #tpu.dot_dimension_numbers<[1], [0], [0], [1], [0, 0, 1, 1], [], []>, transpose_lhs_hint = false} : vector<10000x64xf32>, vector<64x64xf32>, vector<10000x64xf32> -> vector<10000x64xf32>
    %get3A_84 = arith.constant 0 : index
    %get3A_85 = arith.constant 0 : index
    %get3A_86 = vector.load %arg7[%get3A_84, %get3A_85] : memref<1x64xf32, #tpu.memory_space<vmem>>, vector<1x64xf32>
    %add3A_87 = vector.broadcast %get3A_86 : vector<1x64xf32> to vector<10000x64xf32>
    %add3A_88 = arith.addf %dot_general3A_83, %add3A_87 : vector<10000x64xf32>
    %reduce_sum3A_89 = arith.constant dense<0.000000e+00> : vector<10000xf32>
    %reduce_sum3A_90 = vector.multi_reduction <add>, %add3A_88, %reduce_sum3A_89 [1] : vector<10000x64xf32> to vector<10000xf32>
    %broadcast_in_dim3A_91 = vector.shape_cast %reduce_sum3A_90 : vector<10000xf32> to vector<10000x1xf32>
    %div3A_92 = arith.constant 6.400000e+01 : f32
    %div3A_93 = vector.broadcast %div3A_92 : f32 to vector<10000x1xf32>
    %div3A_94 = arith.divf %broadcast_in_dim3A_91, %div3A_93 : vector<10000x1xf32>
    %sub3A_95 = vector.broadcast %div3A_94 : vector<10000x1xf32> to vector<10000x64xf32>
    %sub3A_96 = arith.subf %add3A_88, %sub3A_95 : vector<10000x64xf32>
    %integer_pow3A_97 = arith.mulf %sub3A_96, %sub3A_96 : vector<10000x64xf32>
    %reduce_sum3A_98 = arith.constant dense<0.000000e+00> : vector<10000xf32>
    %reduce_sum3A_99 = vector.multi_reduction <add>, %integer_pow3A_97, %reduce_sum3A_98 [1] : vector<10000x64xf32> to vector<10000xf32>
    %broadcast_in_dim3A_100 = vector.shape_cast %reduce_sum3A_99 : vector<10000xf32> to vector<10000x1xf32>
    %div3A_101 = arith.constant 6.400000e+01 : f32
    %div3A_102 = vector.broadcast %div3A_101 : f32 to vector<10000x1xf32>
    %div3A_103 = arith.divf %broadcast_in_dim3A_100, %div3A_102 : vector<10000x1xf32>
    %sub3A_104 = vector.broadcast %div3A_94 : vector<10000x1xf32> to vector<10000x64xf32>
    %sub3A_105 = arith.subf %add3A_88, %sub3A_104 : vector<10000x64xf32>
    %add3A_106 = arith.constant 9.99999974E-6 : f32
    %add3A_107 = vector.broadcast %add3A_106 : f32 to vector<10000x1xf32>
    %add3A_108 = arith.addf %div3A_103, %add3A_107 : vector<10000x1xf32>
    %sqrt3A_109 = math.sqrt %add3A_108 : vector<10000x1xf32>
    %div3A_110 = vector.broadcast %sqrt3A_109 : vector<10000x1xf32> to vector<10000x64xf32>
    %div3A_111 = arith.divf %sub3A_105, %div3A_110 : vector<10000x64xf32>
    %get3A_112 = arith.constant 0 : index
    %get3A_113 = arith.constant 0 : index
    %get3A_114 = vector.load %arg8[%get3A_112, %get3A_113] : memref<1x64xf32, #tpu.memory_space<vmem>>, vector<1x64xf32>
    %mul3A_115 = vector.broadcast %get3A_114 : vector<1x64xf32> to vector<10000x64xf32>
    %mul3A_116 = arith.mulf %div3A_111, %mul3A_115 : vector<10000x64xf32>
    %get3A_117 = arith.constant 0 : index
    %get3A_118 = arith.constant 0 : index
    %get3A_119 = vector.load %arg9[%get3A_117, %get3A_118] : memref<1x64xf32, #tpu.memory_space<vmem>>, vector<1x64xf32>
    %add3A_120 = vector.broadcast %get3A_119 : vector<1x64xf32> to vector<10000x64xf32>
    %add3A_121 = arith.addf %mul3A_116, %add3A_120 : vector<10000x64xf32>
    %get3A_122 = arith.constant 0 : index
    %get3A_123 = arith.constant 0 : index
    %get3A_124 = vector.load %arg3[%get3A_122, %get3A_123] : memref<10000x1xi32, #tpu.memory_space<vmem>>, vector<10000x1xi32>
    %iota3A = tpu.iota {dimensions = array<i32: 0>} : vector<64x128xi32>
    %broadcast_in_dim3A_125 = arith.constant 0.000000e+00 : f32
    %broadcast_in_dim3A_126 = vector.broadcast %broadcast_in_dim3A_125 : f32 to vector<64x128xf32>
    %scan3A = arith.constant 0 : i32
    %scan3A_127 = arith.constant 64 : i32
    %scan3A_128 = arith.addi %scan3A, %scan3A_127 : i32
    %scan3A_129 = arith.constant 1 : i32
    %scan3A_130 = scf.for %scan3A_207 = %scan3A to %scan3A_128 step %scan3A_129 iter_args(%scan3A_208 = %broadcast_in_dim3A_126) -> (vector<64x128xf32>)  : i32 {
      %eq3A = vector.broadcast %scan3A_207 : i32 to vector<10000x1xi32>
      %eq3A_209 = arith.cmpi eq, %get3A_124, %eq3A : vector<10000x1xi32>
      %convert_element_type3A = arith.extui %eq3A_209 : vector<10000x1xi1> to vector<10000x1xi32>
      %convert_element_type3A_210 = arith.sitofp %convert_element_type3A : vector<10000x1xi32> to vector<10000x1xf32>
      %reduce_sum3A_211 = vector.shape_cast %convert_element_type3A_210 : vector<10000x1xf32> to vector<1x10000x1xf32>
      %reduce_sum3A_212 = arith.constant dense<0.000000e+00> : vector<1xf32>
      %reduce_sum3A_213 = vector.multi_reduction <add>, %reduce_sum3A_211, %reduce_sum3A_212 [1, 2] : vector<1x10000x1xf32> to vector<1xf32>
      %reduce_sum3A_214 = vector.shape_cast %reduce_sum3A_213 : vector<1xf32> to vector<1x1x1xf32>
      %reduce_sum3A_215 = vector.extract %reduce_sum3A_214[0, 0, 0] : f32 from vector<1x1x1xf32>
      %jit3A = arith.constant 0.000000e+00 : f32
      %broadcast_in_dim3A_216 = vector.shape_cast %eq3A_209 : vector<10000x1xi1> to vector<10000x1xi1>
      %broadcast_in_dim3A_217 = vector.broadcast %broadcast_in_dim3A_216 : vector<10000x1xi1> to vector<10000x64xi1>
      %broadcast_in_dim3A_218 = vector.broadcast %jit3A : f32 to vector<10000x64xf32>
      %select_n3A = arith.select %broadcast_in_dim3A_217, %add3A_121, %broadcast_in_dim3A_218 : vector<10000x64xi1>, vector<10000x64xf32>
      %reduce_sum3A_219 = arith.constant dense<0.000000e+00> : vector<64xf32>
      %reduce_sum3A_220 = vector.multi_reduction <add>, %select_n3A, %reduce_sum3A_219 [0] : vector<10000x64xf32> to vector<64xf32>
      %jit3A_221 = arith.constant 0xFF800000 : f32
      %broadcast_in_dim3A_222 = vector.shape_cast %eq3A_209 : vector<10000x1xi1> to vector<10000x1xi1>
      %broadcast_in_dim3A_223 = vector.broadcast %broadcast_in_dim3A_222 : vector<10000x1xi1> to vector<10000x64xi1>
      %broadcast_in_dim3A_224 = vector.broadcast %jit3A_221 : f32 to vector<10000x64xf32>
      %select_n3A_225 = arith.select %broadcast_in_dim3A_223, %add3A_121, %broadcast_in_dim3A_224 : vector<10000x64xi1>, vector<10000x64xf32>
      %reduce_max3A = arith.constant dense<0xFF800000> : vector<64xf32>
      %reduce_max3A_226 = vector.multi_reduction <maximumf>, %select_n3A_225, %reduce_max3A [0] : vector<10000x64xf32> to vector<64xf32>
      %max3A_227 = arith.constant 1.000000e+00 : f32
      %max3A_228 = arith.maximumf %reduce_sum3A_215, %max3A_227 : f32
      %div3A_229 = vector.broadcast %max3A_228 : f32 to vector<64xf32>
      %div3A_230 = arith.divf %reduce_sum3A_220, %div3A_229 : vector<64xf32>
      %concatenate3A_231 = tpu.concatenate %reduce_max3A_226, %div3A_230 in 0 : vector<64xf32>, vector<64xf32> -> vector<128xf32>
      %eq3A_232 = vector.broadcast %scan3A_207 : i32 to vector<64x128xi32>
      %eq3A_233 = arith.cmpi eq, %iota3A, %eq3A_232 : vector<64x128xi32>
      %broadcast_in_dim3A_234 = vector.shape_cast %concatenate3A_231 : vector<128xf32> to vector<1x128xf32>
      %broadcast_in_dim3A_235 = vector.shape_cast %broadcast_in_dim3A_234 : vector<1x128xf32> to vector<1x128xf32>
      %broadcast_in_dim3A_236 = vector.broadcast %broadcast_in_dim3A_235 : vector<1x128xf32> to vector<64x128xf32>
      %select_n3A_237 = arith.select %eq3A_233, %broadcast_in_dim3A_236, %scan3A_208 : vector<64x128xi1>, vector<64x128xf32>
      scf.yield %select_n3A_237 : vector<64x128xf32>
    }
    %scan3A_131 = arith.constant 64 : i32
    %swap3A = arith.constant 0 : index
    %swap3A_132 = arith.constant 0 : index
    %swap3A_133 = vector.load %arg16[%swap3A, %swap3A_132] : memref<64x128xf32, #tpu.memory_space<vmem>>, vector<64x128xf32>
    tpu.vector_store %arg16[%swap3A, %swap3A_132], %scan3A_130 {strides = array<i32>} : memref<64x128xf32, #tpu.memory_space<vmem>>, vector<64x128xf32>,
    %get3A_134 = arith.constant 0 : index
    %get3A_135 = arith.constant 0 : index
    %get3A_136 = vector.load %arg10[%get3A_134, %get3A_135] : memref<64x64xf32, #tpu.memory_space<vmem>>, vector<64x64xf32>
    %dot_general3A_137 = arith.constant dense<0.000000e+00> : vector<10000x64xf32>
    %dot_general3A_138 = tpu.matmul %add3A_121, %get3A_136, %dot_general3A_137 {dimension_numbers = #tpu.dot_dimension_numbers<[1], [0], [0], [1], [0, 0, 1, 1], [], []>, transpose_lhs_hint = false} : vector<10000x64xf32>, vector<64x64xf32>, vector<10000x64xf32> -> vector<10000x64xf32>
    %get3A_139 = arith.constant 0 : index
    %get3A_140 = arith.constant 0 : index
    %get3A_141 = vector.load %arg11[%get3A_139, %get3A_140] : memref<1x64xf32, #tpu.memory_space<vmem>>, vector<1x64xf32>
    %add3A_142 = vector.broadcast %get3A_141 : vector<1x64xf32> to vector<10000x64xf32>
    %add3A_143 = arith.addf %dot_general3A_138, %add3A_142 : vector<10000x64xf32>
    %reduce_sum3A_144 = arith.constant dense<0.000000e+00> : vector<10000xf32>
    %reduce_sum3A_145 = vector.multi_reduction <add>, %add3A_143, %reduce_sum3A_144 [1] : vector<10000x64xf32> to vector<10000xf32>
    %broadcast_in_dim3A_146 = vector.shape_cast %reduce_sum3A_145 : vector<10000xf32> to vector<10000x1xf32>
    %div3A_147 = arith.constant 6.400000e+01 : f32
    %div3A_148 = vector.broadcast %div3A_147 : f32 to vector<10000x1xf32>
    %div3A_149 = arith.divf %broadcast_in_dim3A_146, %div3A_148 : vector<10000x1xf32>
    %sub3A_150 = vector.broadcast %div3A_149 : vector<10000x1xf32> to vector<10000x64xf32>
    %sub3A_151 = arith.subf %add3A_143, %sub3A_150 : vector<10000x64xf32>
    %integer_pow3A_152 = arith.mulf %sub3A_151, %sub3A_151 : vector<10000x64xf32>
    %reduce_sum3A_153 = arith.constant dense<0.000000e+00> : vector<10000xf32>
    %reduce_sum3A_154 = vector.multi_reduction <add>, %integer_pow3A_152, %reduce_sum3A_153 [1] : vector<10000x64xf32> to vector<10000xf32>
    %broadcast_in_dim3A_155 = vector.shape_cast %reduce_sum3A_154 : vector<10000xf32> to vector<10000x1xf32>
    %div3A_156 = arith.constant 6.400000e+01 : f32
    %div3A_157 = vector.broadcast %div3A_156 : f32 to vector<10000x1xf32>
    %div3A_158 = arith.divf %broadcast_in_dim3A_155, %div3A_157 : vector<10000x1xf32>
    %sub3A_159 = vector.broadcast %div3A_149 : vector<10000x1xf32> to vector<10000x64xf32>
    %sub3A_160 = arith.subf %add3A_143, %sub3A_159 : vector<10000x64xf32>
    %add3A_161 = arith.constant 9.99999974E-6 : f32
    %add3A_162 = vector.broadcast %add3A_161 : f32 to vector<10000x1xf32>
    %add3A_163 = arith.addf %div3A_158, %add3A_162 : vector<10000x1xf32>
    %sqrt3A_164 = math.sqrt %add3A_163 : vector<10000x1xf32>
    %div3A_165 = vector.broadcast %sqrt3A_164 : vector<10000x1xf32> to vector<10000x64xf32>
    %div3A_166 = arith.divf %sub3A_160, %div3A_165 : vector<10000x64xf32>
    %get3A_167 = arith.constant 0 : index
    %get3A_168 = arith.constant 0 : index
    %get3A_169 = vector.load %arg12[%get3A_167, %get3A_168] : memref<1x64xf32, #tpu.memory_space<vmem>>, vector<1x64xf32>
    %mul3A_170 = vector.broadcast %get3A_169 : vector<1x64xf32> to vector<10000x64xf32>
    %mul3A_171 = arith.mulf %div3A_166, %mul3A_170 : vector<10000x64xf32>
    %get3A_172 = arith.constant 0 : index
    %get3A_173 = arith.constant 0 : index
    %get3A_174 = vector.load %arg13[%get3A_172, %get3A_173] : memref<1x64xf32, #tpu.memory_space<vmem>>, vector<1x64xf32>
    %add3A_175 = vector.broadcast %get3A_174 : vector<1x64xf32> to vector<10000x64xf32>
    %add3A_176 = arith.addf %mul3A_171, %add3A_175 : vector<10000x64xf32>
    %swap3A_177 = arith.constant 0 : index
    %swap3A_178 = arith.constant 0 : index
    %swap3A_179 = vector.load %arg17[%swap3A_177, %swap3A_178] : memref<10000x64xf32, #tpu.memory_space<vmem>>, vector<10000x64xf32>
    tpu.vector_store %arg17[%swap3A_177, %swap3A_178], %add3A_176 {strides = array<i32>} : memref<10000x64xf32, #tpu.memory_space<vmem>>, vector<10000x64xf32>,
    %get3A_180 = arith.constant 0 : index
    %get3A_181 = arith.constant 0 : index
    %get3A_182 = vector.load %arg14[%get3A_180, %get3A_181] : memref<64x256xf32, #tpu.memory_space<vmem>>, vector<64x256xf32>
    %dot_general3A_183 = arith.constant dense<0.000000e+00> : vector<10000x256xf32>
    %dot_general3A_184 = tpu.matmul %add3A_176, %get3A_182, %dot_general3A_183 {dimension_numbers = #tpu.dot_dimension_numbers<[1], [0], [0], [1], [0, 0, 1, 1], [], []>, transpose_lhs_hint = false} : vector<10000x64xf32>, vector<64x256xf32>, vector<10000x256xf32> -> vector<10000x256xf32>
    %get3A_185 = arith.constant 0 : index
    %get3A_186 = arith.constant 0 : index
    %get3A_187 = vector.load %arg15[%get3A_185, %get3A_186] : memref<1x256xf32, #tpu.memory_space<vmem>>, vector<1x256xf32>
    %add3A_188 = vector.broadcast %get3A_187 : vector<1x256xf32> to vector<10000x256xf32>
    %add3A_189 = arith.addf %dot_general3A_184, %add3A_188 : vector<10000x256xf32>
    %slice3A_190 = vector.extract_strided_slice %add3A_189 {offsets = [0, 0], sizes = [10000, 64], strides = [1, 1]} : vector<10000x256xf32> to vector<10000x64xf32>
    %swap3A_191 = arith.constant 0 : index
    %swap3A_192 = arith.constant 0 : index
    %swap3A_193 = vector.load %arg18[%swap3A_191, %swap3A_192] : memref<10000x64xf32, #tpu.memory_space<vmem>>, vector<10000x64xf32>
    tpu.vector_store %arg18[%swap3A_191, %swap3A_192], %slice3A_190 {strides = array<i32>} : memref<10000x64xf32, #tpu.memory_space<vmem>>, vector<10000x64xf32>,
    %slice3A_194 = vector.extract_strided_slice %add3A_189 {offsets = [0, 64], sizes = [10000, 64], strides = [1, 1]} : vector<10000x256xf32> to vector<10000x64xf32>
    %swap3A_195 = arith.constant 0 : index
    %swap3A_196 = arith.constant 0 : index
    %swap3A_197 = vector.load %arg19[%swap3A_195, %swap3A_196] : memref<10000x128xf32, #tpu.memory_space<vmem>>, vector<10000x64xf32>
    tpu.vector_store %arg19[%swap3A_195, %swap3A_196], %slice3A_194 {strides = array<i32>} : memref<10000x128xf32, #tpu.memory_space<vmem>>, vector<10000x64xf32>,
    %broadcast_in_dim3A_198 = arith.constant 0.000000e+00 : f32
    %broadcast_in_dim3A_199 = vector.broadcast %broadcast_in_dim3A_198 : f32 to vector<10000x64xf32>
    %swap3A_200 = arith.constant 0 : index
    %swap3A_201 = arith.constant 64 : index
    %swap3A_202 = vector.load %arg19[%swap3A_200, %swap3A_201] : memref<10000x128xf32, #tpu.memory_space<vmem>>, vector<10000x64xf32>
    tpu.vector_store %arg19[%swap3A_200, %swap3A_201], %broadcast_in_dim3A_199 {strides = array<i32>} : memref<10000x128xf32, #tpu.memory_space<vmem>>, vector<10000x64xf32>,
    %slice3A_203 = vector.extract_strided_slice %add3A_189 {offsets = [0, 128], sizes = [10000, 128], strides = [1, 1]} : vector<10000x256xf32> to vector<10000x128xf32>
    %swap3A_204 = arith.constant 0 : index
    %swap3A_205 = arith.constant 0 : index
    %swap3A_206 = vector.load %arg20[%swap3A_204, %swap3A_205] : memref<10000x128xf32, #tpu.memory_space<vmem>>, vector<10000x128xf32>
    tpu.vector_store %arg20[%swap3A_204, %swap3A_205], %slice3A_203 {strides = array<i32>} : memref<10000x128xf32, #tpu.memory_space<vmem>>, vector<10000x128xf32>,
    return
  }
}

module attributes {stable_mosaic.version = 14 : i64} {
  func.func @_edge_bn_ce_body(%arg0: i32, %arg1: memref<8000x64xf32, #tpu.memory_space<vmem>>, %arg2: memref<8000x64xf32, #tpu.memory_space<vmem>>, %arg3: memref<32x128xf32, #tpu.memory_space<vmem>>, %arg4: memref<64x64xf32, #tpu.memory_space<vmem>>, %arg5: memref<1x64xf32, #tpu.memory_space<vmem>>, %arg6: memref<8000x64xf32, #tpu.memory_space<vmem>>, %arg7: memref<8000x64xf32, #tpu.memory_space<vmem>>) attributes {dimension_semantics = [#tpu.dimension_semantics<arbitrary>], iteration_bounds = array<i64: 40>, scalar_prefetch = 0 : i64, scratch_operands = 0 : i64, tpu.core_type = #tpu.core_type<tc>, window_params = [{transform_indices = @transform_0, window_bounds = array<i64: 8000, 64>}, {transform_indices = @transform_1, window_bounds = array<i64: 8000, 64>}, {pipeline_mode = #tpu.pipeline_mode<synchronous>, transform_indices = @transform_2, window_bounds = array<i64: 32, 128>}, {pipeline_mode = #tpu.pipeline_mode<synchronous>, transform_indices = @transform_3, window_bounds = array<i64: 64, 64>}, {pipeline_mode = #tpu.pipeline_mode<synchronous>, transform_indices = @transform_4, window_bounds = array<i64: 1, 64>}, {transform_indices = @transform_5, window_bounds = array<i64: 8000, 64>}, {transform_indices = @transform_6, window_bounds = array<i64: 8000, 64>}]} {
    %get3A = arith.constant 0 : index
    %get3A_0 = arith.constant 0 : index
    %get3A_1 = vector.load %arg3[%get3A, %get3A_0] : memref<32x128xf32, #tpu.memory_space<vmem>>, vector<32x128xf32>
    %slice3A = vector.extract_strided_slice %get3A_1 {offsets = [0, 0], sizes = [32, 64], strides = [1, 1]} : vector<32x128xf32> to vector<32x64xf32>
    %reduce_sum3A = arith.constant dense<0.000000e+00> : vector<64xf32>
    %reduce_sum3A_2 = vector.multi_reduction <add>, %slice3A, %reduce_sum3A [0] : vector<32x64xf32> to vector<64xf32>
    %broadcast_in_dim3A = vector.shape_cast %reduce_sum3A_2 : vector<64xf32> to vector<1x64xf32>
    %slice3A_3 = vector.extract_strided_slice %get3A_1 {offsets = [0, 64], sizes = [32, 64], strides = [1, 1]} : vector<32x128xf32> to vector<32x64xf32>
    %reduce_sum3A_4 = arith.constant dense<0.000000e+00> : vector<64xf32>
    %reduce_sum3A_5 = vector.multi_reduction <add>, %slice3A_3, %reduce_sum3A_4 [0] : vector<32x64xf32> to vector<64xf32>
    %broadcast_in_dim3A_6 = vector.shape_cast %reduce_sum3A_5 : vector<64xf32> to vector<1x64xf32>
    %div3A = arith.constant 3.200000e+05 : f32
    %div3A_7 = vector.broadcast %div3A : f32 to vector<1x64xf32>
    %div3A_8 = arith.divf %broadcast_in_dim3A, %div3A_7 : vector<1x64xf32>
    %div3A_9 = arith.constant 3.200000e+05 : f32
    %div3A_10 = vector.broadcast %div3A_9 : f32 to vector<1x64xf32>
    %div3A_11 = arith.divf %broadcast_in_dim3A_6, %div3A_10 : vector<1x64xf32>
    %mul3A = arith.mulf %div3A_8, %div3A_8 : vector<1x64xf32>
    %sub3A = arith.subf %div3A_11, %mul3A : vector<1x64xf32>
    %get3A_12 = arith.constant 0 : index
    %get3A_13 = arith.constant 0 : index
    %get3A_14 = vector.load %arg2[%get3A_12, %get3A_13] : memref<8000x64xf32, #tpu.memory_space<vmem>>, vector<8000x64xf32>
    %get3A_15 = arith.constant 0 : index
    %get3A_16 = arith.constant 0 : index
    %get3A_17 = vector.load %arg1[%get3A_15, %get3A_16] : memref<8000x64xf32, #tpu.memory_space<vmem>>, vector<8000x64xf32>
    %sub3A_18 = vector.broadcast %div3A_8 : vector<1x64xf32> to vector<8000x64xf32>
    %sub3A_19 = arith.subf %get3A_17, %sub3A_18 : vector<8000x64xf32>
    %add3A = arith.constant 9.99999974E-6 : f32
    %add3A_20 = vector.broadcast %add3A : f32 to vector<1x64xf32>
    %add3A_21 = arith.addf %sub3A, %add3A_20 : vector<1x64xf32>
    %sqrt3A = math.sqrt %add3A_21 : vector<1x64xf32>
    %div3A_22 = vector.broadcast %sqrt3A : vector<1x64xf32> to vector<8000x64xf32>
    %div3A_23 = arith.divf %sub3A_19, %div3A_22 : vector<8000x64xf32>
    %max3A = arith.constant 0.000000e+00 : f32
    %max3A_24 = vector.broadcast %max3A : f32 to vector<8000x64xf32>
    %max3A_25 = arith.maximumf %div3A_23, %max3A_24 : vector<8000x64xf32>
    %add3A_26 = arith.addf %get3A_14, %max3A_25 : vector<8000x64xf32>
    %swap3A = arith.constant 0 : index
    %swap3A_27 = arith.constant 0 : index
    %swap3A_28 = vector.load %arg6[%swap3A, %swap3A_27] : memref<8000x64xf32, #tpu.memory_space<vmem>>, vector<8000x64xf32>
    tpu.vector_store %arg6[%swap3A, %swap3A_27], %add3A_26 {strides = array<i32>} : memref<8000x64xf32, #tpu.memory_space<vmem>>, vector<8000x64xf32>,
    %get3A_29 = arith.constant 0 : index
    %get3A_30 = arith.constant 0 : index
    %get3A_31 = vector.load %arg4[%get3A_29, %get3A_30] : memref<64x64xf32, #tpu.memory_space<vmem>>, vector<64x64xf32>
    %dot_general3A = arith.constant dense<0.000000e+00> : vector<8000x64xf32>
    %dot_general3A_32 = tpu.matmul %add3A_26, %get3A_31, %dot_general3A {dimension_numbers = #tpu.dot_dimension_numbers<[1], [0], [0], [1], [0, 0, 1, 1], [], []>, transpose_lhs_hint = false} : vector<8000x64xf32>, vector<64x64xf32>, vector<8000x64xf32> -> vector<8000x64xf32>
    %get3A_33 = arith.constant 0 : index
    %get3A_34 = arith.constant 0 : index
    %get3A_35 = vector.load %arg5[%get3A_33, %get3A_34] : memref<1x64xf32, #tpu.memory_space<vmem>>, vector<1x64xf32>
    %add3A_36 = vector.broadcast %get3A_35 : vector<1x64xf32> to vector<8000x64xf32>
    %add3A_37 = arith.addf %dot_general3A_32, %add3A_36 : vector<8000x64xf32>
    %swap3A_38 = arith.constant 0 : index
    %swap3A_39 = arith.constant 0 : index
    %swap3A_40 = vector.load %arg7[%swap3A_38, %swap3A_39] : memref<8000x64xf32, #tpu.memory_space<vmem>>, vector<8000x64xf32>
    tpu.vector_store %arg7[%swap3A_38, %swap3A_39], %add3A_37 {strides = array<i32>} : memref<8000x64xf32, #tpu.memory_space<vmem>>, vector<8000x64xf32>,
    return
  }
  func.func @transform_0(%arg0: i32) -> (i32, i32) {
    %c0_i32 = arith.constant 0 : i32
    %c0_i32_0 = arith.constant 0 : i32
    return %arg0, %c0_i32 : i32, i32
  }
  func.func @transform_1(%arg0: i32) -> (i32, i32) {
    %c0_i32 = arith.constant 0 : i32
    %c0_i32_0 = arith.constant 0 : i32
    return %arg0, %c0_i32 : i32, i32
  }
  func.func @transform_2(%arg0: i32) -> (i32, i32) {
    %c0_i32 = arith.constant 0 : i32
    %c0_i32_0 = arith.constant 0 : i32
    %c0_i32_1 = arith.constant 0 : i32
    return %c0_i32, %c0_i32_0 : i32, i32
  }
  func.func @transform_3(%arg0: i32) -> (i32, i32) {
    %c0_i32 = arith.constant 0 : i32
    %c0_i32_0 = arith.constant 0 : i32
    %c0_i32_1 = arith.constant 0 : i32
    return %c0_i32, %c0_i32_0 : i32, i32
  }
  func.func @transform_4(%arg0: i32) -> (i32, i32) {
    %c0_i32 = arith.constant 0 : i32
    %c0_i32_0 = arith.constant 0 : i32
    %c0_i32_1 = arith.constant 0 : i32
    return %c0_i32, %c0_i32_0 : i32, i32
  }
  func.func @transform_5(%arg0: i32) -> (i32, i32) {
    %c0_i32 = arith.constant 0 : i32
    %c0_i32_0 = arith.constant 0 : i32
    return %arg0, %c0_i32 : i32, i32
  }
  func.func @transform_6(%arg0: i32) -> (i32, i32) {
    %c0_i32 = arith.constant 0 : i32
    %c0_i32_0 = arith.constant 0 : i32
    return %arg0, %c0_i32 : i32, i32
  }
}

module attributes {stable_mosaic.version = 14 : i64} {
  func.func @_classifier_body(%arg0: memref<64x128xf32, #tpu.memory_space<vmem>>, %arg1: memref<64x128xf32, #tpu.memory_space<vmem>>, %arg2: memref<64x128xf32, #tpu.memory_space<vmem>>, %arg3: memref<128x256xf32, #tpu.memory_space<vmem>>, %arg4: memref<1x256xf32, #tpu.memory_space<vmem>>, %arg5: memref<1x256xf32, #tpu.memory_space<vmem>>, %arg6: memref<1x256xf32, #tpu.memory_space<vmem>>, %arg7: memref<256x10xf32, #tpu.memory_space<vmem>>, %arg8: memref<1x10xf32, #tpu.memory_space<vmem>>, %arg9: memref<64x10xf32, #tpu.memory_space<vmem>>) attributes {dimension_semantics = [], scalar_prefetch = 0 : i64, scratch_operands = 0 : i64, tpu.core_type = #tpu.core_type<tc>} {
    %get3A = arith.constant 0 : index
    %get3A_0 = arith.constant 0 : index
    %get3A_1 = vector.load %arg0[%get3A, %get3A_0] : memref<64x128xf32, #tpu.memory_space<vmem>>, vector<64x128xf32>
    %get3A_2 = arith.constant 0 : index
    %get3A_3 = arith.constant 0 : index
    %get3A_4 = vector.load %arg1[%get3A_2, %get3A_3] : memref<64x128xf32, #tpu.memory_space<vmem>>, vector<64x128xf32>
    %add3A = arith.addf %get3A_1, %get3A_4 : vector<64x128xf32>
    %get3A_5 = arith.constant 0 : index
    %get3A_6 = arith.constant 0 : index
    %get3A_7 = vector.load %arg2[%get3A_5, %get3A_6] : memref<64x128xf32, #tpu.memory_space<vmem>>, vector<64x128xf32>
    %add3A_8 = arith.addf %add3A, %get3A_7 : vector<64x128xf32>
    %get3A_9 = arith.constant 0 : index
    %get3A_10 = arith.constant 0 : index
    %get3A_11 = vector.load %arg3[%get3A_9, %get3A_10] : memref<128x256xf32, #tpu.memory_space<vmem>>, vector<128x256xf32>
    %dot_general3A = arith.constant dense<0.000000e+00> : vector<64x256xf32>
    %dot_general3A_12 = tpu.matmul %add3A_8, %get3A_11, %dot_general3A {dimension_numbers = #tpu.dot_dimension_numbers<[1], [0], [0], [1], [0, 0, 1, 1], [], []>, transpose_lhs_hint = false} : vector<64x128xf32>, vector<128x256xf32>, vector<64x256xf32> -> vector<64x256xf32>
    %get3A_13 = arith.constant 0 : index
    %get3A_14 = arith.constant 0 : index
    %get3A_15 = vector.load %arg4[%get3A_13, %get3A_14] : memref<1x256xf32, #tpu.memory_space<vmem>>, vector<1x256xf32>
    %add3A_16 = vector.broadcast %get3A_15 : vector<1x256xf32> to vector<64x256xf32>
    %add3A_17 = arith.addf %dot_general3A_12, %add3A_16 : vector<64x256xf32>
    %max3A = arith.constant 0.000000e+00 : f32
    %max3A_18 = vector.broadcast %max3A : f32 to vector<64x256xf32>
    %max3A_19 = arith.maximumf %add3A_17, %max3A_18 : vector<64x256xf32>
    %reduce_sum3A = arith.constant dense<0.000000e+00> : vector<64xf32>
    %reduce_sum3A_20 = vector.multi_reduction <add>, %max3A_19, %reduce_sum3A [1] : vector<64x256xf32> to vector<64xf32>
    %broadcast_in_dim3A = vector.shape_cast %reduce_sum3A_20 : vector<64xf32> to vector<64x1xf32>
    %div3A = arith.constant 2.560000e+02 : f32
    %div3A_21 = vector.broadcast %div3A : f32 to vector<64x1xf32>
    %div3A_22 = arith.divf %broadcast_in_dim3A, %div3A_21 : vector<64x1xf32>
    %sub3A = vector.broadcast %div3A_22 : vector<64x1xf32> to vector<64x256xf32>
    %sub3A_23 = arith.subf %max3A_19, %sub3A : vector<64x256xf32>
    %integer_pow3A = arith.mulf %sub3A_23, %sub3A_23 : vector<64x256xf32>
    %reduce_sum3A_24 = arith.constant dense<0.000000e+00> : vector<64xf32>
    %reduce_sum3A_25 = vector.multi_reduction <add>, %integer_pow3A, %reduce_sum3A_24 [1] : vector<64x256xf32> to vector<64xf32>
    %broadcast_in_dim3A_26 = vector.shape_cast %reduce_sum3A_25 : vector<64xf32> to vector<64x1xf32>
    %div3A_27 = arith.constant 2.560000e+02 : f32
    %div3A_28 = vector.broadcast %div3A_27 : f32 to vector<64x1xf32>
    %div3A_29 = arith.divf %broadcast_in_dim3A_26, %div3A_28 : vector<64x1xf32>
    %sub3A_30 = vector.broadcast %div3A_22 : vector<64x1xf32> to vector<64x256xf32>
    %sub3A_31 = arith.subf %max3A_19, %sub3A_30 : vector<64x256xf32>
    %add3A_32 = arith.constant 9.99999974E-6 : f32
    %add3A_33 = vector.broadcast %add3A_32 : f32 to vector<64x1xf32>
    %add3A_34 = arith.addf %div3A_29, %add3A_33 : vector<64x1xf32>
    %sqrt3A = math.sqrt %add3A_34 : vector<64x1xf32>
    %div3A_35 = vector.broadcast %sqrt3A : vector<64x1xf32> to vector<64x256xf32>
    %div3A_36 = arith.divf %sub3A_31, %div3A_35 : vector<64x256xf32>
    %get3A_37 = arith.constant 0 : index
    %get3A_38 = arith.constant 0 : index
    %get3A_39 = vector.load %arg5[%get3A_37, %get3A_38] : memref<1x256xf32, #tpu.memory_space<vmem>>, vector<1x256xf32>
    %mul3A = vector.broadcast %get3A_39 : vector<1x256xf32> to vector<64x256xf32>
    %mul3A_40 = arith.mulf %div3A_36, %mul3A : vector<64x256xf32>
    %get3A_41 = arith.constant 0 : index
    %get3A_42 = arith.constant 0 : index
    %get3A_43 = vector.load %arg6[%get3A_41, %get3A_42] : memref<1x256xf32, #tpu.memory_space<vmem>>, vector<1x256xf32>
    %add3A_44 = vector.broadcast %get3A_43 : vector<1x256xf32> to vector<64x256xf32>
    %add3A_45 = arith.addf %mul3A_40, %add3A_44 : vector<64x256xf32>
    %get3A_46 = arith.constant 0 : index
    %get3A_47 = arith.constant 0 : index
    %get3A_48 = vector.load %arg7[%get3A_46, %get3A_47] : memref<256x10xf32, #tpu.memory_space<vmem>>, vector<256x10xf32>
    %dot_general3A_49 = arith.constant dense<0.000000e+00> : vector<64x10xf32>
    %dot_general3A_50 = tpu.matmul %add3A_45, %get3A_48, %dot_general3A_49 {dimension_numbers = #tpu.dot_dimension_numbers<[1], [0], [0], [1], [0, 0, 1, 1], [], []>, transpose_lhs_hint = false} : vector<64x256xf32>, vector<256x10xf32>, vector<64x10xf32> -> vector<64x10xf32>
    %get3A_51 = arith.constant 0 : index
    %get3A_52 = arith.constant 0 : index
    %get3A_53 = vector.load %arg8[%get3A_51, %get3A_52] : memref<1x10xf32, #tpu.memory_space<vmem>>, vector<1x10xf32>
    %add3A_54 = vector.broadcast %get3A_53 : vector<1x10xf32> to vector<64x10xf32>
    %add3A_55 = arith.addf %dot_general3A_50, %add3A_54 : vector<64x10xf32>
    %swap3A = arith.constant 0 : index
    %swap3A_56 = arith.constant 0 : index
    %swap3A_57 = vector.load %arg9[%swap3A, %swap3A_56] : memref<64x10xf32, #tpu.memory_space<vmem>>, vector<64x10xf32>
    tpu.vector_store %arg9[%swap3A, %swap3A_56], %add3A_55 {strides = array<i32>} : memref<64x10xf32, #tpu.memory_space<vmem>>, vector<64x10xf32>,
    return
  }
}

</mosaic_0001>

<sc_bundles>
// kernel: closed_call.27.cloned.1.call-start
scs
__scs_entry_jumppad:
0x0: {  	(pc) =	sbr.rel $0x88, $3  }
0x1: {  	(tag) =	ssettag $0x0;
	lr =	simm.s32 $0x1  }
0x2: {  	[smem:$0x3F59] =	sst lr;
	_ =	strace $0xD0000000  }
0x3: {  	_ = 	snop  }
0x4: {  	_ = 	snop  }
0x5: {  	_ = 	snop  }
0x6: {  	_ = 	snop  }
0x7: {  	_ = 	snop  }
__scs_overlays_trampoline_lowered:
0x8: {  	[smem:$0x3F68] =	sst s0  }
0x9: {  	[smem:$0x3F69] =	sst s1  }
0xa: {  	[smem:$0x3F6A] =	sst s2  }
0xb: {  	[smem:$0x3F6B] =	sst s3  }
0xc: {  	[smem:$0x3F6C] =	sst s4  }
0xd: {  	[smem:$0x3F6D] =	sst s5  }
0xe: {  	[smem:$0x3F6E] =	sst s6  }
0xf: {  	[smem:$0x3F6F] =	sst s7  }
0x10: {  	[smem:$0x3F70] =	sst s8  }
0x11: {  	[smem:$0x3F71] =	sst s9;
	s0 =	simm.s32 @!p0 $0x0  }
0x12: {  	s1 =	sld [smem:$0x3F57];
	s0 =	simm.s32 @p0 $0x1  }
0x13: {  	[smem:$0x3F72] =	sst s0;
	s0 =	simm.s32 @!p1 $0x0  }
0x14: {  	s2 =	sld [smem:$0x3F56];
	s0 =	simm.s32 @p1 $0x1  }
0x15: {  	[smem:$0x3F73] =	sst s0;
	s0 =	simm.s32 @!p2 $0x0  }
0x16: {  	s3 =	sld [smem:$0x3FDB];
	s0 =	simm.s32 @p2 $0x1  }
0x17: {  	s4 =	simm.s32 $0x1BF5;
	[smem:$0x3F75] =	sst s0  }
0x18: {  	s0 =	sld [smem:$0x3F58];
	_ =	swait.ge [sflag:s4], $0x0  }
0x19: {  	s7 =	sld [smem:$0x3F59]  }
0x1a: {  	s8 =	sadd.s32 $0xFFFFE003, lr  }
0x1b: {  	s9 =	sadd.s32 $0xFFFFFEF7, lr;
	s5 =	simm.s32 $0xFFFFFFFF;
	p2 =	slt.u32 s8, $0xFFFFF086  }
0x1c: {  	p1 =	slt.u32 s9, $0xF7A;
	s5 =	simm.s32 @!p2 $0x0  }
0x1d: {  	s5 =	simm.s32 @p1 $0x1;
	p0 =	seq.s32 s7, s2  }
0x1e: {  	s7 =	smul.u32 @!p0 $0xF7A, s2;
	p2 =	seq.s32 @!p0 s5, $0x0  }
0x1f: {  	s9 =	smul.u32 $0xF7A, s1;
	s8 =	simm.s32 @!p0 $0x1BF5;
	p2 =	por !p2, p0  }
0x20: {  	[sflag:s8] =	ssyncset.s32 @!p0 $0xFFFFF086;
	s6 =	sadd.s32 @!p0 s3, s7;
	s7 =	simm.s32 @!p0 $0x108  }
0x21: {  	s3 =	sadd.s32 s3, s9;
	s6 =	sadd.s32 @!p0 $0x88, s6;
	s7 =	simm.s32 @p2 $0x1082  }
0x22: {  	[simem:s7], [sflag:s8] =	dma.local @!p0 [hbm:s6], $0xF7A  }
0x23: {  	s9 =	sor.u32 $0xD0000000, s2;
	s6 =	simm.s32 $0x108;
	_ =	swait.ge @!p0 [sflag:s8], $0x0  }
0x24: {  	s3 =	sadd.s32 $0x88, s3;
	s6 =	simm.s32 @!p1 $0x1082;
	[sflag:s4] =	ssyncset.s32 $0xFFFFF086  }
0x25: {  	[simem:s6], [sflag:s4] =	dma.local [hbm:s3], $0xF7A  }
0x26: {  	[smem:$0x3F59] =	sst s1;
	(tag) =	ssettag s2;
	_ =	strace s9  }
0x27: {  	s1 =	sld [smem:$0x3F69]  }
0x28: {  	s2 =	sld [smem:$0x3F6A]  }
0x29: {  	s4 =	sld [smem:$0x3F6C]  }
0x2a: {  	p0 =	seq.s32 s5, $0x0;
	s5 =	sld [smem:$0x3F6D]  }
0x2b: {  	s6 =	sld [smem:$0x3F6E]  }
0x2c: {  	s7 =	sld [smem:$0x3F6F]  }
0x2d: {  	s3 =	simm.s32 $0x108;
	s8 =	sld [smem:$0x3F70]  }
0x2e: {  	s3 =	simm.s32 @!p0 $0x1082;
	s9 =	sld [smem:$0x3F71]  }
0x2f: {  	lr =	sadd.s32 s0, s3;
	s0 =	sld [smem:$0x3F68]  }
0x30: {  	s3 =	sld [smem:$0x3F6B]  }
0x31: {  	[smem:$0x3F74] =	sst s10  }
0x32: {  	s10 =	sld [smem:$0x3F72];
	_ =	sdelay $0x3  }
0x33: {  	p0 =	seq.s32 s10, $0x1;
	s10 =	sld [smem:$0x3F74];
	_ =	sdelay $0x3  }
0x34: {  	[smem:$0x3F74] =	sst s10  }
0x35: {  	s10 =	sld [smem:$0x3F73];
	_ =	sdelay $0x3  }
0x36: {  	p1 =	seq.s32 s10, $0x1;
	s10 =	sld [smem:$0x3F74];
	_ =	sdelay $0x3  }
0x37: {  	[smem:$0x3F74] =	sst s10  }
0x38: {  	s10 =	sld [smem:$0x3F75]  }
0x39: {  	_ = 	snop;
	(pc) =	sbr.ind lr, $3  }
0x3a: {  	_ = 	snop  }
0x3b: {  	_ = 	snop  }
0x3c: {  	p2 =	seq.s32 s10, $0x1;
	s10 =	sld [smem:$0x3F74]  }
0x3d: {  	_ =	shalt  }
0x3e: {  	_ =	shalt  }
0x3f: {  	_ =	shalt  }
0x40: {  	_ =	shalt  }
0x41: {  	_ =	shalt  }
0x42: {  	_ =	shalt  }
0x43: {  	_ =	shalt  }
0x44: {  	_ =	shalt  }
0x45: {  	_ =	shalt  }
0x46: {  	_ =	shalt  }
0x47: {  	_ =	shalt  }
0x48: {  	_ =	shalt  }
0x49: {  	_ =	shalt  }
0x4a: {  	_ =	shalt  }
0x4b: {  	_ =	shalt  }
0x4c: {  	_ =	shalt  }
0x4d: {  	_ =	shalt  }
0x4e: {  	_ =	shalt  }
0x4f: {  	_ =	shalt  }
0x50: {  	_ =	shalt  }
0x51: {  	_ =	shalt  }
0x52: {  	_ =	shalt  }
0x53: {  	_ =	shalt  }
0x54: {  	_ =	shalt  }
0x55: {  	_ =	shalt  }
0x56: {  	_ =	shalt  }
0x57: {  	_ =	shalt  }
0x58: {  	_ =	shalt  }
0x59: {  	_ =	shalt  }
0x5a: {  	_ =	shalt  }
0x5b: {  	_ =	shalt  }
0x5c: {  	_ =	shalt  }
0x5d: {  	_ =	shalt  }
0x5e: {  	_ =	shalt  }
0x5f: {  	_ =	shalt  }
0x60: {  	_ =	shalt  }
0x61: {  	_ =	shalt  }
0x62: {  	_ =	shalt  }
0x63: {  	_ =	shalt  }
0x64: {  	_ =	shalt  }
0x65: {  	_ =	shalt  }
0x66: {  	_ =	shalt  }
0x67: {  	_ =	shalt  }
0x68: {  	_ =	shalt  }
0x69: {  	_ =	shalt  }
0x6a: {  	_ =	shalt  }
0x6b: {  	_ =	shalt  }
0x6c: {  	_ =	shalt  }
0x6d: {  	_ =	shalt  }
0x6e: {  	_ =	shalt  }
0x6f: {  	_ =	shalt  }
0x70: {  	_ =	shalt  }
0x71: {  	_ =	shalt  }
0x72: {  	_ =	shalt  }
0x73: {  	_ =	shalt  }
0x74: {  	_ =	shalt  }
0x75: {  	_ =	shalt  }
0x76: {  	_ =	shalt  }
0x77: {  	_ =	shalt  }
0x78: {  	_ =	shalt  }
0x79: {  	_ =	shalt  }
0x7a: {  	_ =	shalt  }
0x7b: {  	_ =	shalt  }
0x7c: {  	_ =	shalt  }
0x7d: {  	_ =	shalt  }
0x7e: {  	_ =	shalt  }
0x7f: {  	_ =	shalt  }
0x80: {  	_ =	shalt  }
0x81: {  	_ =	shalt  }
0x82: {  	_ =	shalt  }
0x83: {  	_ =	shalt  }
0x84: {  	_ =	shalt  }
0x85: {  	_ =	shalt  }
0x86: {  	_ =	shalt  }
0x87: {  	_ =	shalt  }
.Lfunc_end0:
.L_simem_size_0:
called_computation_lowered:
.L_overlay_start_0:
0x88: {  	s2 =	sld [smem:$0x3FD9]  }
0x89: {  	s3 =	sld [smem:$0x3FFE];
	_ =	sdelay $0x1  }
0x8a: {  	s1 =	srdreg.scid  }
0x8b: {  	s0 =	sand.u32 $0x1, s1  }
0x8c: {  	s16 =	sshll.u32 s0, $0xA;
	s2 =	sadd.s32 s3, s2  }
0x8d: {  	s2 =	sadd.s32 s2, s16  }
0x8e: {  	[smem:$0x3F80] =	sst s2  }
0x8f: {  	_ = 	snop  }
0x90: {  	(tm) =	ssettm $0x1  }
0x91: {  	s17 =	sld [smem:$0x3FFB];
	_ =	sdelay $0x3  }
0x92: {  	_ =	strace s17  }
0x93: {  	s2 =	sld [smem:$0x3FFC];
	_ =	sdelay $0x3  }
0x94: {  	_ =	strace s2  }
0x95: {  	s2 =	sld [smem:$0x3FFD];
	_ =	sdelay $0x3  }
0x96: {  	_ =	strace s2  }
0x97: {  	_ =	strace $0x8FFFFFFF  }
0x98: {  	s18 =	sld [smem:$0x3FDB];
	_ =	sdelay $0x1  }
0x99: {  	s19 =	simm.s32 $_scs_section_size  }
0x9a: {  	s4 =	simm.s32 $_size__tile_overlayer_lowered;
	s5 =	simm.s32 $_tile_overlayer_lowered  }
0x9b: {  	s22 =	simm.s32 $0x1BFF;
	s21 =	sshll.u32 s5, $0x1;
	s2 =	sadd.s32 s19, s18  }
0x9c: {  	s6 =	simm.s32 $0x0;
	s20 =	sshll.u32 s4, $0x1;
	s4 =	sadd.s32 s21, s2  }
0x9d: {  	[timem:s6], [sflag:s22] =	dma.local [hbm:s4], s20  }
0x9e: {  	_ =	swait.ge [sflag:s22], s20  }
0x9f: {  	s3 =	ssub.s32 $0x0, s20;
	[sflag:s22] =	ssyncset.done $0x0  }
0xa0: {  	[sflag:s22] =	ssyncadd.s32 s3;
	_ =	sdelay $0x1  }
0xa1: {  	s23 =	simm.s32 $0x1B8B  }
0xa2: {  	_ =	swait.ge [sflag:s23], $0x1  }
0xa3: {  	[sflag:s23] =	ssyncset.done $0x0  }
0xa4: {  	s25 =	simm.s32 $0x1B8E;
	s24 =	sld [smem:$0x3FFE];
	[sflag:s23] =	ssyncadd.s32 $0xFFFFFFFF  }
0xa5: {  	s26 =	simm.s32 $execute0_lowered;
	[smem:$0x3FD2] =	sst s25  }
0xa6: {  	s4 =	sshll.u32 s26, $0x1;
	_ =	strace $0x80000046;
	[dreg:$0x1] =	wrdreg $0xFFFFFFFF  }
0xa7: {  	s28 =	simm.s32 $_size_execute0_lowered;
	s2 =	sadd.s32 s2, s4;
	[dreg:$0x0] =	wrdreg $0x0  }
0xa8: {  	s4 =	sshll.u32 s28, $0x1;
	[dreg:$0x2] =	wrdreg s2  }
0xa9: {  	[dreg:$0x3] =	wrdreg s4  }
0xaa: {  	[dreg:$0x4] =	wrdreg $0xC0  }
0xab: {  	_ =	task [dreg:s6], $0x5FFFF  }
0xac: {  	[dreg:$0x1] =	wrdreg $0xFFFFFFFF  }
0xad: {  	[dreg:$0x0] =	wrdreg $0x60  }
0xae: {  	[dreg:$0x2] =	wrdreg s24  }
0xaf: {  	[dreg:$0x3] =	wrdreg $0x176000  }
0xb0: {  	[dreg:$0x4] =	wrdreg $0x9  }
0xb1: {  	_ =	task.clear_ibuf [dreg:s6], $0x5FFFF;
	_ =	strace $0x90000046  }
0xb2: {  	s29 =	simm.s32 $0x9;
	_ =	strace $0x80000048  }
0xb3: {  	_ =	swait.ge [sflag:s29], $0x1  }
0xb4: {  	[sflag:s29] =	ssyncadd.s32 $0xFFFFFFFF  }
0xb5: {  	_ =	strace $0x90000048  }
0xb6: {  	_ =	sfence  }
0xb7: {  	s30 =	sld [smem:$0x0];
	_ =	sdelay $0x2  }
0xb8: {  	s31 =	sshll.u32 s1, $0xD;
	s1 =	sshrl.u32 s1, $0x2  }
0xb9: {  	s3 =	sand.u32 $0x4000, s31;
	s1 =	sadd.s32 s1, s30  }
0xba: {  	s0 =	sor.u32 s3, s0;
	s1 =	sshll.u32 s1, $0x11  }
0xbb: {  	s0 =	sor.u32 s1, s0  }
0xbc: {  	s0 =	sadd.s32 $0x8F2B, s0  }
0xbd: {  	[sflag:s0] =	ssyncadd.remote.s32 $0x1  }
0xbe: {  	_ =	sfence.sel $0xFFFF  }
0xbf: {  	[dreg:$0x0] =	wrdreg $0xFFFFFFFF;
	(pc) =	sbr.abs _section_cstart, $3  }
0xc0: {  	[dreg:$0x1] =	wrdreg $0xFFFFFFFF  }
0xc1: {  	_ =	task.clear_ibuf [dreg:s6], $0x2FFFF;
	_ =	strace $0x9FFFFFFF  }
0xc2: {  	(tm) =	ssettm $0x7FFFFFFF  }
0xc3: {  	_ =	shalt  }
tec
execute0_lowered:
.L_overlay_start_1:
0x0: {  	(tag) =	ssettag $0x1  }
0x1: {  	s0 =	rddreg [dreg:$0x0]  }
0x2: {  	s1 =	rddreg [dreg:$0x1]  }
0x3: {  	s2 =	simm.s32 $0x0;
	s3 =	srdreg.scid;
	s18 =	stileid.u32  }
0x4: {  	s28 =	simm.s32 $0x80;
	s29 =	simm.s32 $0x180;
	s30 =	simm.s32 $0x4180  }
0x5: {  	s31 =	simm.s32 $0x8180;
	[smem:$0x7FF] =	sst s2;
	s4 =	sadd.s32 $0x33800, s0  }
0x6: {  	s5 =	sadd.s32 $0x5AA00, s0;
	s3 =	sand.u32 $0x1, s3;
	s8 =	sshll.u32 s18, $0x1  }
0x7: {  	s6 =	sadd.s32 $0xA47400, s0;
	s7 =	sadd.s32 $0xB8800, s0;
	s12 =	smul.u32 $0x1A000, s18  }
0x8: {  	s9 =	sadd.s32 $0x140B400, s0;
	s13 =	sadd.s32 $0xC2600, s0;
	s15 =	smul.u32 $0x6800, s18  }
0x9: {  	s24 =	sadd.s32 $0x68000, s1;
	p0 =	slt.u32 s18, $0x2;
	_ =	strace $0x80000047  }
0xa: {  	s11 =	sor.u32 s3, s8;
	s8 =	sadd.s32 $0xAEA00, s0;
	s20 =	ssub.s32 $0x2, s3  }
0xb: {  	s21 =	smul.u32 $0x138800, s3;
	[dreg:$0x5] =	wrdreg s24;
	s10 =	sshll.u32 s11, $0x4  }
0xc: {  	s12 =	sshrl.u32 s12, $0x2;
	s14 =	sshrl.u32 s20, $0x1;
	s16 =	sadd.s32 s10, s0  }
0xd: {  	s10 =	sadd.s32 $0xF29400, s0;
	s23 =	sadd.s32 s12, s1;
	s0 =	ssub.s32 s20, s14  }
0xe: {  	s14 =	simm.s32 $0x4F;
	s17 =	sadd.s32 s15, s21;
	s12 =	sshrl.u32 s21, $0x3  }
0xf: {  	s15 =	sshll.u32 s11, $0x7;
	s20 =	sshll.u32 s18, $0x8;
	s21 =	sshll.u32 s3, $0x7  }
0x10: {  	s3 =	sshll.u32 s3, $0xB;
	s22 =	sadd.s32 $0x3400, s23;
	s14 =	simm.s32 @!p0 $0x4E  }
0x11: {  	s25 =	sshrl.u32 s17, $0x3;
	s12 =	sadd.s32 s13, s12;
	[dreg:$0x3] =	wrdreg s23  }
0x12: {  	s16 =	sadd.s32 $0x110800, s16;
	s11 =	sor.u32 s21, s20;
	[dreg:$0x4] =	wrdreg s22  }
0x13: {  	s0 =	smax.u32 s0, $0x1;
	p0 =	sne.s32 s18, $0xF;
	[dreg:$0x6] =	wrdreg s16  }
0x14: {  	s26 =	sadd.s32 s13, s25;
	s17 =	sadd.s32 $0xD000, s12;
	[dreg:$0xc] =	wrdreg s0  }
0x15: {  	s12 =	sadd.s32 $0x1A080, s12;
	s22 =	sshll.u32 s18, $0xC;
	[dreg:$0x8] =	wrdreg s17  }
0x16: {  	s0 =	simm.s32 $0x1;
	s16 =	simm.s32 $0x10180;
	[dreg:$0xa] =	wrdreg s12  }
0x17: {  	s18 =	simm.s32 $0x0;
	s19 =	sadd.s32 $0xD080, s26;
	[dreg:$0x7] =	wrdreg s26  }
0x18: {  	s24 =	sadd.s32 $0x1A100, s26;
	s12 =	sadd.s32 s22, s10;
	[dreg:$0x9] =	wrdreg s19  }
0x19: {  	s26 =	sshrl.u32 s11, $0x3;
	[dreg:$0xb] =	wrdreg s24;
	s25 =	sadd.s32 s3, s12  }
0x1a: {  	s24 =	sadd.s32 s26, s8;
	s26 =	simm.s32 $0x3;
	s3 =	simm.s32 $0x2  }
0x1b: {  	v0 =	vimm.f32 $0.0e+00;
	s12 =	simm.s32 $0xC180;
	[dreg:$0xd] =	wrdreg s25;
	s25 =	simm.s32 $0x100  }
.LBB2_1:
0x1c: {  	s11 =	simm.s32 $0x0;
	s13 =	simm.s32 $0x200  }
.LBB2_2:
0x1d: {  	p1 =	sne.s32 s13, $0xCE00;
	[tilespmem:s11+$0x14270] =	vst v0  }
0x1e: {  	[tilespmem:s11+$0x14200] =	vst v0  }
0x1f: {  	[tilespmem:s11+$0x14210] =	vst v0  }
.Ltmp0:
0x20: {  	[tilespmem:s11+$0x14220] =	vst v0;
	(pc) =	sbr.rel @p1 .LBB2_2-.Ltmp0, $4  }
0x21: {  	[tilespmem:s11+$0x14230] =	vst v0  }
0x22: {  	[tilespmem:s11+$0x14240] =	vst v0  }
0x23: {  	[tilespmem:s11+$0x14250] =	vst v0  }
0x24: {  	[tilespmem:s11+$0x14260] =	vst v0;
	s11 =	sshra.s32 s13, $0x2;
	s13 =	sadd.s32 $0x200, s13  }
0x25: {  	[tilespmem:s11+$0x14270] =	vst v0  }
0x26: {  	[tilespmem:s11+$0x14200] =	vst v0  }
0x27: {  	[tilespmem:s11+$0x14210] =	vst v0  }
0x28: {  	[tilespmem:s11+$0x14220] =	vst v0  }
0x29: {  	[tilespmem:s11+$0x14230] =	vst v0  }
0x2a: {  	[tilespmem:s11+$0x14240] =	vst v0  }
0x2b: {  	[tilespmem:s11+$0x14250] =	vst v0  }
0x2c: {  	[tilespmem:s11+$0x14260] =	vst v0;
	s13 =	simm.s32 $0x14200  }
0x2d: {  	[spmem:s23] =	stream.linear.scatter [tilespmem:s13], [sflag:$0x3], $0x3400, $0x38;
	[tilespmem:$0x1DE80] =	vst v63  }
0x2e: {  	_ =	swait.ge [sflag:s26], $0x3400  }
0x2f: {  	[sflag:s26] =	ssyncset.done $0x0  }
0x30: {  	s23 =	rddreg [dreg:$0x4];
	[sflag:s26] =	ssyncadd.s32 $0xFFFFCC00  }
0x31: {  	[spmem:s23] =	stream.linear.scatter [tilespmem:s13], [sflag:$0x3], $0x3400, $0x38;
	[tilespmem:$0x1DE80] =	vst v63  }
0x32: {  	_ =	swait.ge [sflag:s26], $0x3400  }
0x33: {  	[sflag:s26] =	ssyncset.done $0x0  }
0x34: {  	s11 =	simm.s32 @!p0 $0x14200;
	s13 =	rddreg [dreg:$0x5];
	[sflag:s26] =	ssyncadd.s32 $0xFFFFCC00  }
0x35: {  	[spmem:s13] =	stream.linear.scatter @!p0 [tilespmem:s11], [sflag:$0x3], $0x800, $0x38;
	[tilespmem:$0x1DE80] =	vst v63  }
0x36: {  	s11 =	simm.s32 @!p0 $0x3  }
0x37: {  	_ =	swait.ge @!p0 [sflag:s11], $0x800  }
0x38: {  	v3 =	vimm.f32 $0.0e+00;
	v1 =	vimm.f32 $0.0e+00;
	[sflag:s11] =	ssyncset.done @!p0 $0x0  }
0x39: {  	v2 =	vimm.f32 $0.0e+00;
	v5 =	vimm.f32 $0.0e+00;
	v4 =	vimm.f32 $0.0e+00;
	[sflag:s11] =	ssyncadd.s32 @!p0 $0xFFFFF800  }
0x3a: {  	s19 =	simm.s32 $0x0;
	v6 =	vimm.f32 $0.0e+00;
	v8 =	vimm.f32 $0.0e+00;
	v7 =	vimm.f32 $0.0e+00;
	s20 =	simm.s32 $0x0;
	[bflag:$0x0] =	sbarrier.arrive $0xFFFF  }
.LBB2_4:
0x3b: {  	s11 =	sshll.u32 s20, $0xC  }
0x3c: {  	s11 =	sor.u32 s15, s11  }
0x3d: {  	s13 =	sshrl.u32 s11, $0x3  }
0x3e: {  	s17 =	sadd.s32 s7, s13  }
0x3f: {  	[tilespmem:s19], [sflag:$0x3] =	stream.linear.gather [hbm4b:s17+s19], $0x80, $0x38;
	[tilespmem:$0x1DE80] =	vst v63  }
0x40: {  	_ =	swait.ge [sflag:s26], $0x80  }
0x41: {  	[sflag:s26] =	ssyncset.done $0x0  }
0x42: {  	s13 =	sadd.s32 s8, s13;
	[sflag:s26] =	ssyncadd.s32 $0xFFFFFF80  }
0x43: {  	[tilespmem:s28], [sflag:$0x3] =	stream.linear.gather [hbm4b:s13+s19], $0x80, $0x38;
	[tilespmem:$0x1DE80] =	vst v63  }
0x44: {  	_ =	swait.ge [sflag:s26], $0x80  }
0x45: {  	[sflag:s26] =	ssyncset.done $0x0  }
0x46: {  	[sflag:s26] =	ssyncadd.s32 $0xFFFFFF80  }
0x47: {  	[tilespmem:s29], [sflag:$0x1] =	stream.indirect.gather [hbm4b:s4+s28], $0x80, s28, s28, $0xb8;
	[tilespmem:$0x1DE80] =	vst v63  }
0x48: {  	s21 =	sshll.u32 s11, $0x4  }
0x49: {  	[tilespmem:s30], [sflag:$0x2] =	stream.indirect.gather [hbm4b:s5+s28], $0x80, s19, s28, $0xb8;
	[tilespmem:$0x1DE80] =	vst v63  }
0x4a: {  	s11 =	sadd.s32 s6, s21  }
0x4b: {  	[tilespmem:s31], [sflag:$0x3] =	stream.linear.gather [hbm4b:s11+s19], $0x4000, $0x38;
	[tilespmem:$0x1DE80] =	vst v63  }
0x4c: {  	_ =	swait.ge [sflag:s26], $0x4000  }
0x4d: {  	[sflag:s26] =	ssyncset.done $0x0  }
0x4e: {  	[sflag:s26] =	ssyncadd.s32 $0xFFFFC000  }
0x4f: {  	_ =	swait.ge [sflag:s0], $0x4000  }
0x50: {  	[sflag:s0] =	ssyncset.done $0x0  }
0x51: {  	[sflag:s0] =	ssyncadd.s32 $0xFFFFC000  }
0x52: {  	_ =	swait.ge [sflag:s3], $0x4000  }
0x53: {  	[sflag:s3] =	ssyncset.done $0x0  }
0x54: {  	s13 =	simm.s32 $0x0;
	[sflag:s3] =	ssyncadd.s32 $0xFFFFC000  }
0x55: {  	v9 =	vld [tilespmem:s13+$0x1B0]  }
0x56: {  	v10 =	vld [tilespmem:s13+$0x41B0];
	_ =	sdelay $0x1  }
0x57: {  	v12 =	vld [tilespmem:s13+$0x81B0]  }
0x58: {  	v11 =	vld [tilespmem:s13+$0x180]  }
0x59: {  	v13 =	vld [tilespmem:s13+$0x4180]  }
0x5a: {  	v15 =	vld [tilespmem:s13+$0x190];
	v9 =	vadd.f32 v10, v9  }
0x5b: {  	v16 =	vld [tilespmem:s13+$0x4190]  }
0x5c: {  	v18 =	vadd.f32 v12, v9;
	v9 =	vld [tilespmem:s13+$0x8180]  }
0x5d: {  	v12 =	vld [tilespmem:s13+$0x8190]  }
0x5e: {  	v17 =	vld [tilespmem:s13+$0x41A0]  }
0x5f: {  	v10 =	vld [tilespmem:s13+$0x1A0];
	v11 =	vadd.f32 v13, v11  }
0x60: {  	v15 =	vadd.f32 v16, v15  }
0x61: {  	v16 =	vadd.f32 v9, v11  }
0x62: {  	s22 =	simm.s32 $0x80;
	v19 =	vld [tilespmem:s13+$0x81A0];
	[tilespmem:s13+$0xC1B0] =	vst v18;
	v15 =	vadd.f32 v12, v15;
	v12 =	vsub.f32 $0.0e+00, v18  }
0x63: {  	v9 =	vld [tilespmem:s22+$0x1B0];
	[tilespmem:s13+$0xC180] =	vst v16  }
0x64: {  	v10 =	vadd.f32 v17, v10;
	v12 =	vmul.f32 $1.442695020e+00, v12;
	v17 =	vld [tilespmem:s22+$0x41B0]  }
0x65: {  	[tilespmem:s13+$0xC190] =	vst v15  }
0x66: {  	v20 =	vld [tilespmem:s22+$0x81B0];
	(erf) = vpow2.f32 v12;
	_ =	sdelay $0x1  }
0x67: {  	v14 =	vld [tilespmem:s13+$0x41D0];
	v19 =	vadd.f32 v19, v10  }
0x68: {  	v13 =	vld [tilespmem:s13+$0x41C0];
	v12 =	vsub.f32 $0.0e+00, v16;
	v9 =	vadd.f32 v17, v9  }
0x69: {  	v11 =	vld [tilespmem:s13+$0x41E0]  }
0x6a: {  	v10 =	vld [tilespmem:s22+$0x180];
	[tilespmem:s13+$0xC1A0] =	vst v19;
	v20 =	vadd.f32 v20, v9;
	v9 =	vmul.f32 $1.442695020e+00, v12  }
0x6b: {  	v25 =	vsub.f32 $0.0e+00, v15;
	v21 =	vld [tilespmem:s22+$0x4180]  }
0x6c: {  	v22 =	vld [tilespmem:s22+$0x190];
	v12 =	vsub.f32 $0.0e+00, v19  }
0x6d: {  	v25 =	vmul.f32 $1.442695020e+00, v25;
	v23 =	vld [tilespmem:s22+$0x4190]  }
0x6e: {  	v24 =	vld [tilespmem:s22+$0x41A0];
	v28 =	vmul.f32 $1.442695020e+00, v12;
	(erf) = vpow2.f32 v9;
	v9 =	vpop (erf)  }
0x6f: {  	v26 =	vld [tilespmem:s22+$0x8180];
	(erf) = vpow2.f32 v25;
	v9 =	vadd.f32 $1.000000000e+00, v9  }
0x70: {  	v27 =	vld [tilespmem:s22+$0x8190];
	(erf) = vpow2.f32 v28  }
0x71: {  	v17 =	vld [tilespmem:s22+$0x1A0];
	(erf) = vrcp.f32 v9  }
0x72: {  	v29 =	vld [tilespmem:s22+$0x81A0];
	v21 =	vadd.f32 v21, v10  }
0x73: {  	v10 =	vld [tilespmem:s22+$0x41D0];
	v22 =	vadd.f32 v23, v22  }
0x74: {  	[tilespmem:s22+$0xC1B0] =	vst v20;
	v12 =	vld [tilespmem:s22+$0x41C0];
	v21 =	vadd.f32 v26, v21;
	v26 =	vsub.f32 $0.0e+00, v20  }
0x75: {  	s17 =	simm.s32 $0x100;
	v31 =	vmul.f32 v18, v18;
	v22 =	vadd.f32 v27, v22;
	v23 =	vld [tilespmem:s13+$0x41F0]  }
0x76: {  	v4 =	vadd.f32 v18, v4;
	v25 =	vld [tilespmem:s17+$0x1B0];
	v17 =	vadd.f32 v24, v17;
	[tilespmem:s22+$0xC180] =	vst v21;
	v26 =	vmul.f32 $1.442695020e+00, v26  }
0x77: {  	v3 =	vadd.f32 v31, v3;
	v8 =	vadd.f32 v15, v8;
	v24 =	vld [tilespmem:s17+$0x41B0];
	[tilespmem:s22+$0xC190] =	vst v22;
	v27 =	vpop (erf)  }
0x78: {  	v15 =	vmul.f32 v15, v15;
	v17 =	vadd.f32 v29, v17;
	v57 =	vld [tilespmem:s17+$0x180];
	v58 =	vpop (erf);
	v27 =	vadd.f32 $1.000000000e+00, v27  }
0x79: {  	v33 =	vmul.f32 v16, v16;
	v7 =	vadd.f32 v16, v7;
	v30 =	vld [tilespmem:s17+$0x81B0];
	(erf) = vpow2.f32 v26;
	v32 =	vpop (erf)  }
0x7a: {  	v6 =	vadd.f32 v19, v6;
	v15 =	vadd.f32 v15, v2;
	v9 =	vld [tilespmem:s22+$0x41E0];
	[tilespmem:s22+$0xC1A0] =	vst v17;
	(erf) = vrcp.f32 v27;
	v26 =	vpop (erf)  }
0x7b: {  	v59 =	vsub.f32 $0.0e+00, v22;
	v34 =	vld [tilespmem:s17+$0x4180];
	[tilespmem:s13+$0x101F0] =	vst v26;
	v18 =	vmul.f32 v26, v23;
	v26 =	vadd.f32 $1.000000000e+00, v58  }
0x7c: {  	v2 =	vmul.f32 v21, v21;
	v60 =	vsub.f32 $0.0e+00, v17;
	v24 =	vadd.f32 v24, v25;
	v23 =	vld [tilespmem:s17+$0x190]  }
0x7d: {  	v16 =	vld [tilespmem:s17+$0x4190];
	[tilespmem:s13+$0x101B0] =	vst v18;
	v18 =	vmul.f32 v19, v19;
	v19 =	vsub.f32 $0.0e+00, v21;
	(erf) = vrcp.f32 v26  }
0x7e: {  	v5 =	vadd.f32 v33, v5;
	v29 =	vmul.f32 $1.442695020e+00, v59;
	v31 =	vmul.f32 $1.442695020e+00, v60  }
0x7f: {  	v24 =	vadd.f32 v30, v24;
	v27 =	vmul.f32 v20, v20;
	v19 =	vmul.f32 $1.442695020e+00, v19  }
0x80: {  	v20 =	vadd.f32 v20, v4;
	v4 =	vadd.f32 v17, v6;
	v6 =	vmul.f32 v17, v17  }
0x81: {  	v27 =	vadd.f32 v27, v3;
	v25 =	vld [tilespmem:s17+$0x1A0];
	v18 =	vadd.f32 v18, v1;
	(erf) = vpow2.f32 v19  }
0x82: {  	v35 =	vpop (erf);
	v26 =	vld [tilespmem:s17+$0x41A0];
	v1 =	vadd.f32 v2, v5;
	v5 =	vadd.f32 $1.000000000e+00, v32;
	(erf) = vpow2.f32 v29  }
0x83: {  	v61 =	vld [tilespmem:s17+$0x8180];
	v2 =	vadd.f32 v21, v7;
	v7 =	vmul.f32 v22, v22;
	v3 =	vpop (erf);
	(erf) = vpow2.f32 v31  }
0x84: {  	v62 =	vld [tilespmem:s17+$0x8190];
	[tilespmem:s17+$0xC1B0] =	vst v24;
	v6 =	vadd.f32 v6, v18;
	v18 =	vadd.f32 $1.000000000e+00, v35;
	(erf) = vrcp.f32 v5  }
0x85: {  	v63 =	vld [tilespmem:s17+$0x81A0];
	[tilespmem:s13+$0x101C0] =	vst v3;
	v21 =	vmul.f32 v3, v13;
	v3 =	vadd.f32 v22, v8  }
0x86: {  	v5 =	vadd.f32 v7, v15;
	v7 =	vsub.f32 $0.0e+00, v24;
	v8 =	vpop (erf);
	(erf) = vrcp.f32 v18  }
0x87: {  	v15 =	vmul.f32 v24, v24  }
0x88: {  	v16 =	vadd.f32 v16, v23;
	v22 =	vadd.f32 v34, v57;
	v19 =	vld [tilespmem:s17+$0x41C0];
	v23 =	vmul.f32 $1.442695020e+00, v7  }
0x89: {  	v13 =	vld [tilespmem:s17+$0x41D0];
	v26 =	vadd.f32 v26, v25;
	[tilespmem:s13+$0x10180] =	vst v21;
	v7 =	vadd.f32 v15, v27;
	v14 =	vmul.f32 v8, v14  }
0x8a: {  	v17 =	vld [tilespmem:s17+$0x41E0];
	v15 =	vadd.f32 v61, v22;
	[tilespmem:s13+$0x101D0] =	vst v8;
	v8 =	vadd.f32 v24, v20;
	(erf) = vpow2.f32 v23;
	v18 =	vpop (erf)  }
0x8b: {  	s11 =	simm.s32 $0x180;
	v21 =	vld [tilespmem:s22+$0x41F0];
	[tilespmem:s13+$0x10190] =	vst v14;
	v14 =	vadd.f32 v62, v16;
	v23 =	vadd.f32 $1.000000000e+00, v18;
	v25 =	vpop (erf)  }
0x8c: {  	s23 =	simm.s32 $0x800;
	v24 =	vsub.f32 $0.0e+00, v15;
	v16 =	vadd.f32 v63, v26;
	v20 =	vld [tilespmem:s11+$0x1B0];
	[tilespmem:s17+$0xC180] =	vst v15;
	v18 =	vmul.f32 v15, v15;
	v22 =	vpop (erf)  }
.LBB2_5:
0x8d: {  	p1 =	sne.s32 s23, $0xFE00;
	v26 =	vld [tilespmem:s11+$0x41B0];
	v27 =	vsub.f32 $0.0e+00, v14;
	[tilespmem:s17+$0xC190] =	vst v14;
	v31 =	vadd.f32 $1.000000000e+00, v25;
	(erf) = vrcp.f32 v23;
	v23 =	vpop (erf)  }
0x8e: {  	v22 =	vadd.f32 $1.000000000e+00, v22;
	v30 =	vmovc v19;
	v28 =	vld [tilespmem:s11+$0x180];
	v24 =	vmul.f32 $1.442695020e+00, v24;
	v29 =	vsub.f32 $0.0e+00, v16;
	[tilespmem:s13+$0x101E0] =	vst v23  }
0x8f: {  	v1 =	vadd.f32 v18, v1;
	v19 =	vld [tilespmem:s11+$0x81B0];
	v18 =	vmul.f32 $1.442695020e+00, v27;
	[tilespmem:s17+$0xC1A0] =	vst v16;
	(erf) = vrcp.f32 v31;
	v25 =	vpop (erf)  }
0x90: {  	v2 =	vadd.f32 v15, v2;
	v27 =	vld [tilespmem:s11+$0x4180];
	v29 =	vmul.f32 $1.442695020e+00, v29;
	v21 =	vmul.f32 v25, v21;
	[tilespmem:s22+$0x101F0] =	vst v25  }
0x91: {  	v3 =	vadd.f32 v14, v3;
	v23 =	vmul.f32 v23, v11;
	v11 =	vmovc v9;
	v9 =	vmovc v17;
	v25 =	vld [tilespmem:s11+$0x190];
	(erf) = vpow2.f32 v24  }
0x92: {  	v14 =	vmul.f32 v14, v14;
	v17 =	vld [tilespmem:s11+$0x4190];
	v20 =	vadd.f32 v26, v20;
	(erf) = vpow2.f32 v18;
	[tilespmem:s22+$0x101B0] =	vst v21  }
0x93: {  	v4 =	vadd.f32 v16, v4;
	v16 =	vmul.f32 v16, v16;
	v18 =	vld [tilespmem:s11+$0x1A0];
	(erf) = vpow2.f32 v29;
	v15 =	vpop (erf);
	[tilespmem:s13+$0x101A0] =	vst v23;
	s13 =	smov.u32 s22;
	s22 =	smov.u32 s17;
	s17 =	smov.u32 s11  }
0x94: {  	v21 =	vld [tilespmem:s17+$0x41A0];
	v20 =	vadd.f32 v19, v20;
	v19 =	vadd.f32 $1.000000000e+00, v15;
	(erf) = vrcp.f32 v22  }
0x95: {  	v5 =	vadd.f32 v14, v5;
	v22 =	vadd.f32 v27, v28;
	v23 =	vld [tilespmem:s17+$0x8180]  }
0x96: {  	v14 =	vld [tilespmem:s17+$0x8190];
	v24 =	vsub.f32 $0.0e+00, v20;
	[tilespmem:s17+$0xC1B0] =	vst v20;
	v26 =	vmul.f32 v20, v20;
	(erf) = vrcp.f32 v19;
	v15 =	vpop (erf)  }
0x97: {  	v6 =	vadd.f32 v16, v6;
	v25 =	vadd.f32 v17, v25;
	v27 =	vld [tilespmem:s17+$0x81A0];
	v17 =	vmul.f32 v15, v12;
	[tilespmem:s13+$0x101C0] =	vst v15  }
.Ltmp1:
0x98: {  	v8 =	vadd.f32 v20, v8;
	v19 =	vld [tilespmem:s17+$0x41C0];
	v24 =	vmul.f32 $1.442695020e+00, v24;
	v7 =	vadd.f32 v26, v7;
	v20 =	vpop (erf);
	(pc) =	sbr.rel @p1 .LBB2_5-.Ltmp1, $4  }
0x99: {  	v12 =	vmovc v30;
	v26 =	vadd.f32 v21, v18;
	[tilespmem:s13+$0x10180] =	vst v17;
	v18 =	vmul.f32 v20, v10;
	v10 =	vmov v13;
	v13 =	vld [tilespmem:s17+$0x41D0]  }
0x9a: {  	v15 =	vadd.f32 v23, v22;
	v17 =	vld [tilespmem:s17+$0x41E0];
	(erf) = vpow2.f32 v24;
	v16 =	vpop (erf);
	[tilespmem:s13+$0x101D0] =	vst v20  }
0x9b: {  	s11 =	sshra.s32 s23, $0x2;
	v14 =	vadd.f32 v14, v25;
	v23 =	vadd.f32 $1.000000000e+00, v16;
	v21 =	vld [tilespmem:s22+$0x41F0];
	v25 =	vpop (erf);
	[tilespmem:s13+$0x10190] =	vst v18  }
0x9c: {  	s23 =	sadd.s32 $0x200, s23;
	v20 =	vld [tilespmem:s11+$0x1B0];
	v24 =	vsub.f32 $0.0e+00, v15;
	[tilespmem:s17+$0xC180] =	vst v15;
	v18 =	vmul.f32 v15, v15;
	v16 =	vadd.f32 v27, v26;
	v22 =	vpop (erf)  }
0x9d: {  	v26 =	vld [tilespmem:s11+$0x41B0];
	[tilespmem:s17+$0xC190] =	vst v14;
	v27 =	vpop (erf)  }
0x9e: {  	v25 =	vadd.f32 $1.000000000e+00, v25;
	v28 =	vld [tilespmem:s11+$0x180];
	[tilespmem:s13+$0x101E0] =	vst v27  }
0x9f: {  	(erf) = vrcp.f32 v23;
	v50 =	vsub.f32 $0.0e+00, v14;
	v24 =	vmul.f32 $1.442695020e+00, v24;
	v29 =	vld [tilespmem:s11+$0x81B0];
	[tilespmem:s17+$0xC1A0] =	vst v16;
	v30 =	vpop (erf)  }
0xa0: {  	v11 =	vmul.f32 v27, v11;
	v31 =	vld [tilespmem:s11+$0x4180];
	[tilespmem:s22+$0x101F0] =	vst v30;
	v21 =	vmul.f32 v30, v21  }
0xa1: {  	(erf) = vrcp.f32 v25;
	v23 =	vmul.f32 $1.442695020e+00, v50;
	v51 =	vld [tilespmem:s11+$0x190]  }
0xa2: {  	(erf) = vpow2.f32 v24;
	v52 =	vld [tilespmem:s11+$0x4190];
	[tilespmem:s22+$0x101B0] =	vst v21  }
0xa3: {  	(erf) = vpow2.f32 v23;
	v53 =	vld [tilespmem:s11+$0x1A0];
	[tilespmem:s13+$0x101A0] =	vst v11  }
0xa4: {  	v54 =	vsub.f32 $0.0e+00, v16;
	v55 =	vld [tilespmem:s11+$0x41A0]  }
0xa5: {  	v20 =	vadd.f32 v26, v20;
	v56 =	vld [tilespmem:s11+$0x8180]  }
0xa6: {  	v21 =	vmul.f32 $1.442695020e+00, v54;
	v57 =	vld [tilespmem:s11+$0x8190]  }
0xa7: {  	v22 =	vadd.f32 $1.000000000e+00, v22;
	v58 =	vpop (erf);
	v11 =	vadd.f32 v29, v20  }
0xa8: {  	(erf) = vpow2.f32 v21;
	v59 =	vadd.f32 $1.000000000e+00, v58;
	v61 =	vld [tilespmem:s11+$0x81A0];
	v60 =	vadd.f32 v31, v28  }
0xa9: {  	(erf) = vrcp.f32 v22;
	v62 =	vsub.f32 $0.0e+00, v11;
	v63 =	vpop (erf);
	v25 =	vadd.f32 v52, v51  }
0xaa: {  	(erf) = vrcp.f32 v59;
	v33 =	vpop (erf);
	v34 =	vadd.f32 v56, v60  }
0xab: {  	v22 =	vmul.f32 $1.442695020e+00, v62;
	v23 =	vadd.f32 v55, v53;
	v35 =	vpop (erf);
	v36 =	vadd.f32 v57, v25  }
0xac: {  	v37 =	vmul.f32 v63, v12;
	v24 =	vadd.f32 $1.000000000e+00, v35;
	v38 =	vpop (erf);
	v27 =	vsub.f32 $0.0e+00, v34  }
0xad: {  	[tilespmem:s11+$0xC1B0] =	vst v11;
	(erf) = vpow2.f32 v22;
	v39 =	vadd.f32 v61, v23;
	v40 =	vadd.f32 $1.000000000e+00, v38  }
0xae: {  	[tilespmem:s22+$0x101C0] =	vst v63;
	v42 =	vsub.f32 $0.0e+00, v36;
	(erf) = vrcp.f32 v24;
	v43 =	vmul.f32 $1.442695020e+00, v27  }
0xaf: {  	v29 =	vld [tilespmem:s11+$0x41C0];
	v10 =	vmul.f32 v33, v10;
	(erf) = vrcp.f32 v40  }
0xb0: {  	v41 =	vld [tilespmem:s11+$0x41D0];
	[tilespmem:s22+$0x10180] =	vst v37;
	v45 =	vsub.f32 $0.0e+00, v39;
	v26 =	vmul.f32 $1.442695020e+00, v42;
	(erf) = vpow2.f32 v43  }
0xb1: {  	v44 =	vld [tilespmem:s11+$0x41E0];
	[tilespmem:s22+$0x101D0] =	vst v33  }
0xb2: {  	v46 =	vld [tilespmem:s17+$0x41F0];
	v25 =	vmul.f32 $1.442695020e+00, v45;
	(erf) = vpow2.f32 v26  }
0xb3: {  	[tilespmem:s22+$0x10190] =	vst v10;
	v47 =	vpop (erf)  }
0xb4: {  	[tilespmem:s11+$0xC180] =	vst v34;
	v10 =	vpop (erf);
	(erf) = vpow2.f32 v25  }
0xb5: {  	[tilespmem:s11+$0xC190] =	vst v36;
	v48 =	vpop (erf)  }
0xb6: {  	[tilespmem:s22+$0x101E0] =	vst v10;
	v26 =	vadd.f32 $1.000000000e+00, v47;
	v49 =	vpop (erf)  }
0xb7: {  	[tilespmem:s11+$0xC1A0] =	vst v39;
	v24 =	vmul.f32 v48, v46;
	v27 =	vadd.f32 $1.000000000e+00, v49;
	v50 =	vpop (erf)  }
0xb8: {  	v9 =	vmul.f32 v10, v9;
	[tilespmem:s17+$0x101F0] =	vst v48;
	(erf) = vrcp.f32 v26;
	v10 =	vpop (erf)  }
0xb9: {  	[tilespmem:s17+$0x101B0] =	vst v24;
	(erf) = vrcp.f32 v27;
	v51 =	vpop (erf)  }
0xba: {  	[tilespmem:s22+$0x101A0] =	vst v9;
	v9 =	vmul.f32 v50, v19;
	v52 =	vadd.f32 $1.000000000e+00, v51  }
0xbb: {  	[tilespmem:s17+$0x101C0] =	vst v50;
	v53 =	vpop (erf)  }
0xbc: {  	[tilespmem:s17+$0x10180] =	vst v9;
	v9 =	vadd.f32 $1.000000000e+00, v53;
	(erf) = vrcp.f32 v52  }
0xbd: {  	[tilespmem:s17+$0x101D0] =	vst v10;
	v54 =	vpop (erf)  }
0xbe: {  	v55 =	vld [tilespmem:s11+$0x41F0];
	v19 =	vadd.f32 $1.000000000e+00, v54;
	(erf) = vrcp.f32 v9;
	v9 =	vmul.f32 v10, v13;
	_ =	sdelay $0x1  }
0xbf: {  	(erf) = vrcp.f32 v19  }
0xc0: {  	v10 =	vpop (erf)  }
0xc1: {  	[tilespmem:s17+$0x10190] =	vst v9;
	v9 =	vpop (erf)  }
0xc2: {  	[tilespmem:s17+$0x101E0] =	vst v10;
	v56 =	vmul.f32 v9, v55  }
0xc3: {  	[tilespmem:s11+$0x101F0] =	vst v9;
	v9 =	vmul.f32 v10, v17  }
0xc4: {  	[tilespmem:s11+$0x101B0] =	vst v56;
	v10 =	vpop (erf)  }
0xc5: {  	[tilespmem:s17+$0x101A0] =	vst v9;
	v9 =	vmul.f32 v10, v29  }
0xc6: {  	[tilespmem:s11+$0x101C0] =	vst v10;
	v10 =	vpop (erf)  }
0xc7: {  	[tilespmem:s11+$0x10180] =	vst v9;
	v9 =	vmul.f32 v10, v41  }
0xc8: {  	[tilespmem:s11+$0x101D0] =	vst v10;
	v10 =	vpop (erf)  }
0xc9: {  	[tilespmem:s11+$0x10190] =	vst v9;
	v9 =	vmul.f32 v10, v44  }
0xca: {  	[tilespmem:s11+$0x101E0] =	vst v10  }
0xcb: {  	[tilespmem:s11+$0x101A0] =	vst v9  }
0xcc: {  	v9 =	vld [tilespmem:$0x80]  }
0xcd: {  	v10 =	vld [tilespmem:$0x90]  }
0xce: {  	v13 =	vld [tilespmem:$0xA0]  }
0xcf: {  	v57 =	vld [tilespmem:$0xB0]  }
0xd0: {  	v58 =	vld [tilespmem:$0xC0]  }
0xd1: {  	v59 =	vld [tilespmem:$0xD0];
	vm0 =	vlt.s32 v9, $0xD08  }
0xd2: {  	v60 =	vld [tilespmem:$0xE0];
	vm9 =	vlt.s32 v10, $0xD08;
	v9 =	vnsel vm0, $0xD08, v9  }
0xd3: {  	vm10 =	vlt.s32 v13, $0xD08;
	[tilespmem:$0x100] =	vst v9;
	v9 =	vnsel vm9, $0xD08, v10;
	v10 =	vld [tilespmem:$0xF0]  }
0xd4: {  	vm11 =	vlt.s32 v57, $0xD08;
	[tilespmem:$0x110] =	vst v9;
	v9 =	vnsel vm10, $0xD08, v13  }
0xd5: {  	vm12 =	vlt.s32 v58, $0xD08;
	[tilespmem:$0x120] =	vst v9;
	v9 =	vnsel vm11, $0xD08, v57  }
0xd6: {  	vm13 =	vlt.s32 v59, $0xD08;
	[tilespmem:$0x130] =	vst v9;
	v9 =	vnsel vm12, $0xD08, v58  }
0xd7: {  	vm14 =	vlt.s32 v60, $0xD08;
	[tilespmem:$0x140] =	vst v9;
	v9 =	vnsel vm13, $0xD08, v59  }
0xd8: {  	[tilespmem:$0x150] =	vst v9;
	v9 =	vnsel vm14, $0xD08, v60;
	vm15 =	vlt.s32 v10, $0xD08  }
0xd9: {  	[tilespmem:$0x160] =	vst v9;
	v9 =	vnsel vm15, $0xD08, v10  }
0xda: {  	s22 =	sadd.s32 s9, s21;
	[tilespmem:$0x170] =	vst v9  }
0xdb: {  	[hbm4b:s22+s2] =	stream.linear.scatter [tilespmem:s12], [sflag:$0x3], $0x4000, $0x38;
	[tilespmem:$0x1DE80] =	vst v63  }
0xdc: {  	_ =	swait.ge [sflag:s26], $0x4000  }
0xdd: {  	[sflag:s26] =	ssyncset.done $0x0  }
0xde: {  	s23 =	sadd.s32 s10, s21;
	[sflag:s26] =	ssyncadd.s32 $0xFFFFC000  }
0xdf: {  	v2 =	vadd.f32 v15, v2;
	[hbm4b:s23+s2] =	stream.linear.scatter [tilespmem:s16], [sflag:$0x3], $0x4000, $0x38;
	[tilespmem:$0x1DE80] =	vst v63  }
0xe0: {  	s20 =	sadd.s32 $0x1, s20;
	v1 =	vadd.f32 v18, v1;
	v61 =	vadd.f32 v16, v4;
	v9 =	vmul.f32 v14, v14;
	_ =	swait.ge [sflag:s26], $0x4000  }
0xe1: {  	p1 =	sne.s32 s20, s14;
	v62 =	vmul.f32 v34, v34;
	v10 =	vadd.f32 v14, v3;
	v3 =	vmul.f32 v16, v16;
	[sflag:s26] =	ssyncset.done $0x0  }
.Ltmp2:
0xe2: {  	v4 =	vadd.f32 v11, v8;
	v9 =	vadd.f32 v9, v5;
	v5 =	vmul.f32 v11, v11;
	[sflag:s26] =	ssyncadd.s32 $0xFFFFC000;
	(pc) =	sbr.rel @p1 .LBB2_4-.Ltmp2, $4  }
0xe3: {  	v63 =	vadd.f32 v3, v6;
	v8 =	vadd.f32 v36, v10;
	v11 =	vmul.f32 v39, v39;
	[spmem:s1] =	stream.indirect.scatter.add.f32 [tilespmem:s16], [sflag:$0x3], $0x80, s25, s28, $0xb8;
	[tilespmem:$0x1DE80] =	vst v63  }
0xe4: {  	v3 =	vadd.f32 v5, v7;
	v5 =	vadd.f32 v62, v1;
	v1 =	vmul.f32 v36, v36;
	_ =	swait.ge [sflag:s26], $0x4000  }
0xe5: {  	v6 =	vadd.f32 v39, v61;
	v7 =	vadd.f32 v34, v2;
	[sflag:s26] =	ssyncset.done $0x0  }
0xe6: {  	v2 =	vadd.f32 v1, v9;
	v1 =	vadd.f32 v11, v63;
	[sflag:s26] =	ssyncadd.s32 $0xFFFFC000  }
0xe7: {  	[tilespmem:$0x14180] =	vst v7  }
0xe8: {  	[tilespmem:$0x141C0] =	vst v5  }
0xe9: {  	[tilespmem:$0x14190] =	vst v8  }
0xea: {  	[tilespmem:$0x141A0] =	vst v6  }
0xeb: {  	[tilespmem:$0x141B0] =	vst v4  }
0xec: {  	[tilespmem:$0x141F0] =	vst v3  }
0xed: {  	[tilespmem:$0x141D0] =	vst v2  }
0xee: {  	s11 =	rddreg [dreg:$0x6];
	s13 =	simm.s32 $0x14180;
	[tilespmem:$0x141E0] =	vst v1  }
0xef: {  	[hbm4b:s11+s2] =	stream.linear.scatter [tilespmem:s13], [sflag:$0x3], $0x80, $0x38;
	[tilespmem:$0x1DE80] =	vst v63  }
0xf0: {  	_ =	swait.ge [sflag:s26], $0x80  }
0xf1: {  	[sflag:s26] =	ssyncset.done $0x0  }
0xf2: {  	[sflag:s26] =	ssyncadd.s32 $0xFFFFFF80  }
0xf3: {  	s21 =	stileid.u32;
	[bflag:$0x0] =	sbarrier.arrive $0xFFFF  }
0xf4: {  	s11 =	sshll.u32 s21, $0x6;
	s23 =	rddreg [dreg:$0x3]  }
0xf5: {  	s19 =	sor.u32 $0x1C03, s11;
	s22 =	rddreg [dreg:$0x7];
	s20 =	sshrl.u32 s23, $0x3  }
0xf6: {  	[hbm:s22], [sflag:s19] =	dma.local [spmem:s20], $0xD00  }
0xf7: {  	_ =	swait.ge [sflag:s26], $0xD00  }
0xf8: {  	[sflag:s26] =	ssyncset.done $0x0;
	s11 =	rddreg [dreg:$0x5]  }
0xf9: {  	[sflag:s26] =	ssyncadd.s32 $0xFFFFF300;
	s13 =	sshrl.u32 @!p0 s11, $0x3;
	s11 =	rddreg [dreg:$0x8]  }
0xfa: {  	[hbm:s11], [sflag:s19] =	dma.local @!p0 [spmem:s13], $0x80  }
0xfb: {  	s11 =	simm.s32 @!p0 $0x3  }
0xfc: {  	_ =	swait.ge @!p0 [sflag:s11], $0x80  }
0xfd: {  	[sflag:s11] =	ssyncset.done @!p0 $0x0  }
0xfe: {  	[sflag:s11] =	ssyncadd.s32 @!p0 $0xFFFFFF80  }
0xff: {  	[bflag:$0x0] =	sbarrier.arrive $0xFFFF  }
0x100: {  	s21 =	rddreg [dreg:$0xd]  }
0x101: {  	[tilespmem:s16], [sflag:$0x1] =	stream.linear.gather [hbm4b:s21+s2], $0x4000, $0x38;
	[tilespmem:$0x1DE80] =	vst v63  }
0x102: {  	_ = 	snop  }
0x103: {  	[tilespmem:s28], [sflag:$0x3] =	stream.linear.gather [hbm4b:s24+s2], $0x80, $0x38;
	[tilespmem:$0x1DE80] =	vst v63  }
0x104: {  	_ =	swait.ge [sflag:s26], $0x80  }
0x105: {  	[sflag:s26] =	ssyncset.done $0x0  }
0x106: {  	[sflag:s26] =	ssyncadd.s32 $0xFFFFFF80  }
0x107: {  	v1 =	vld [tilespmem:$0xF0]  }
0x108: {  	v2 =	vld [tilespmem:$0xE0]  }
0x109: {  	v3 =	vld [tilespmem:$0xB0]  }
0x10a: {  	v59 =	vld [tilespmem:$0xA0]  }
0x10b: {  	v60 =	vld [tilespmem:$0x90]  }
0x10c: {  	v61 =	vld [tilespmem:$0xC0];
	v1 =	vadd.s32 $0xFFFFF2F8, v1  }
0x10d: {  	v62 =	vld [tilespmem:$0x80];
	v2 =	vadd.s32 $0xFFFFF2F8, v2;
	v1 =	vmin.u32 v1, $0xD08  }
0x10e: {  	v63 =	vld [tilespmem:$0xD0];
	v3 =	vadd.s32 $0xFFFFF2F8, v3;
	v2 =	vmin.u32 v2, $0xD08;
	[tilespmem:$0x170] =	vst v1  }
0x10f: {  	p1 =	sne.s32 s14, $0x1;
	v3 =	vmin.u32 v3, $0xD08;
	v1 =	vadd.s32 $0xFFFFF2F8, v59;
	[tilespmem:$0x160] =	vst v2  }
.Ltmp3:
0x110: {  	v2 =	vadd.s32 $0xFFFFF2F8, v60;
	[tilespmem:$0x130] =	vst v3;
	v1 =	vmin.u32 v1, $0xD08;
	(pc) =	sbr.rel @!p1 .LBB2_9-.Ltmp3, $4  }
0x111: {  	v2 =	vmin.u32 v2, $0xD08;
	[tilespmem:$0x120] =	vst v1;
	v1 =	vadd.s32 $0xFFFFF2F8, v61  }
0x112: {  	v3 =	vadd.s32 $0xFFFFF2F8, v62;
	[tilespmem:$0x110] =	vst v2;
	v1 =	vmin.u32 v1, $0xD08  }
0x113: {  	v2 =	vmin.u32 v3, $0xD08;
	[tilespmem:$0x140] =	vst v1;
	v1 =	vadd.s32 $0xFFFFF2F8, v63  }
0x114: {  	s17 =	sadd.s32 $0xFFFFFFFF, s14;
	s22 =	smov.u32 s24;
	[tilespmem:$0x100] =	vst v2;
	v1 =	vmin.u32 v1, $0xD08  }
.LBB2_8:
0x115: {  	p2 =	sne.s32 s17, $0x1;
	[tilespmem:$0x150] =	vst v1;
	s21 =	sadd.s32 $0x10000, s21;
	s22 =	sadd.s32 $0x200, s22  }
0x116: {  	s17 =	sadd.s32 $0xFFFFFFFF, s17;
	_ =	swait.ge [sflag:s0], $0x4000  }
0x117: {  	[sflag:s0] =	ssyncset.done $0x0  }
0x118: {  	[sflag:s0] =	ssyncadd.s32 $0xFFFFC000  }
0x119: {  	[spmem:s1] =	stream.indirect.scatter.add.f32 [tilespmem:s16], [sflag:$0x3], $0x80, s25, s28, $0xb8;
	[tilespmem:$0x1DE80] =	vst v63  }
0x11a: {  	_ =	swait.ge [sflag:s26], $0x4000  }
0x11b: {  	[sflag:s26] =	ssyncset.done $0x0  }
0x11c: {  	[sflag:s26] =	ssyncadd.s32 $0xFFFFC000  }
0x11d: {  	[tilespmem:s16], [sflag:$0x1] =	stream.linear.gather [hbm4b:s21+s2], $0x4000, $0x38;
	[tilespmem:$0x1DE80] =	vst v63  }
0x11e: {  	_ = 	snop  }
0x11f: {  	[tilespmem:s28], [sflag:$0x3] =	stream.linear.gather [hbm4b:s22+s2], $0x80, $0x38;
	[tilespmem:$0x1DE80] =	vst v63  }
0x120: {  	_ =	swait.ge [sflag:s26], $0x80  }
0x121: {  	[sflag:s26] =	ssyncset.done $0x0  }
0x122: {  	[sflag:s26] =	ssyncadd.s32 $0xFFFFFF80  }
0x123: {  	v1 =	vld [tilespmem:$0xF0]  }
0x124: {  	v2 =	vld [tilespmem:$0xE0]  }
0x125: {  	v3 =	vld [tilespmem:$0xB0]  }
0x126: {  	v4 =	vld [tilespmem:$0xA0]  }
0x127: {  	v5 =	vld [tilespmem:$0x90]  }
0x128: {  	v6 =	vld [tilespmem:$0xC0];
	v1 =	vadd.s32 $0xFFFFF2F8, v1  }
0x129: {  	v7 =	vld [tilespmem:$0x80];
	v2 =	vadd.s32 $0xFFFFF2F8, v2;
	v1 =	vmin.u32 v1, $0xD08  }
0x12a: {  	v3 =	vadd.s32 $0xFFFFF2F8, v3;
	v8 =	vld [tilespmem:$0xD0];
	v2 =	vmin.u32 v2, $0xD08;
	[tilespmem:$0x170] =	vst v1  }
0x12b: {  	v1 =	vadd.s32 $0xFFFFF2F8, v4;
	v3 =	vmin.u32 v3, $0xD08;
	[tilespmem:$0x160] =	vst v2  }
.Ltmp4:
0x12c: {  	v2 =	vadd.s32 $0xFFFFF2F8, v5;
	v1 =	vmin.u32 v1, $0xD08;
	[tilespmem:$0x130] =	vst v3;
	(pc) =	sbr.rel @p2 .LBB2_8-.Ltmp4, $4  }
0x12d: {  	v2 =	vmin.u32 v2, $0xD08;
	[tilespmem:$0x120] =	vst v1;
	v1 =	vadd.s32 $0xFFFFF2F8, v6  }
0x12e: {  	v3 =	vadd.s32 $0xFFFFF2F8, v7;
	[tilespmem:$0x110] =	vst v2;
	v1 =	vmin.u32 v1, $0xD08  }
0x12f: {  	v2 =	vmin.u32 v3, $0xD08;
	[tilespmem:$0x140] =	vst v1;
	v1 =	vadd.s32 $0xFFFFF2F8, v8  }
0x130: {  	[tilespmem:$0x100] =	vst v2;
	v1 =	vmin.u32 v1, $0xD08  }
.LBB2_9:
0x131: {  	[tilespmem:$0x150] =	vst v1  }
0x132: {  	_ =	swait.ge [sflag:s0], $0x4000  }
0x133: {  	[sflag:s0] =	ssyncset.done $0x0  }
0x134: {  	[sflag:s0] =	ssyncadd.s32 $0xFFFFC000  }
0x135: {  	[spmem:s1] =	stream.indirect.scatter.add.f32 [tilespmem:s16], [sflag:$0x3], $0x80, s25, s28, $0xb8;
	[tilespmem:$0x1DE80] =	vst v63  }
0x136: {  	_ =	swait.ge [sflag:s26], $0x4000  }
0x137: {  	[sflag:s26] =	ssyncset.done $0x0  }
0x138: {  	[sflag:s26] =	ssyncadd.s32 $0xFFFFC000  }
0x139: {  	[bflag:$0x0] =	sbarrier.arrive $0xFFFF  }
0x13a: {  	s17 =	rddreg [dreg:$0x9]  }
0x13b: {  	[hbm:s17], [sflag:s19] =	dma.local [spmem:s20], $0xD00  }
0x13c: {  	_ =	swait.ge [sflag:s26], $0xD00  }
0x13d: {  	[sflag:s26] =	ssyncset.done $0x0  }
0x13e: {  	s17 =	rddreg [dreg:$0xa];
	[sflag:s26] =	ssyncadd.s32 $0xFFFFF300  }
0x13f: {  	[hbm:s17], [sflag:s19] =	dma.local @!p0 [spmem:s13], $0x80  }
.Ltmp5:
0x140: {  	_ =	swait.ge @!p0 [sflag:s11], $0x80;
	(pc) =	sbr.rel @!p1 .LBB2_12-.Ltmp5, $4  }
0x141: {  	[sflag:s11] =	ssyncset.done @!p0 $0x0  }
0x142: {  	[sflag:s11] =	ssyncadd.s32 @!p0 $0xFFFFFF80  }
0x143: {  	p2 =	por $0x0, $0x0;
	[bflag:$0x0] =	sbarrier.arrive $0xFFFF  }
0x144: {  	s17 =	sadd.s32 $0xFFFFFFFF, s14;
	s13 =	smov.u32 s24;
	s11 =	rddreg [dreg:$0xd]  }
0x145: {  	s11 =	rddreg [dreg:$0xd]  }
0x146: {  	[tilespmem:s16], [sflag:$0x1] =	stream.linear.gather [hbm4b:s11+s2], $0x4000, $0x38;
	[tilespmem:$0x1DE80] =	vst v63  }
0x147: {  	_ = 	snop  }
0x148: {  	[tilespmem:s28], [sflag:$0x3] =	stream.linear.gather [hbm4b:s24+s2], $0x80, $0x38;
	[tilespmem:$0x1DE80] =	vst v63  }
0x149: {  	_ =	swait.ge [sflag:s26], $0x80  }
0x14a: {  	[sflag:s26] =	ssyncset.done $0x0  }
0x14b: {  	[sflag:s26] =	ssyncadd.s32 $0xFFFFFF80  }
0x14c: {  	v1 =	vld [tilespmem:$0x80]  }
0x14d: {  	v2 =	vld [tilespmem:$0x90]  }
0x14e: {  	v4 =	vld [tilespmem:$0xC0]  }
0x14f: {  	v3 =	vld [tilespmem:$0xD0]  }
0x150: {  	v5 =	vld [tilespmem:$0xA0]  }
0x151: {  	v6 =	vld [tilespmem:$0xF0];
	v1 =	vadd.s32 $0xFFFFE5F0, v1  }
0x152: {  	v7 =	vld [tilespmem:$0xB0];
	v2 =	vadd.s32 $0xFFFFE5F0, v2;
	vm0 =	vlt.u32 v1, $0xD00  }
0x153: {  	v8 =	vld [tilespmem:$0xE0];
	v4 =	vadd.s32 $0xFFFFE5F0, v4;
	vm10 =	vlt.u32 v2, $0xD00;
	v1 =	vnsel vm0, $0xD08, v1  }
0x154: {  	v3 =	vadd.s32 $0xFFFFE5F0, v3;
	vm1 =	vlt.u32 v4, $0xD00;
	[tilespmem:$0x100] =	vst v1;
	v1 =	vnsel vm10, $0xD08, v2  }
0x155: {  	p1 =	sne.s32 s17, $0x1;
	vm11 =	vlt.u32 v3, $0xD00;
	v4 =	vnsel vm1, $0xD08, v4;
	[tilespmem:$0x110] =	vst v1;
	v1 =	vadd.s32 $0xFFFFE5F0, v5  }
.Ltmp6:
0x156: {  	v2 =	vnsel vm11, $0xD08, v3;
	v3 =	vadd.s32 $0xFFFFE5F0, v6;
	[tilespmem:$0x140] =	vst v4;
	vm12 =	vlt.u32 v1, $0xD00;
	(pc) =	sbr.rel @!p1 .LBB2_12-.Ltmp6, $4  }
0x157: {  	[tilespmem:$0x150] =	vst v2;
	vm13 =	vlt.u32 v3, $0xD00;
	v2 =	vadd.s32 $0xFFFFE5F0, v7;
	v1 =	vnsel vm12, $0xD08, v1  }
0x158: {  	v3 =	vnsel vm13, $0xD08, v3;
	vm14 =	vlt.u32 v2, $0xD00;
	[tilespmem:$0x120] =	vst v1;
	v1 =	vadd.s32 $0xFFFFE5F0, v8  }
0x159: {  	s13 =	sadd.s32 $0x200, s24;
	s17 =	sadd.s32 $0xFFFFFFFF, s17;
	s11 =	sadd.s32 $0x10000, s11;
	v2 =	vnsel vm14, $0xD08, v2;
	[tilespmem:$0x170] =	vst v3;
	vm15 =	vlt.u32 v1, $0xD00  }
0x15a: {  	p2 =	por $0x1, $0x1;
	s22 =	smov.u32 s13;
	s21 =	smov.u32 s11;
	[tilespmem:$0x130] =	vst v2;
	v1 =	vnsel vm15, $0xD08, v1  }
.LBB2_11:
0x15b: {  	p1 =	sne.s32 s17, $0x1;
	s21 =	sadd.s32 $0x10000, s21;
	s22 =	sadd.s32 $0x200, s22;
	[tilespmem:$0x160] =	vst v1  }
0x15c: {  	s17 =	sadd.s32 $0xFFFFFFFF, s17;
	_ =	swait.ge [sflag:s0], $0x4000  }
0x15d: {  	[sflag:s0] =	ssyncset.done $0x0  }
0x15e: {  	[sflag:s0] =	ssyncadd.s32 $0xFFFFC000  }
0x15f: {  	[spmem:s1] =	stream.indirect.scatter.add.f32 [tilespmem:s16], [sflag:$0x3], $0x80, s25, s28, $0xb8;
	[tilespmem:$0x1DE80] =	vst v63  }
0x160: {  	_ =	swait.ge [sflag:s26], $0x4000  }
0x161: {  	[sflag:s26] =	ssyncset.done $0x0  }
0x162: {  	[sflag:s26] =	ssyncadd.s32 $0xFFFFC000  }
0x163: {  	[tilespmem:s16], [sflag:$0x1] =	stream.linear.gather [hbm4b:s11+s2], $0x4000, $0x38;
	[tilespmem:$0x1DE80] =	vst v63  }
0x164: {  	s11 =	smov.u32 s21  }
0x165: {  	[tilespmem:s28], [sflag:$0x3] =	stream.linear.gather [hbm4b:s13+s2], $0x80, $0x38;
	[tilespmem:$0x1DE80] =	vst v63  }
0x166: {  	s13 =	smov.u32 s22;
	_ =	swait.ge [sflag:s26], $0x80  }
0x167: {  	[sflag:s26] =	ssyncset.done $0x0  }
0x168: {  	[sflag:s26] =	ssyncadd.s32 $0xFFFFFF80  }
0x169: {  	v1 =	vld [tilespmem:$0x90]  }
0x16a: {  	v2 =	vld [tilespmem:$0x80]  }
0x16b: {  	v3 =	vld [tilespmem:$0xD0]  }
0x16c: {  	v4 =	vld [tilespmem:$0xC0]  }
0x16d: {  	v5 =	vld [tilespmem:$0xF0]  }
0x16e: {  	v6 =	vld [tilespmem:$0xA0]  }
0x16f: {  	v2 =	vadd.s32 $0xFFFFE5F0, v2;
	v7 =	vld [tilespmem:$0xB0]  }
0x170: {  	v1 =	vadd.s32 $0xFFFFE5F0, v1;
	vm0 =	vlt.u32 v2, $0xD00;
	v3 =	vadd.s32 $0xFFFFE5F0, v3;
	v8 =	vld [tilespmem:$0xE0]  }
0x171: {  	v2 =	vnsel vm0, $0xD08, v2;
	vm0 =	vlt.u32 v1, $0xD00;
	v4 =	vadd.s32 $0xFFFFE5F0, v4  }
0x172: {  	[tilespmem:$0x100] =	vst v2;
	v1 =	vnsel vm0, $0xD08, v1;
	vm0 =	vlt.u32 v3, $0xD00;
	v2 =	vadd.s32 $0xFFFFE5F0, v5  }
0x173: {  	vm1 =	vlt.u32 v4, $0xD00;
	[tilespmem:$0x110] =	vst v1;
	v1 =	vadd.s32 $0xFFFFE5F0, v6;
	v3 =	vnsel vm0, $0xD08, v3  }
.Ltmp7:
0x174: {  	v4 =	vnsel vm1, $0xD08, v4;
	vm1 =	vlt.u32 v2, $0xD00;
	vm0 =	vlt.u32 v1, $0xD00;
	[tilespmem:$0x150] =	vst v3;
	(pc) =	sbr.rel @p1 .LBB2_11-.Ltmp7, $4  }
0x175: {  	v3 =	vadd.s32 $0xFFFFE5F0, v7;
	v2 =	vnsel vm1, $0xD08, v2;
	v1 =	vnsel vm0, $0xD08, v1;
	[tilespmem:$0x140] =	vst v4  }
0x176: {  	vm0 =	vlt.u32 v3, $0xD00;
	[tilespmem:$0x120] =	vst v1;
	v1 =	vadd.s32 $0xFFFFE5F0, v8  }
0x177: {  	v3 =	vnsel vm0, $0xD08, v3;
	vm0 =	vlt.u32 v1, $0xD00;
	[tilespmem:$0x170] =	vst v2  }
0x178: {  	[tilespmem:$0x130] =	vst v3;
	v1 =	vnsel vm0, $0xD08, v1  }
.LBB2_12:
0x179: {  	[tilespmem:$0x160] =	vst @p2 v1  }
0x17a: {  	_ =	swait.ge @p2 [sflag:s0], $0x4000  }
0x17b: {  	[sflag:s0] =	ssyncset.done @p2 $0x0  }
0x17c: {  	[sflag:s0] =	ssyncadd.s32 @p2 $0xFFFFC000  }
0x17d: {  	[spmem:s1] =	stream.indirect.scatter.add.f32 @p2 [tilespmem:s16], [sflag:$0x3], $0x80, s25, s28, $0xb8;
	[tilespmem:$0x1DE80] =	vst v63  }
0x17e: {  	_ =	swait.ge @p2 [sflag:s26], $0x4000  }
0x17f: {  	[sflag:s26] =	ssyncset.done @p2 $0x0  }
0x180: {  	[sflag:s26] =	ssyncadd.s32 @p2 $0xFFFFC000  }
0x181: {  	[tilespmem:s16], [sflag:$0x1] =	stream.linear.gather [hbm4b:s11+s2], $0x4000, $0x38;
	[tilespmem:$0x1DE80] =	vst v63  }
0x182: {  	_ = 	snop  }
0x183: {  	[tilespmem:s28], [sflag:$0x3] =	stream.linear.gather [hbm4b:s13+s2], $0x80, $0x38;
	[tilespmem:$0x1DE80] =	vst v63  }
0x184: {  	_ =	swait.ge [sflag:s26], $0x80  }
0x185: {  	[sflag:s26] =	ssyncset.done $0x0  }
0x186: {  	[sflag:s26] =	ssyncadd.s32 $0xFFFFFF80  }
0x187: {  	v1 =	vld [tilespmem:$0x80]  }
0x188: {  	v2 =	vld [tilespmem:$0x90]  }
0x189: {  	v4 =	vld [tilespmem:$0xC0]  }
0x18a: {  	v3 =	vld [tilespmem:$0xD0]  }
0x18b: {  	v5 =	vld [tilespmem:$0xA0]  }
0x18c: {  	v6 =	vld [tilespmem:$0xF0];
	v1 =	vadd.s32 $0xFFFFE5F0, v1  }
0x18d: {  	v7 =	vld [tilespmem:$0xB0];
	v2 =	vadd.s32 $0xFFFFE5F0, v2;
	vm0 =	vlt.u32 v1, $0xD00  }
0x18e: {  	v8 =	vld [tilespmem:$0xE0];
	v4 =	vadd.s32 $0xFFFFE5F0, v4;
	vm10 =	vlt.u32 v2, $0xD00;
	v1 =	vnsel vm0, $0xD08, v1  }
0x18f: {  	v3 =	vadd.s32 $0xFFFFE5F0, v3;
	vm1 =	vlt.u32 v4, $0xD00;
	[tilespmem:$0x100] =	vst v1;
	v1 =	vnsel vm10, $0xD08, v2  }
0x190: {  	vm11 =	vlt.u32 v3, $0xD00;
	v4 =	vnsel vm1, $0xD08, v4;
	[tilespmem:$0x110] =	vst v1;
	v1 =	vadd.s32 $0xFFFFE5F0, v5  }
0x191: {  	v2 =	vnsel vm11, $0xD08, v3;
	v3 =	vadd.s32 $0xFFFFE5F0, v6;
	[tilespmem:$0x140] =	vst v4;
	vm12 =	vlt.u32 v1, $0xD00  }
0x192: {  	[tilespmem:$0x150] =	vst v2;
	vm13 =	vlt.u32 v3, $0xD00;
	v2 =	vadd.s32 $0xFFFFE5F0, v7;
	v1 =	vnsel vm12, $0xD08, v1  }
0x193: {  	v3 =	vnsel vm13, $0xD08, v3;
	vm14 =	vlt.u32 v2, $0xD00;
	[tilespmem:$0x120] =	vst v1;
	v1 =	vadd.s32 $0xFFFFE5F0, v8  }
0x194: {  	v2 =	vnsel vm14, $0xD08, v2;
	[tilespmem:$0x170] =	vst v3;
	vm15 =	vlt.u32 v1, $0xD00  }
0x195: {  	[tilespmem:$0x130] =	vst v2;
	v1 =	vnsel vm15, $0xD08, v1  }
0x196: {  	[tilespmem:$0x160] =	vst v1  }
0x197: {  	_ =	swait.ge [sflag:s0], $0x4000  }
0x198: {  	[sflag:s0] =	ssyncset.done $0x0  }
0x199: {  	[sflag:s0] =	ssyncadd.s32 $0xFFFFC000  }
0x19a: {  	[spmem:s1] =	stream.indirect.scatter.add.f32 [tilespmem:s16], [sflag:$0x3], $0x80, s25, s28, $0xb8;
	[tilespmem:$0x1DE80] =	vst v63  }
0x19b: {  	_ =	swait.ge [sflag:s26], $0x4000  }
0x19c: {  	[sflag:s26] =	ssyncset.done $0x0  }
0x19d: {  	[sflag:s26] =	ssyncadd.s32 $0xFFFFC000  }
0x19e: {  	[bflag:$0x0] =	sbarrier.arrive $0xFFFF  }
0x19f: {  	s21 =	rddreg [dreg:$0xb]  }
0x1a0: {  	[hbm:s21], [sflag:s19] =	dma.local [spmem:s20], $0xD00  }
0x1a1: {  	_ =	swait.ge [sflag:s26], $0xD00  }
0x1a2: {  	s18 =	sadd.s32 $0x1, s18;
	s22 =	rddreg [dreg:$0xc]  }
0x1a3: {  	p1 =	sne.s32 s18, s22  }
.Ltmp8:
0x1a4: {  	_ = 	snop;
	(pc) =	sbr.rel @p1 .LBB2_1-.Ltmp8, $3  }
0x1a5: {  	[sflag:s26] =	ssyncset.done $0x0  }
0x1a6: {  	[sflag:s26] =	ssyncadd.s32 $0xFFFFF300  }
0x1a7: {  	[bflag:$0x0] =	sbarrier.arrive $0xFFFF;
	_ =	sdelay $0x1  }
0x1a8: {  	_ =	sfence.sel $0x180000  }
0x1a9: {  	[bflag:$0x0] =	sbarrier.arrive $0xFFFF  }
0x1aa: {  	_ =	strace $0x90000047  }
0x1ab: {  	s0 =	stileid.u32;
	[bflag:$0x2] =	sbarrier.arrive $0xFFFF  }
0x1ac: {  	p0 =	sne.s32 s0, $0x0;
	s0 =	rddreg [dreg:$0x2]  }
0x1ad: {  	s0 =	sadd.s32 @!p0 $0x100000, s0  }
0x1ae: {  	[sflag:s0] =	ssyncadd.tile.s32 @!p0 $0x1;
	_ =	shalt  }
.Lfunc_end2:
_tile_overlayer_lowered:
.L_overlay_start_2:
0x1af: {  	(tag) =	ssettag $0x2  }
0x1b0: {  	s0 =	rddreg [dreg:$0x0];
	s2 =	stileid.u32  }
0x1b1: {  	s1 =	rddreg [dreg:$0x1];
	p0 =	sne.s32 s2, $0x0  }
0x1b2: {  	s3 =	rddreg [dreg:$0x2];
	[bflag:$0x3] =	sbarrier.arrive $0xFFFF;
	s2 =	simm.s32 @!p0 $0x1C03  }
0x1b3: {  	[timem:s3], [sflag:s2] =	dma.local @!p0 [hbm:s0], s1  }
0x1b4: {  	s0 =	simm.s32 @!p0 $0x3  }
0x1b5: {  	_ =	swait.ge @!p0 [sflag:s0], s1  }
0x1b6: {  	s1 =	ssub.s32 @!p0 $0x0, s1;
	[sflag:s0] =	ssyncset.done @!p0 $0x0  }
0x1b7: {  	[sflag:s0] =	ssyncadd.s32 @!p0 s1  }
0x1b8: {  	[bflag:$0x3] =	sbarrier.arrive $0xFFFF  }
0x1b9: {  	_ =	shalt  }

</sc_bundles>
